<compile_context>
chip_gen: v7x
topology: tpu7x:2x2x1
jax: 0.10.2.dev20260603
libtpu: 0.0.44.dev20260713+nightly
codegen_flags: <defaults>
</compile_context>

<pallas_src>
import functools

import jax
import jax.numpy as jnp
from jax import lax
from jax.experimental import pallas as pl
from jax.experimental.pallas import tpu as pltpu
from jax.experimental.pallas import tpu_sc as plsc

_K = 128
_NTILES = 32
_GROWS = 16


def _mesh():
    return plsc.VectorSubcoreMesh(core_axis_name="c", subcore_axis_name="s")


def _sc_deg(dstp2d, n_pad):
    nrow_d = dstp2d.shape[0]
    per_tile = nrow_d // 32
    rows_t = n_pad // 16
    orows_t = n_pad // 128

    @functools.partial(
        pl.kernel,
        out_type=jax.ShapeDtypeStruct((2, n_pad // 8, 128), jnp.float32),
        mesh=_mesh(),
        scratch_types=[
            pltpu.VMEM_SHARED((n_pad, 16), jnp.float32),
            pltpu.VMEM((2, _K), jnp.int32),
            pltpu.VMEM((_K, 16), jnp.float32),
            pltpu.VMEM((n_pad // 16, 16), jnp.float32),
            pltpu.VMEM((n_pad // 128, 128), jnp.float32),
            pltpu.SemaphoreType.DMA,
        ],
    )
    def deg_kernel(dst_hbm, out_hbm, acc, idxd, ones_v, pbuf, obuf, sem_i):
        c = lax.axis_index("c")
        s = lax.axis_index("s")
        one16 = jnp.full((16,), 1.0, jnp.float32)
        zero16 = jnp.zeros((16,), jnp.float32)

        def fill_ones(j, carry):
            ones_v[j] = one16
            return carry

        lax.fori_loop(0, _K, fill_ones, 0)

        def fill_zero(j, carry):
            pbuf[j] = zero16
            return carry

        lax.fori_loop(0, rows_t, fill_zero, 0)
        pltpu.sync_copy(pbuf, acc.at[pl.ds(s * rows_t, rows_t)])
        base = (c * 16 + s) * per_tile
        pltpu.sync_copy(dst_hbm.at[base], idxd.at[0])
        plsc.subcore_barrier()
        pltpu.async_copy(dst_hbm.at[base + 1], idxd.at[1], sem_i)

        def body(jj, carry):
            for b in range(2):
                j = jj * 2 + b
                nb = 1 - b
                pltpu.make_async_copy(
                    dst_hbm.at[base], idxd.at[nb], sem_i).wait()
                pltpu.sync_copy(ones_v, acc.at[idxd.at[b]], add=True)
                jn = lax.rem(j + 2, per_tile)
                pltpu.async_copy(dst_hbm.at[base + jn], idxd.at[b], sem_i)
            return carry

        lax.fori_loop(0, per_tile // 2, body, 0)
        pltpu.make_async_copy(dst_hbm.at[base], idxd.at[0], sem_i).wait()
        plsc.subcore_barrier()
        pltpu.sync_copy(acc.at[pl.ds(s * rows_t, rows_t)], pbuf)

        def pack(j, carry):
            obuf[lax.div(j, 8), pl.ds(lax.rem(j, 8) * 16, 16)] = pbuf[j]
            return carry

        lax.fori_loop(0, rows_t, pack, 0)
        pltpu.sync_copy(obuf, out_hbm.at[c, pl.ds(s * orows_t, orows_t)])

    return deg_kernel(dstp2d)


def _sc_agg(y_packed, src2d, dstp2d, zeros_wide, n_pad, hh, core_split):
    nrow_d = dstp2d.shape[0]
    per_tile = nrow_d // (32 if core_split else 16)
    rows_t = n_pad // 16

    @functools.partial(
        pl.kernel,
        out_type=jax.ShapeDtypeStruct((2, n_pad, hh), jnp.float32),
        mesh=_mesh(),
        scratch_types=[
            pltpu.VMEM_SHARED((n_pad, hh), jnp.float32),
            pltpu.VMEM((2, _K), jnp.int32),
            pltpu.VMEM((2, _K), jnp.int32),
            pltpu.VMEM((2, _K, hh), jnp.float32),
            pltpu.SemaphoreType.DMA,
            pltpu.SemaphoreType.DMA,
        ],
    )
    def agg_kernel(y_hbm, src_hbm, dst_hbm, zeros_hbm, out_hbm,
                   acc, idxs, idxd, rows_v, sem_g, sem_i):
        c = lax.axis_index("c")
        s = lax.axis_index("s")
        pltpu.sync_copy(
            zeros_hbm.at[pl.ds(s * rows_t, rows_t)],
            acc.at[pl.ds(s * rows_t, rows_t)],
        )
        if core_split:
            base_s = (c * 16 + s) * per_tile
            base_d = base_s
        else:
            base_s = c * nrow_d + s * per_tile
            base_d = s * per_tile
        pltpu.sync_copy(src_hbm.at[base_s], idxs.at[0])
        pltpu.sync_copy(dst_hbm.at[base_d], idxd.at[0])
        plsc.subcore_barrier()
        pltpu.async_copy(y_hbm.at[idxs.at[0]], rows_v.at[0], sem_g)
        pltpu.async_copy(src_hbm.at[base_s + 1], idxs.at[1], sem_i)
        pltpu.async_copy(dst_hbm.at[base_d + 1], idxd.at[1], sem_i)

        def body(jj, carry):
            for b in range(2):
                j = jj * 2 + b
                nb = 1 - b
                pltpu.make_async_copy(
                    src_hbm.at[base_s], idxs.at[nb], sem_i).wait()
                pltpu.make_async_copy(
                    dst_hbm.at[base_d], idxd.at[nb], sem_i).wait()
                pltpu.make_async_copy(
                    y_hbm.at[idxs.at[b]], rows_v.at[b], sem_g).wait()
                pltpu.async_copy(
                    y_hbm.at[idxs.at[nb]], rows_v.at[nb], sem_g)
                pltpu.sync_copy(rows_v.at[b], acc.at[idxd.at[b]], add=True)
                jn = lax.rem(j + 2, per_tile)
                pltpu.async_copy(src_hbm.at[base_s + jn], idxs.at[b], sem_i)
                pltpu.async_copy(dst_hbm.at[base_d + jn], idxd.at[b], sem_i)
            return carry

        lax.fori_loop(0, per_tile // 2, body, 0)
        pltpu.make_async_copy(y_hbm.at[idxs.at[0]], rows_v.at[0], sem_g).wait()
        pltpu.make_async_copy(src_hbm.at[base_s], idxs.at[0], sem_i).wait()
        pltpu.make_async_copy(dst_hbm.at[base_d], idxd.at[0], sem_i).wait()
        plsc.subcore_barrier()
        pltpu.sync_copy(
            acc.at[pl.ds(s * rows_t, rows_t)],
            out_hbm.at[c, pl.ds(s * rows_t, rows_t)],
        )

    return agg_kernel(y_packed, src2d, dstp2d, zeros_wide)


def _dinv_of(degp_blk):
    deg = degp_blk[0, :, 0] + degp_blk[1, :, 0] + 1.0
    return lax.rsqrt(deg)


def _tc_prep1(x, W1, degp, r):
    n, d = x.shape
    h = W1.shape[1]
    hh = h // 2
    grid = (n // r,)

    def body(x_ref, w_ref, degp_ref, y1_ref):
        dinv = _dinv_of(degp_ref)
        xw = jnp.dot(x_ref[...], w_ref[...],
                     preferred_element_type=jnp.float32)
        y = xw * dinv[:, None]
        y1_ref[0] = y[:, :hh]
        y1_ref[1] = y[:, hh:]

    return pl.pallas_call(
        body,
        grid=grid,
        in_specs=[
            pl.BlockSpec((r, d), lambda i: (i, 0)),
            pl.BlockSpec((d, h), lambda i: (0, 0)),
            pl.BlockSpec((2, r, 16), lambda i: (0, i, 0)),
        ],
        out_specs=pl.BlockSpec((2, r, hh), lambda i: (0, i, 0)),
        out_shape=jax.ShapeDtypeStruct((2, n, hh), jnp.float32),
    )(x, W1, degp)


def _tc_prep2(agg1, y1, degp, b1, W2p, r):
    _, n, hh = agg1.shape
    h = 2 * hh
    cp = W2p.shape[1]
    grid = (n // r,)

    def body(agg_ref, y1_ref, degp_ref, b1_ref, w2_ref, y2_ref):
        dinv = _dinv_of(degp_ref)
        agg = jnp.concatenate([agg_ref[0], agg_ref[1]], axis=-1)
        y1b = jnp.concatenate([y1_ref[0], y1_ref[1]], axis=-1)
        hact = jnp.maximum(dinv[:, None] * (agg + y1b) + b1_ref[...], 0.0)
        y2 = jnp.dot(hact, w2_ref[...],
                     preferred_element_type=jnp.float32)
        y2_ref[...] = y2 * dinv[:, None]

    return pl.pallas_call(
        body,
        grid=grid,
        in_specs=[
            pl.BlockSpec((2, r, hh), lambda i: (0, i, 0)),
            pl.BlockSpec((2, r, hh), lambda i: (0, i, 0)),
            pl.BlockSpec((2, r, 16), lambda i: (0, i, 0)),
            pl.BlockSpec((1, h), lambda i: (0, 0)),
            pl.BlockSpec((h, cp), lambda i: (0, 0)),
        ],
        out_specs=pl.BlockSpec((r, cp), lambda i: (i, 0)),
        out_shape=jax.ShapeDtypeStruct((n, cp), jnp.float32),
    )(agg1, y1, degp, b1, W2p)


def _tc_final(agg2, y2, degp, b2p, r):
    _, npad, w = agg2.shape
    n = y2.shape[0]
    grid = (n // r,)

    def body(agg_ref, y2_ref, degp_ref, b2_ref, o_ref):
        dinv = _dinv_of(degp_ref)
        full = (dinv[:, None]
                * (agg_ref[0] + agg_ref[1] + y2_ref[...]))
        o_ref[...] = full[:, :16] + b2_ref[...]

    return pl.pallas_call(
        body,
        grid=grid,
        in_specs=[
            pl.BlockSpec((2, r, w), lambda i: (0, i, 0)),
            pl.BlockSpec((r, w), lambda i: (i, 0)),
            pl.BlockSpec((2, r, 16), lambda i: (0, i, 0)),
            pl.BlockSpec((1, 16), lambda i: (0, 0)),
        ],
        out_specs=pl.BlockSpec((r, 16), lambda i: (i, 0)),
        out_shape=jax.ShapeDtypeStruct((n, 16), jnp.float32),
    )(agg2, y2, degp, b2p)


def kernel(x, edge_index, W1, b1, W2, b2):
    n, d = x.shape
    h = W1.shape[1]
    c = W2.shape[1]
    e = edge_index.shape[1]
    hh = h // 2

    blk = _K * _NTILES
    ep = ((e + blk - 1) // blk) * blk
    p = ep - e
    pad = jnp.arange(p, dtype=jnp.int32) % _GROWS
    srcp = jnp.concatenate([edge_index[0], pad])
    dstp = jnp.concatenate([edge_index[1], pad + n])
    srcpp = jnp.concatenate([srcp, srcp + n])

    n_pad = ((n + _GROWS + 1023) // 1024) * 1024
    zeros_wide = jnp.zeros((n_pad, hh), jnp.float32)
    W2p = jnp.zeros((h, hh), jnp.float32).at[:, :c].set(W2)
    b1r = b1.reshape(1, h)
    b2p = jnp.zeros((1, 16), jnp.float32).at[0, :c].set(b2)

    r = 2000

    srcp2d = srcp.reshape(-1, _K)
    dstp2d = dstp.reshape(-1, _K)
    srcpp2d = srcpp.reshape(-1, _K)

    degp = _sc_deg(dstp2d, n_pad).reshape(2, n_pad, 16)
    y1 = _tc_prep1(x, W1, degp, r)
    y1_packed = y1.reshape(2 * n, hh)
    agg1 = _sc_agg(y1_packed, srcpp2d, dstp2d, zeros_wide, n_pad, hh, False)
    y2 = _tc_prep2(agg1, y1, degp, b1r, W2p, r)
    agg2 = _sc_agg(y2, srcp2d, dstp2d, zeros_wide, n_pad, hh, True)
    out = _tc_final(agg2, y2, degp, b2p, r)
    return out[:n, :c]

# --- scband reference (transcript-rebuilt; emitter-appended) ---
"""Pipeline reference for scband-gcn-48258252537881 (READ-ONLY COPY).

The authoritative reference and input builder live on the scoring server;
editing this copy changes nothing except your own understanding.
"""

import jax, jax.numpy as jnp
import numpy as np

N = 10000
E = 160000
D = 256
H = 256
C = 7


def gcn_conv(x, edge_index, W, b):
    # GCNConv: out = D^{-1/2} (A + I) D^{-1/2} X W + b
    n = x.shape[0]
    src = edge_index[0]
    dst = edge_index[1]
    loop = jnp.arange(n, dtype=src.dtype)
    src = jnp.concatenate([src, loop])
    dst = jnp.concatenate([dst, loop])
    deg = jnp.zeros((n,), x.dtype).at[dst].add(1.0)
    dinv = jax.lax.rsqrt(jnp.maximum(deg, 1e-12))
    norm = dinv[src] * dinv[dst]
    xw = x @ W
    msg = xw[src] * norm[:, None]
    out = jnp.zeros((n, W.shape[1]), x.dtype).at[dst].add(msg)
    return out + b


def setup_inputs(seed: int = 0):
    key = jax.random.key(seed)
    k1, k2, k3, k4, k5, k6 = jax.random.split(key, 6)
    x = jax.random.normal(k1, (N, D), dtype=jnp.float32)
    edge_index = jax.random.randint(k2, (2, E), 0, N, dtype=jnp.int32)
    W1 = jax.random.normal(k3, (D, H), dtype=jnp.float32) * (1.0 / np.sqrt(D))
    b1 = jnp.zeros((H,), dtype=jnp.float32)
    W2 = jax.random.normal(k4, (H, C), dtype=jnp.float32) * (1.0 / np.sqrt(H))
    b2 = jnp.zeros((C,), dtype=jnp.float32)
    return {"x": x, "edge_index": edge_index, "W1": W1, "b1": b1, "W2": W2, "b2": b2}


def reference(x, edge_index, W1, b1, W2, b2):
    # conv1 -> relu -> dropout(eval: identity) -> conv2
    h = gcn_conv(x, edge_index, W1, b1)
    h = jax.nn.relu(h)
    out = gcn_conv(h, edge_index, W2, b2)
    return out

if __name__ == "__main__":
    import jax
    _d = setup_inputs()
    print(jax.jit(kernel)(*tuple(_d.values())))

</pallas_src>

<mosaic_0001>
#map = affine_map<(d0, d1) -> (0, 0)>
#map1 = affine_map<(d0, d1) -> (0, 0, 0)>
module attributes {stable_mosaic.version = 14 : i64} {
  func.func @deg_kernel(%arg0: i32, %arg1: i32, %arg2: memref<1280x128xi32, #tpu.memory_space<hbm>>, %arg3: memref<2x1280x128xf32, #tpu.memory_space<hbm>>, %arg4: memref<10240x16xf32, #tpu.memory_space<vmem_shared>>, %arg5: memref<2x128xi32, #tpu.memory_space<vmem>>, %arg6: memref<128x16xf32, #tpu.memory_space<vmem>>, %arg7: memref<640x16xf32, #tpu.memory_space<vmem>>, %arg8: memref<80x128xf32, #tpu.memory_space<vmem>>, %arg9: memref<!tpu.dma_semaphore, #tpu.memory_space<semaphore_mem>>) attributes {dimension_semantics = [#tpu.dimension_semantics<core_parallel>, #tpu.dimension_semantics<subcore_parallel>], iteration_bounds = array<i64: 2, 16>, scalar_prefetch = 0 : i64, scratch_operands = 6 : i64, tpu.core_type = #tpu.core_type<sc_vector_subcore>, window_params = [{transform_indices = #map}, {transform_indices = #map1}]} {
    %broadcast_in_dim3A = arith.constant 1.000000e+00 : f32
    %broadcast_in_dim3A_0 = vector.broadcast %broadcast_in_dim3A : f32 to vector<16xf32>
    %broadcast_in_dim3A_1 = arith.constant 0.000000e+00 : f32
    %broadcast_in_dim3A_2 = vector.broadcast %broadcast_in_dim3A_1 : f32 to vector<16xf32>
    %scan3A = arith.constant 0 : i32
    %scan3A_3 = arith.constant 0 : i32
    %scan3A_4 = arith.constant 128 : i32
    %scan3A_5 = arith.addi %scan3A_3, %scan3A_4 : i32
    %scan3A_6 = arith.constant 1 : i32
    scf.for %scan3A_62 = %scan3A_3 to %scan3A_5 step %scan3A_6  : i32 {
      %swap3A = arith.index_cast %scan3A_62 : i32 to index
      %swap3A_63 = arith.constant 0 : index
      %swap3A_64 = tpu.vector_load %arg6[%swap3A, %swap3A_63] {strides = array<i32>} : memref<128x16xf32, #tpu.memory_space<vmem>>, vector<1x16xf32>,
      %swap3A_65 = vector.shape_cast %swap3A_64 : vector<1x16xf32> to vector<16xf32>
      %swap3A_66 = vector.shape_cast %broadcast_in_dim3A_0 : vector<16xf32> to vector<1x16xf32>
      tpu.vector_store %arg6[%swap3A, %swap3A_63], %swap3A_66 {strides = array<i32>} : memref<128x16xf32, #tpu.memory_space<vmem>>, vector<1x16xf32>,
    }
    %scan3A_7 = arith.constant 128 : i32
    %scan3A_8 = arith.constant 0 : i32
    %scan3A_9 = arith.constant 0 : i32
    %scan3A_10 = arith.constant 640 : i32
    %scan3A_11 = arith.addi %scan3A_9, %scan3A_10 : i32
    %scan3A_12 = arith.constant 1 : i32
    scf.for %scan3A_62 = %scan3A_9 to %scan3A_11 step %scan3A_12  : i32 {
      %swap3A = arith.index_cast %scan3A_62 : i32 to index
      %swap3A_63 = arith.constant 0 : index
      %swap3A_64 = tpu.vector_load %arg7[%swap3A, %swap3A_63] {strides = array<i32>} : memref<640x16xf32, #tpu.memory_space<vmem>>, vector<1x16xf32>,
      %swap3A_65 = vector.shape_cast %swap3A_64 : vector<1x16xf32> to vector<16xf32>
      %swap3A_66 = vector.shape_cast %broadcast_in_dim3A_2 : vector<16xf32> to vector<1x16xf32>
      tpu.vector_store %arg7[%swap3A, %swap3A_63], %swap3A_66 {strides = array<i32>} : memref<640x16xf32, #tpu.memory_space<vmem>>, vector<1x16xf32>,
    }
    %scan3A_13 = arith.constant 640 : i32
    %mul3A = arith.constant 640 : i32
    %mul3A_14 = arith.muli %arg1, %mul3A : i32
    "tpu.region"() ({
      %run_scoped3A_62 = tpu.sem_alloc : memref<!tpu.dma_semaphore, #tpu.memory_space<semaphore_mem>>
      %dma_start3A_63 = arith.constant 0 : i32
      %dma_start3A_64 = tpu.memref_slice %arg4[%mul3A_14, %dma_start3A_63] : memref<10240x16xf32, #tpu.memory_space<vmem_shared>> -> memref<640x16xf32, #tpu.memory_space<vmem_shared>>
      %dma_start3A_65 = arith.constant 0 : i32
      %dma_start3A_66 = tpu.memref_slice %arg4[%mul3A_14, %dma_start3A_65] : memref<10240x16xf32, #tpu.memory_space<vmem_shared>> -> memref<640x16xf32, #tpu.memory_space<vmem_shared>>
      tpu.enqueue_dma source(%arg7 : memref<640x16xf32, #tpu.memory_space<vmem>>) target(%dma_start3A_66 : memref<640x16xf32, #tpu.memory_space<vmem_shared>>) target_semaphore(%run_scoped3A_62 : memref<!tpu.dma_semaphore, #tpu.memory_space<semaphore_mem>>)
      %dma_wait3A_67 = arith.constant 0 : i32
      %dma_wait3A_68 = tpu.memref_slice %arg4[%mul3A_14, %dma_wait3A_67] : memref<10240x16xf32, #tpu.memory_space<vmem_shared>> -> memref<640x16xf32, #tpu.memory_space<vmem_shared>>
      %dma_wait3A_69 = arith.constant 0 : i32
      %dma_wait3A_70 = tpu.memref_slice %arg4[%mul3A_14, %dma_wait3A_69] : memref<10240x16xf32, #tpu.memory_space<vmem_shared>> -> memref<640x16xf32, #tpu.memory_space<vmem_shared>>
      tpu.wait_dma2 semaphore(%run_scoped3A_62 : memref<!tpu.dma_semaphore, #tpu.memory_space<semaphore_mem>>) src(%arg7 : memref<640x16xf32, #tpu.memory_space<vmem>>) dst(%dma_wait3A_70 : memref<640x16xf32, #tpu.memory_space<vmem_shared>>)
      tpu.yield
    }) : () -> ()
    %mul3A_15 = arith.constant 16 : i32
    %mul3A_16 = arith.muli %arg0, %mul3A_15 : i32
    %add3A = arith.addi %mul3A_16, %arg1 : i32
    %mul3A_17 = arith.constant 40 : i32
    %mul3A_18 = arith.muli %add3A, %mul3A_17 : i32
    %run_scoped3A = arith.constant 0 : i32
    "tpu.region"() ({
      %run_scoped3A_62 = tpu.sem_alloc : memref<!tpu.dma_semaphore, #tpu.memory_space<semaphore_mem>>
      %dma_start3A_63 = arith.constant 0 : i32
      %dma_start3A_64 = tpu.memref_slice %arg5[%run_scoped3A, %dma_start3A_63] : memref<2x128xi32, #tpu.memory_space<vmem>> -> memref<1x128xi32, #tpu.memory_space<vmem>>
      %dma_start3A_65 = tpu.memref_squeeze %dma_start3A_64 : memref<1x128xi32, #tpu.memory_space<vmem>> -> memref<128xi32, #tpu.memory_space<vmem>>
      %dma_start3A_66 = arith.constant 0 : i32
      %dma_start3A_67 = tpu.memref_slice %arg2[%mul3A_18, %dma_start3A_66] : memref<1280x128xi32, #tpu.memory_space<hbm>> -> memref<1x128xi32, #tpu.memory_space<hbm>>
      %dma_start3A_68 = tpu.memref_squeeze %dma_start3A_67 : memref<1x128xi32, #tpu.memory_space<hbm>> -> memref<128xi32, #tpu.memory_space<hbm>>
      %dma_start3A_69 = arith.constant 0 : i32
      %dma_start3A_70 = tpu.memref_slice %arg5[%run_scoped3A, %dma_start3A_69] : memref<2x128xi32, #tpu.memory_space<vmem>> -> memref<1x128xi32, #tpu.memory_space<vmem>>
      %dma_start3A_71 = tpu.memref_squeeze %dma_start3A_70 : memref<1x128xi32, #tpu.memory_space<vmem>> -> memref<128xi32, #tpu.memory_space<vmem>>
      %dma_start3A_72 = arith.constant 0 : i32
      %dma_start3A_73 = tpu.memref_slice %arg2[%mul3A_18, %dma_start3A_72] : memref<1280x128xi32, #tpu.memory_space<hbm>> -> memref<1x128xi32, #tpu.memory_space<hbm>>
      %dma_start3A_74 = tpu.memref_squeeze %dma_start3A_73 : memref<1x128xi32, #tpu.memory_space<hbm>> -> memref<128xi32, #tpu.memory_space<hbm>>
      tpu.enqueue_dma source(%dma_start3A_74 : memref<128xi32, #tpu.memory_space<hbm>>) target(%dma_start3A_71 : memref<128xi32, #tpu.memory_space<vmem>>) target_semaphore(%run_scoped3A_62 : memref<!tpu.dma_semaphore, #tpu.memory_space<semaphore_mem>>)
      %dma_wait3A_75 = arith.constant 0 : i32
      %dma_wait3A_76 = tpu.memref_slice %arg5[%run_scoped3A, %dma_wait3A_75] : memref<2x128xi32, #tpu.memory_space<vmem>> -> memref<1x128xi32, #tpu.memory_space<vmem>>
      %dma_wait3A_77 = tpu.memref_squeeze %dma_wait3A_76 : memref<1x128xi32, #tpu.memory_space<vmem>> -> memref<128xi32, #tpu.memory_space<vmem>>
      %dma_wait3A_78 = arith.constant 0 : i32
      %dma_wait3A_79 = tpu.memref_slice %arg2[%mul3A_18, %dma_wait3A_78] : memref<1280x128xi32, #tpu.memory_space<hbm>> -> memref<1x128xi32, #tpu.memory_space<hbm>>
      %dma_wait3A_80 = tpu.memref_squeeze %dma_wait3A_79 : memref<1x128xi32, #tpu.memory_space<hbm>> -> memref<128xi32, #tpu.memory_space<hbm>>
      %dma_wait3A_81 = arith.constant 0 : i32
      %dma_wait3A_82 = tpu.memref_slice %arg5[%run_scoped3A, %dma_wait3A_81] : memref<2x128xi32, #tpu.memory_space<vmem>> -> memref<1x128xi32, #tpu.memory_space<vmem>>
      %dma_wait3A_83 = tpu.memref_squeeze %dma_wait3A_82 : memref<1x128xi32, #tpu.memory_space<vmem>> -> memref<128xi32, #tpu.memory_space<vmem>>
      %dma_wait3A_84 = arith.constant 0 : i32
      %dma_wait3A_85 = tpu.memref_slice %arg2[%mul3A_18, %dma_wait3A_84] : memref<1280x128xi32, #tpu.memory_space<hbm>> -> memref<1x128xi32, #tpu.memory_space<hbm>>
      %dma_wait3A_86 = tpu.memref_squeeze %dma_wait3A_85 : memref<1x128xi32, #tpu.memory_space<hbm>> -> memref<128xi32, #tpu.memory_space<hbm>>
      tpu.wait_dma2 semaphore(%run_scoped3A_62 : memref<!tpu.dma_semaphore, #tpu.memory_space<semaphore_mem>>) src(%dma_wait3A_86 : memref<128xi32, #tpu.memory_space<hbm>>) dst(%dma_wait3A_83 : memref<128xi32, #tpu.memory_space<vmem>>)
      tpu.yield
    }) : () -> ()
    %barrier3A = arith.constant 0 : index
    tpu.barrier barrier_id(%barrier3A)
    %add3A_19 = arith.constant 1 : i32
    %add3A_20 = arith.addi %mul3A_18, %add3A_19 : i32
    %dma_start3A = arith.constant 1 : i32
    %dma_start3A_21 = arith.constant 0 : i32
    %dma_start3A_22 = tpu.memref_slice %arg5[%dma_start3A, %dma_start3A_21] : memref<2x128xi32, #tpu.memory_space<vmem>> -> memref<1x128xi32, #tpu.memory_space<vmem>>
    %dma_start3A_23 = tpu.memref_squeeze %dma_start3A_22 : memref<1x128xi32, #tpu.memory_space<vmem>> -> memref<128xi32, #tpu.memory_space<vmem>>
    %dma_start3A_24 = arith.constant 0 : i32
    %dma_start3A_25 = tpu.memref_slice %arg2[%add3A_20, %dma_start3A_24] : memref<1280x128xi32, #tpu.memory_space<hbm>> -> memref<1x128xi32, #tpu.memory_space<hbm>>
    %dma_start3A_26 = tpu.memref_squeeze %dma_start3A_25 : memref<1x128xi32, #tpu.memory_space<hbm>> -> memref<128xi32, #tpu.memory_space<hbm>>
    %dma_start3A_27 = arith.constant 0 : i32
    %dma_start3A_28 = tpu.memref_slice %arg5[%dma_start3A, %dma_start3A_27] : memref<2x128xi32, #tpu.memory_space<vmem>> -> memref<1x128xi32, #tpu.memory_space<vmem>>
    %dma_start3A_29 = tpu.memref_squeeze %dma_start3A_28 : memref<1x128xi32, #tpu.memory_space<vmem>> -> memref<128xi32, #tpu.memory_space<vmem>>
    %dma_start3A_30 = arith.constant 0 : i32
    %dma_start3A_31 = tpu.memref_slice %arg2[%add3A_20, %dma_start3A_30] : memref<1280x128xi32, #tpu.memory_space<hbm>> -> memref<1x128xi32, #tpu.memory_space<hbm>>
    %dma_start3A_32 = tpu.memref_squeeze %dma_start3A_31 : memref<1x128xi32, #tpu.memory_space<hbm>> -> memref<128xi32, #tpu.memory_space<hbm>>
    tpu.enqueue_dma source(%dma_start3A_32 : memref<128xi32, #tpu.memory_space<hbm>>) target(%dma_start3A_29 : memref<128xi32, #tpu.memory_space<vmem>>) target_semaphore(%arg9 : memref<!tpu.dma_semaphore, #tpu.memory_space<semaphore_mem>>)
    %scan3A_33 = arith.constant 0 : i32
    %scan3A_34 = arith.constant 0 : i32
    %scan3A_35 = arith.constant 20 : i32
    %scan3A_36 = arith.addi %scan3A_34, %scan3A_35 : i32
    %scan3A_37 = arith.constant 1 : i32
    scf.for %scan3A_62 = %scan3A_34 to %scan3A_36 step %scan3A_37  : i32 {
      %mul3A_63 = arith.constant 2 : i32
      %mul3A_64 = arith.muli %scan3A_62, %mul3A_63 : i32
      %add3A_65 = arith.constant 0 : i32
      %add3A_66 = arith.addi %mul3A_64, %add3A_65 : i32
      %dma_wait3A_67 = arith.constant 1 : i32
      %dma_wait3A_68 = arith.constant 0 : i32
      %dma_wait3A_69 = tpu.memref_slice %arg5[%dma_wait3A_67, %dma_wait3A_68] : memref<2x128xi32, #tpu.memory_space<vmem>> -> memref<1x128xi32, #tpu.memory_space<vmem>>
      %dma_wait3A_70 = tpu.memref_squeeze %dma_wait3A_69 : memref<1x128xi32, #tpu.memory_space<vmem>> -> memref<128xi32, #tpu.memory_space<vmem>>
      %dma_wait3A_71 = arith.constant 0 : i32
      %dma_wait3A_72 = tpu.memref_slice %arg2[%mul3A_18, %dma_wait3A_71] : memref<1280x128xi32, #tpu.memory_space<hbm>> -> memref<1x128xi32, #tpu.memory_space<hbm>>
      %dma_wait3A_73 = tpu.memref_squeeze %dma_wait3A_72 : memref<1x128xi32, #tpu.memory_space<hbm>> -> memref<128xi32, #tpu.memory_space<hbm>>
      %dma_wait3A_74 = arith.constant 0 : i32
      %dma_wait3A_75 = tpu.memref_slice %arg5[%dma_wait3A_67, %dma_wait3A_74] : memref<2x128xi32, #tpu.memory_space<vmem>> -> memref<1x128xi32, #tpu.memory_space<vmem>>
      %dma_wait3A_76 = tpu.memref_squeeze %dma_wait3A_75 : memref<1x128xi32, #tpu.memory_space<vmem>> -> memref<128xi32, #tpu.memory_space<vmem>>
      %dma_wait3A_77 = arith.constant 0 : i32
      %dma_wait3A_78 = tpu.memref_slice %arg2[%mul3A_18, %dma_wait3A_77] : memref<1280x128xi32, #tpu.memory_space<hbm>> -> memref<1x128xi32, #tpu.memory_space<hbm>>
      %dma_wait3A_79 = tpu.memref_squeeze %dma_wait3A_78 : memref<1x128xi32, #tpu.memory_space<hbm>> -> memref<128xi32, #tpu.memory_space<hbm>>
      tpu.wait_dma2 semaphore(%arg9 : memref<!tpu.dma_semaphore, #tpu.memory_space<semaphore_mem>>) src(%dma_wait3A_79 : memref<128xi32, #tpu.memory_space<hbm>>) dst(%dma_wait3A_76 : memref<128xi32, #tpu.memory_space<vmem>>)
      %run_scoped3A_80 = arith.constant 0 : i32
      "tpu.region"() ({
        %run_scoped3A_134 = tpu.sem_alloc : memref<!tpu.dma_semaphore, #tpu.memory_space<semaphore_mem>>
        %dma_start3A_135 = arith.constant 0 : i32
        %dma_start3A_136 = tpu.memref_slice %arg5[%run_scoped3A_80, %dma_start3A_135] : memref<2x128xi32, #tpu.memory_space<vmem>> -> memref<1x128xi32, #tpu.memory_space<vmem>>
        %dma_start3A_137 = tpu.memref_squeeze %dma_start3A_136 : memref<1x128xi32, #tpu.memory_space<vmem>> -> memref<128xi32, #tpu.memory_space<vmem>>
        %dma_start3A_138 = arith.constant 0 : i32
        %dma_start3A_139 = arith.constant 0 : i32
        %dma_start3A_140 = tpu.memref_slice %arg4[%dma_start3A_138, %dma_start3A_139] : memref<10240x16xf32, #tpu.memory_space<vmem_shared>> -> memref<10240x16xf32, #tpu.memory_space<vmem_shared>>
        tpu.enqueue_indirect_dma source(%arg6 : memref<128x16xf32, #tpu.memory_space<vmem>>) target(%dma_start3A_140 : memref<10240x16xf32, #tpu.memory_space<vmem_shared>>) offsets(%dma_start3A_137 : memref<128xi32, #tpu.memory_space<vmem>>) semaphore(%run_scoped3A_134 : memref<!tpu.dma_semaphore, #tpu.memory_space<semaphore_mem>>) {add = true}
        %dma_wait3A_141 = arith.constant 0 : i32
        %dma_wait3A_142 = tpu.memref_slice %arg5[%run_scoped3A_80, %dma_wait3A_141] : memref<2x128xi32, #tpu.memory_space<vmem>> -> memref<1x128xi32, #tpu.memory_space<vmem>>
        %dma_wait3A_143 = tpu.memref_squeeze %dma_wait3A_142 : memref<1x128xi32, #tpu.memory_space<vmem>> -> memref<128xi32, #tpu.memory_space<vmem>>
        %dma_wait3A_144 = arith.constant 0 : i32
        %dma_wait3A_145 = arith.constant 0 : i32
        %dma_wait3A_146 = tpu.memref_slice %arg4[%dma_wait3A_144, %dma_wait3A_145] : memref<10240x16xf32, #tpu.memory_space<vmem_shared>> -> memref<10240x16xf32, #tpu.memory_space<vmem_shared>>
        tpu.wait_indirect_dma semaphore(%run_scoped3A_134 : memref<!tpu.dma_semaphore, #tpu.memory_space<semaphore_mem>>) src(%arg6 : memref<128x16xf32, #tpu.memory_space<vmem>>) dst(%dma_wait3A_146 : memref<10240x16xf32, #tpu.memory_space<vmem_shared>>)
        tpu.yield
      }) : () -> ()
      %add3A_81 = arith.constant 2 : i32
      %add3A_82 = arith.addi %add3A_66, %add3A_81 : i32
      %rem3A = arith.constant 40 : i32
      %rem3A_83 = arith.remsi %add3A_82, %rem3A : i32
      %add3A_84 = arith.addi %mul3A_18, %rem3A_83 : i32
      %dma_start3A_85 = arith.constant 0 : i32
      %dma_start3A_86 = arith.constant 0 : i32
      %dma_start3A_87 = tpu.memref_slice %arg5[%dma_start3A_85, %dma_start3A_86] : memref<2x128xi32, #tpu.memory_space<vmem>> -> memref<1x128xi32, #tpu.memory_space<vmem>>
      %dma_start3A_88 = tpu.memref_squeeze %dma_start3A_87 : memref<1x128xi32, #tpu.memory_space<vmem>> -> memref<128xi32, #tpu.memory_space<vmem>>
      %dma_start3A_89 = arith.constant 0 : i32
      %dma_start3A_90 = tpu.memref_slice %arg2[%add3A_84, %dma_start3A_89] : memref<1280x128xi32, #tpu.memory_space<hbm>> -> memref<1x128xi32, #tpu.memory_space<hbm>>
      %dma_start3A_91 = tpu.memref_squeeze %dma_start3A_90 : memref<1x128xi32, #tpu.memory_space<hbm>> -> memref<128xi32, #tpu.memory_space<hbm>>
      %dma_start3A_92 = arith.constant 0 : i32
      %dma_start3A_93 = tpu.memref_slice %arg5[%dma_start3A_85, %dma_start3A_92] : memref<2x128xi32, #tpu.memory_space<vmem>> -> memref<1x128xi32, #tpu.memory_space<vmem>>
      %dma_start3A_94 = tpu.memref_squeeze %dma_start3A_93 : memref<1x128xi32, #tpu.memory_space<vmem>> -> memref<128xi32, #tpu.memory_space<vmem>>
      %dma_start3A_95 = arith.constant 0 : i32
      %dma_start3A_96 = tpu.memref_slice %arg2[%add3A_84, %dma_start3A_95] : memref<1280x128xi32, #tpu.memory_space<hbm>> -> memref<1x128xi32, #tpu.memory_space<hbm>>
      %dma_start3A_97 = tpu.memref_squeeze %dma_start3A_96 : memref<1x128xi32, #tpu.memory_space<hbm>> -> memref<128xi32, #tpu.memory_space<hbm>>
      tpu.enqueue_dma source(%dma_start3A_97 : memref<128xi32, #tpu.memory_space<hbm>>) target(%dma_start3A_94 : memref<128xi32, #tpu.memory_space<vmem>>) target_semaphore(%arg9 : memref<!tpu.dma_semaphore, #tpu.memory_space<semaphore_mem>>)
      %mul3A_98 = arith.constant 2 : i32
      %mul3A_99 = arith.muli %scan3A_62, %mul3A_98 : i32
      %add3A_100 = arith.constant 1 : i32
      %add3A_101 = arith.addi %mul3A_99, %add3A_100 : i32
      %dma_wait3A_102 = arith.constant 0 : i32
      %dma_wait3A_103 = arith.constant 0 : i32
      %dma_wait3A_104 = tpu.memref_slice %arg5[%dma_wait3A_102, %dma_wait3A_103] : memref<2x128xi32, #tpu.memory_space<vmem>> -> memref<1x128xi32, #tpu.memory_space<vmem>>
      %dma_wait3A_105 = tpu.memref_squeeze %dma_wait3A_104 : memref<1x128xi32, #tpu.memory_space<vmem>> -> memref<128xi32, #tpu.memory_space<vmem>>
      %dma_wait3A_106 = arith.constant 0 : i32
      %dma_wait3A_107 = tpu.memref_slice %arg2[%mul3A_18, %dma_wait3A_106] : memref<1280x128xi32, #tpu.memory_space<hbm>> -> memref<1x128xi32, #tpu.memory_space<hbm>>
      %dma_wait3A_108 = tpu.memref_squeeze %dma_wait3A_107 : memref<1x128xi32, #tpu.memory_space<hbm>> -> memref<128xi32, #tpu.memory_space<hbm>>
      %dma_wait3A_109 = arith.constant 0 : i32
      %dma_wait3A_110 = tpu.memref_slice %arg5[%dma_wait3A_102, %dma_wait3A_109] : memref<2x128xi32, #tpu.memory_space<vmem>> -> memref<1x128xi32, #tpu.memory_space<vmem>>
      %dma_wait3A_111 = tpu.memref_squeeze %dma_wait3A_110 : memref<1x128xi32, #tpu.memory_space<vmem>> -> memref<128xi32, #tpu.memory_space<vmem>>
      %dma_wait3A_112 = arith.constant 0 : i32
      %dma_wait3A_113 = tpu.memref_slice %arg2[%mul3A_18, %dma_wait3A_112] : memref<1280x128xi32, #tpu.memory_space<hbm>> -> memref<1x128xi32, #tpu.memory_space<hbm>>
      %dma_wait3A_114 = tpu.memref_squeeze %dma_wait3A_113 : memref<1x128xi32, #tpu.memory_space<hbm>> -> memref<128xi32, #tpu.memory_space<hbm>>
      tpu.wait_dma2 semaphore(%arg9 : memref<!tpu.dma_semaphore, #tpu.memory_space<semaphore_mem>>) src(%dma_wait3A_114 : memref<128xi32, #tpu.memory_space<hbm>>) dst(%dma_wait3A_111 : memref<128xi32, #tpu.memory_space<vmem>>)
      %run_scoped3A_115 = arith.constant 1 : i32
      "tpu.region"() ({
        %run_scoped3A_134 = tpu.sem_alloc : memref<!tpu.dma_semaphore, #tpu.memory_space<semaphore_mem>>
        %dma_start3A_135 = arith.constant 0 : i32
        %dma_start3A_136 = tpu.memref_slice %arg5[%run_scoped3A_115, %dma_start3A_135] : memref<2x128xi32, #tpu.memory_space<vmem>> -> memref<1x128xi32, #tpu.memory_space<vmem>>
        %dma_start3A_137 = tpu.memref_squeeze %dma_start3A_136 : memref<1x128xi32, #tpu.memory_space<vmem>> -> memref<128xi32, #tpu.memory_space<vmem>>
        %dma_start3A_138 = arith.constant 0 : i32
        %dma_start3A_139 = arith.constant 0 : i32
        %dma_start3A_140 = tpu.memref_slice %arg4[%dma_start3A_138, %dma_start3A_139] : memref<10240x16xf32, #tpu.memory_space<vmem_shared>> -> memref<10240x16xf32, #tpu.memory_space<vmem_shared>>
        tpu.enqueue_indirect_dma source(%arg6 : memref<128x16xf32, #tpu.memory_space<vmem>>) target(%dma_start3A_140 : memref<10240x16xf32, #tpu.memory_space<vmem_shared>>) offsets(%dma_start3A_137 : memref<128xi32, #tpu.memory_space<vmem>>) semaphore(%run_scoped3A_134 : memref<!tpu.dma_semaphore, #tpu.memory_space<semaphore_mem>>) {add = true}
        %dma_wait3A_141 = arith.constant 0 : i32
        %dma_wait3A_142 = tpu.memref_slice %arg5[%run_scoped3A_115, %dma_wait3A_141] : memref<2x128xi32, #tpu.memory_space<vmem>> -> memref<1x128xi32, #tpu.memory_space<vmem>>
        %dma_wait3A_143 = tpu.memref_squeeze %dma_wait3A_142 : memref<1x128xi32, #tpu.memory_space<vmem>> -> memref<128xi32, #tpu.memory_space<vmem>>
        %dma_wait3A_144 = arith.constant 0 : i32
        %dma_wait3A_145 = arith.constant 0 : i32
        %dma_wait3A_146 = tpu.memref_slice %arg4[%dma_wait3A_144, %dma_wait3A_145] : memref<10240x16xf32, #tpu.memory_space<vmem_shared>> -> memref<10240x16xf32, #tpu.memory_space<vmem_shared>>
        tpu.wait_indirect_dma semaphore(%run_scoped3A_134 : memref<!tpu.dma_semaphore, #tpu.memory_space<semaphore_mem>>) src(%arg6 : memref<128x16xf32, #tpu.memory_space<vmem>>) dst(%dma_wait3A_146 : memref<10240x16xf32, #tpu.memory_space<vmem_shared>>)
        tpu.yield
      }) : () -> ()
      %add3A_116 = arith.constant 2 : i32
      %add3A_117 = arith.addi %add3A_101, %add3A_116 : i32
      %rem3A_118 = arith.constant 40 : i32
      %rem3A_119 = arith.remsi %add3A_117, %rem3A_118 : i32
      %add3A_120 = arith.addi %mul3A_18, %rem3A_119 : i32
      %dma_start3A_121 = arith.constant 1 : i32
      %dma_start3A_122 = arith.constant 0 : i32
      %dma_start3A_123 = tpu.memref_slice %arg5[%dma_start3A_121, %dma_start3A_122] : memref<2x128xi32, #tpu.memory_space<vmem>> -> memref<1x128xi32, #tpu.memory_space<vmem>>
      %dma_start3A_124 = tpu.memref_squeeze %dma_start3A_123 : memref<1x128xi32, #tpu.memory_space<vmem>> -> memref<128xi32, #tpu.memory_space<vmem>>
      %dma_start3A_125 = arith.constant 0 : i32
      %dma_start3A_126 = tpu.memref_slice %arg2[%add3A_120, %dma_start3A_125] : memref<1280x128xi32, #tpu.memory_space<hbm>> -> memref<1x128xi32, #tpu.memory_space<hbm>>
      %dma_start3A_127 = tpu.memref_squeeze %dma_start3A_126 : memref<1x128xi32, #tpu.memory_space<hbm>> -> memref<128xi32, #tpu.memory_space<hbm>>
      %dma_start3A_128 = arith.constant 0 : i32
      %dma_start3A_129 = tpu.memref_slice %arg5[%dma_start3A_121, %dma_start3A_128] : memref<2x128xi32, #tpu.memory_space<vmem>> -> memref<1x128xi32, #tpu.memory_space<vmem>>
      %dma_start3A_130 = tpu.memref_squeeze %dma_start3A_129 : memref<1x128xi32, #tpu.memory_space<vmem>> -> memref<128xi32, #tpu.memory_space<vmem>>
      %dma_start3A_131 = arith.constant 0 : i32
      %dma_start3A_132 = tpu.memref_slice %arg2[%add3A_120, %dma_start3A_131] : memref<1280x128xi32, #tpu.memory_space<hbm>> -> memref<1x128xi32, #tpu.memory_space<hbm>>
      %dma_start3A_133 = tpu.memref_squeeze %dma_start3A_132 : memref<1x128xi32, #tpu.memory_space<hbm>> -> memref<128xi32, #tpu.memory_space<hbm>>
      tpu.enqueue_dma source(%dma_start3A_133 : memref<128xi32, #tpu.memory_space<hbm>>) target(%dma_start3A_130 : memref<128xi32, #tpu.memory_space<vmem>>) target_semaphore(%arg9 : memref<!tpu.dma_semaphore, #tpu.memory_space<semaphore_mem>>)
    }
    %scan3A_38 = arith.constant 20 : i32
    %dma_wait3A = arith.constant 0 : i32
    %dma_wait3A_39 = arith.constant 0 : i32
    %dma_wait3A_40 = tpu.memref_slice %arg5[%dma_wait3A, %dma_wait3A_39] : memref<2x128xi32, #tpu.memory_space<vmem>> -> memref<1x128xi32, #tpu.memory_space<vmem>>
    %dma_wait3A_41 = tpu.memref_squeeze %dma_wait3A_40 : memref<1x128xi32, #tpu.memory_space<vmem>> -> memref<128xi32, #tpu.memory_space<vmem>>
    %dma_wait3A_42 = arith.constant 0 : i32
    %dma_wait3A_43 = tpu.memref_slice %arg2[%mul3A_18, %dma_wait3A_42] : memref<1280x128xi32, #tpu.memory_space<hbm>> -> memref<1x128xi32, #tpu.memory_space<hbm>>
    %dma_wait3A_44 = tpu.memref_squeeze %dma_wait3A_43 : memref<1x128xi32, #tpu.memory_space<hbm>> -> memref<128xi32, #tpu.memory_space<hbm>>
    %dma_wait3A_45 = arith.constant 0 : i32
    %dma_wait3A_46 = tpu.memref_slice %arg5[%dma_wait3A, %dma_wait3A_45] : memref<2x128xi32, #tpu.memory_space<vmem>> -> memref<1x128xi32, #tpu.memory_space<vmem>>
    %dma_wait3A_47 = tpu.memref_squeeze %dma_wait3A_46 : memref<1x128xi32, #tpu.memory_space<vmem>> -> memref<128xi32, #tpu.memory_space<vmem>>
    %dma_wait3A_48 = arith.constant 0 : i32
    %dma_wait3A_49 = tpu.memref_slice %arg2[%mul3A_18, %dma_wait3A_48] : memref<1280x128xi32, #tpu.memory_space<hbm>> -> memref<1x128xi32, #tpu.memory_space<hbm>>
    %dma_wait3A_50 = tpu.memref_squeeze %dma_wait3A_49 : memref<1x128xi32, #tpu.memory_space<hbm>> -> memref<128xi32, #tpu.memory_space<hbm>>
    tpu.wait_dma2 semaphore(%arg9 : memref<!tpu.dma_semaphore, #tpu.memory_space<semaphore_mem>>) src(%dma_wait3A_50 : memref<128xi32, #tpu.memory_space<hbm>>) dst(%dma_wait3A_47 : memref<128xi32, #tpu.memory_space<vmem>>)
    %barrier3A_51 = arith.constant 0 : index
    tpu.barrier barrier_id(%barrier3A_51)
    %mul3A_52 = arith.constant 640 : i32
    %mul3A_53 = arith.muli %arg1, %mul3A_52 : i32
    "tpu.region"() ({
      %run_scoped3A_62 = tpu.sem_alloc : memref<!tpu.dma_semaphore, #tpu.memory_space<semaphore_mem>>
      %dma_start3A_63 = arith.constant 0 : i32
      %dma_start3A_64 = tpu.memref_slice %arg4[%mul3A_53, %dma_start3A_63] : memref<10240x16xf32, #tpu.memory_space<vmem_shared>> -> memref<640x16xf32, #tpu.memory_space<vmem_shared>>
      %dma_start3A_65 = arith.constant 0 : i32
      %dma_start3A_66 = tpu.memref_slice %arg4[%mul3A_53, %dma_start3A_65] : memref<10240x16xf32, #tpu.memory_space<vmem_shared>> -> memref<640x16xf32, #tpu.memory_space<vmem_shared>>
      tpu.enqueue_dma source(%dma_start3A_66 : memref<640x16xf32, #tpu.memory_space<vmem_shared>>) target(%arg7 : memref<640x16xf32, #tpu.memory_space<vmem>>) target_semaphore(%run_scoped3A_62 : memref<!tpu.dma_semaphore, #tpu.memory_space<semaphore_mem>>)
      %dma_wait3A_67 = arith.constant 0 : i32
      %dma_wait3A_68 = tpu.memref_slice %arg4[%mul3A_53, %dma_wait3A_67] : memref<10240x16xf32, #tpu.memory_space<vmem_shared>> -> memref<640x16xf32, #tpu.memory_space<vmem_shared>>
      %dma_wait3A_69 = arith.constant 0 : i32
      %dma_wait3A_70 = tpu.memref_slice %arg4[%mul3A_53, %dma_wait3A_69] : memref<10240x16xf32, #tpu.memory_space<vmem_shared>> -> memref<640x16xf32, #tpu.memory_space<vmem_shared>>
      tpu.wait_dma2 semaphore(%run_scoped3A_62 : memref<!tpu.dma_semaphore, #tpu.memory_space<semaphore_mem>>) src(%dma_wait3A_70 : memref<640x16xf32, #tpu.memory_space<vmem_shared>>) dst(%arg7 : memref<640x16xf32, #tpu.memory_space<vmem>>)
      tpu.yield
    }) : () -> ()
    %scan3A_54 = arith.constant 0 : i32
    %scan3A_55 = arith.constant 0 : i32
    %scan3A_56 = arith.constant 640 : i32
    %scan3A_57 = arith.addi %scan3A_55, %scan3A_56 : i32
    %scan3A_58 = arith.constant 1 : i32
    scf.for %scan3A_62 = %scan3A_55 to %scan3A_57 step %scan3A_58  : i32 {
      %get3A = arith.index_cast %scan3A_62 : i32 to index
      %get3A_63 = arith.constant 0 : index
      %get3A_64 = tpu.vector_load %arg7[%get3A, %get3A_63] {strides = array<i32>} : memref<640x16xf32, #tpu.memory_space<vmem>>, vector<1x16xf32>,
      %get3A_65 = vector.shape_cast %get3A_64 : vector<1x16xf32> to vector<16xf32>
      %div3A = arith.constant 8 : i32
      %div3A_66 = arith.divsi %scan3A_62, %div3A : i32
      %rem3A = arith.constant 8 : i32
      %rem3A_67 = arith.remsi %scan3A_62, %rem3A : i32
      %mul3A_68 = arith.constant 16 : i32
      %mul3A_69 = arith.muli %rem3A_67, %mul3A_68 : i32
      %swap3A = arith.index_cast %div3A_66 : i32 to index
      %swap3A_70 = arith.index_cast %mul3A_69 : i32 to index
      %swap3A_71 = tpu.vector_load %arg8[%swap3A, %swap3A_70] {strides = array<i32>} : memref<80x128xf32, #tpu.memory_space<vmem>>, vector<1x16xf32>,
      %swap3A_72 = vector.shape_cast %swap3A_71 : vector<1x16xf32> to vector<16xf32>
      %swap3A_73 = vector.shape_cast %get3A_65 : vector<16xf32> to vector<1x16xf32>
      tpu.vector_store %arg8[%swap3A, %swap3A_70], %swap3A_73 {strides = array<i32>} : memref<80x128xf32, #tpu.memory_space<vmem>>, vector<1x16xf32>,
    }
    %scan3A_59 = arith.constant 640 : i32
    %mul3A_60 = arith.constant 80 : i32
    %mul3A_61 = arith.muli %arg1, %mul3A_60 : i32
    "tpu.region"() ({
      %run_scoped3A_62 = tpu.sem_alloc : memref<!tpu.dma_semaphore, #tpu.memory_space<semaphore_mem>>
      %dma_start3A_63 = arith.constant 0 : i32
      %dma_start3A_64 = tpu.memref_slice %arg3[%arg0, %mul3A_61, %dma_start3A_63] : memref<2x1280x128xf32, #tpu.memory_space<hbm>> -> memref<1x80x128xf32, #tpu.memory_space<hbm>>
      %dma_start3A_65 = tpu.memref_squeeze %dma_start3A_64 : memref<1x80x128xf32, #tpu.memory_space<hbm>> -> memref<80x128xf32, #tpu.memory_space<hbm>>
      %dma_start3A_66 = arith.constant 0 : i32
      %dma_start3A_67 = tpu.memref_slice %arg3[%arg0, %mul3A_61, %dma_start3A_66] : memref<2x1280x128xf32, #tpu.memory_space<hbm>> -> memref<1x80x128xf32, #tpu.memory_space<hbm>>
      %dma_start3A_68 = tpu.memref_squeeze %dma_start3A_67 : memref<1x80x128xf32, #tpu.memory_space<hbm>> -> memref<80x128xf32, #tpu.memory_space<hbm>>
      tpu.enqueue_dma source(%arg8 : memref<80x128xf32, #tpu.memory_space<vmem>>) target(%dma_start3A_68 : memref<80x128xf32, #tpu.memory_space<hbm>>) target_semaphore(%run_scoped3A_62 : memref<!tpu.dma_semaphore, #tpu.memory_space<semaphore_mem>>)
      %dma_wait3A_69 = arith.constant 0 : i32
      %dma_wait3A_70 = tpu.memref_slice %arg3[%arg0, %mul3A_61, %dma_wait3A_69] : memref<2x1280x128xf32, #tpu.memory_space<hbm>> -> memref<1x80x128xf32, #tpu.memory_space<hbm>>
      %dma_wait3A_71 = tpu.memref_squeeze %dma_wait3A_70 : memref<1x80x128xf32, #tpu.memory_space<hbm>> -> memref<80x128xf32, #tpu.memory_space<hbm>>
      %dma_wait3A_72 = arith.constant 0 : i32
      %dma_wait3A_73 = tpu.memref_slice %arg3[%arg0, %mul3A_61, %dma_wait3A_72] : memref<2x1280x128xf32, #tpu.memory_space<hbm>> -> memref<1x80x128xf32, #tpu.memory_space<hbm>>
      %dma_wait3A_74 = tpu.memref_squeeze %dma_wait3A_73 : memref<1x80x128xf32, #tpu.memory_space<hbm>> -> memref<80x128xf32, #tpu.memory_space<hbm>>
      tpu.wait_dma2 semaphore(%run_scoped3A_62 : memref<!tpu.dma_semaphore, #tpu.memory_space<semaphore_mem>>) src(%arg8 : memref<80x128xf32, #tpu.memory_space<vmem>>) dst(%dma_wait3A_74 : memref<80x128xf32, #tpu.memory_space<hbm>>)
      tpu.yield
    }) : () -> ()
    return
  }
}

#map = affine_map<(d0, d1) -> (0, 0)>
#map1 = affine_map<(d0, d1) -> (0, 0, 0)>
module attributes {stable_mosaic.version = 14 : i64} {
  func.func @agg_kernel(%arg0: i32, %arg1: i32, %arg2: memref<10240x128xf32, #tpu.memory_space<hbm>>, %arg3: memref<1280x128xi32, #tpu.memory_space<hbm>>, %arg4: memref<1280x128xi32, #tpu.memory_space<hbm>>, %arg5: memref<10240x128xf32, #tpu.memory_space<hbm>>, %arg6: memref<2x10240x128xf32, #tpu.memory_space<hbm>>, %arg7: memref<10240x128xf32, #tpu.memory_space<vmem_shared>>, %arg8: memref<2x128xi32, #tpu.memory_space<vmem>>, %arg9: memref<2x128xi32, #tpu.memory_space<vmem>>, %arg10: memref<2x128x128xf32, #tpu.memory_space<vmem>>, %arg11: memref<!tpu.dma_semaphore, #tpu.memory_space<semaphore_mem>>, %arg12: memref<!tpu.dma_semaphore, #tpu.memory_space<semaphore_mem>>) attributes {dimension_semantics = [#tpu.dimension_semantics<core_parallel>, #tpu.dimension_semantics<subcore_parallel>], iteration_bounds = array<i64: 2, 16>, scalar_prefetch = 0 : i64, scratch_operands = 6 : i64, tpu.core_type = #tpu.core_type<sc_vector_subcore>, window_params = [{transform_indices = #map}, {transform_indices = #map}, {transform_indices = #map}, {transform_indices = #map}, {transform_indices = #map1}]} {
    %mul3A = arith.constant 640 : i32
    %mul3A_0 = arith.muli %arg1, %mul3A : i32
    %mul3A_1 = arith.constant 640 : i32
    %mul3A_2 = arith.muli %arg1, %mul3A_1 : i32
    "tpu.region"() ({
      %run_scoped3A_96 = tpu.sem_alloc : memref<!tpu.dma_semaphore, #tpu.memory_space<semaphore_mem>>
      %dma_start3A_97 = arith.constant 0 : i32
      %dma_start3A_98 = tpu.memref_slice %arg7[%mul3A_2, %dma_start3A_97] : memref<10240x128xf32, #tpu.memory_space<vmem_shared>> -> memref<640x128xf32, #tpu.memory_space<vmem_shared>>
      %dma_start3A_99 = arith.constant 0 : i32
      %dma_start3A_100 = tpu.memref_slice %arg5[%mul3A_0, %dma_start3A_99] : memref<10240x128xf32, #tpu.memory_space<hbm>> -> memref<640x128xf32, #tpu.memory_space<hbm>>
      tpu.enqueue_dma source(%dma_start3A_100 : memref<640x128xf32, #tpu.memory_space<hbm>>) target(%dma_start3A_98 : memref<640x128xf32, #tpu.memory_space<vmem_shared>>) target_semaphore(%run_scoped3A_96 : memref<!tpu.dma_semaphore, #tpu.memory_space<semaphore_mem>>)
      %dma_wait3A_101 = arith.constant 0 : i32
      %dma_wait3A_102 = tpu.memref_slice %arg7[%mul3A_2, %dma_wait3A_101] : memref<10240x128xf32, #tpu.memory_space<vmem_shared>> -> memref<640x128xf32, #tpu.memory_space<vmem_shared>>
      %dma_wait3A_103 = arith.constant 0 : i32
      %dma_wait3A_104 = tpu.memref_slice %arg5[%mul3A_0, %dma_wait3A_103] : memref<10240x128xf32, #tpu.memory_space<hbm>> -> memref<640x128xf32, #tpu.memory_space<hbm>>
      tpu.wait_dma2 semaphore(%run_scoped3A_96 : memref<!tpu.dma_semaphore, #tpu.memory_space<semaphore_mem>>) src(%dma_wait3A_104 : memref<640x128xf32, #tpu.memory_space<hbm>>) dst(%dma_wait3A_102 : memref<640x128xf32, #tpu.memory_space<vmem_shared>>)
      tpu.yield
    }) : () -> ()
    %mul3A_3 = arith.constant 16 : i32
    %mul3A_4 = arith.muli %arg0, %mul3A_3 : i32
    %add3A = arith.addi %mul3A_4, %arg1 : i32
    %mul3A_5 = arith.constant 40 : i32
    %mul3A_6 = arith.muli %add3A, %mul3A_5 : i32
    %run_scoped3A = arith.constant 0 : i32
    "tpu.region"() ({
      %run_scoped3A_96 = tpu.sem_alloc : memref<!tpu.dma_semaphore, #tpu.memory_space<semaphore_mem>>
      %dma_start3A_97 = arith.constant 0 : i32
      %dma_start3A_98 = tpu.memref_slice %arg8[%run_scoped3A, %dma_start3A_97] : memref<2x128xi32, #tpu.memory_space<vmem>> -> memref<1x128xi32, #tpu.memory_space<vmem>>
      %dma_start3A_99 = tpu.memref_squeeze %dma_start3A_98 : memref<1x128xi32, #tpu.memory_space<vmem>> -> memref<128xi32, #tpu.memory_space<vmem>>
      %dma_start3A_100 = arith.constant 0 : i32
      %dma_start3A_101 = tpu.memref_slice %arg3[%mul3A_6, %dma_start3A_100] : memref<1280x128xi32, #tpu.memory_space<hbm>> -> memref<1x128xi32, #tpu.memory_space<hbm>>
      %dma_start3A_102 = tpu.memref_squeeze %dma_start3A_101 : memref<1x128xi32, #tpu.memory_space<hbm>> -> memref<128xi32, #tpu.memory_space<hbm>>
      %dma_start3A_103 = arith.constant 0 : i32
      %dma_start3A_104 = tpu.memref_slice %arg8[%run_scoped3A, %dma_start3A_103] : memref<2x128xi32, #tpu.memory_space<vmem>> -> memref<1x128xi32, #tpu.memory_space<vmem>>
      %dma_start3A_105 = tpu.memref_squeeze %dma_start3A_104 : memref<1x128xi32, #tpu.memory_space<vmem>> -> memref<128xi32, #tpu.memory_space<vmem>>
      %dma_start3A_106 = arith.constant 0 : i32
      %dma_start3A_107 = tpu.memref_slice %arg3[%mul3A_6, %dma_start3A_106] : memref<1280x128xi32, #tpu.memory_space<hbm>> -> memref<1x128xi32, #tpu.memory_space<hbm>>
      %dma_start3A_108 = tpu.memref_squeeze %dma_start3A_107 : memref<1x128xi32, #tpu.memory_space<hbm>> -> memref<128xi32, #tpu.memory_space<hbm>>
      tpu.enqueue_dma source(%dma_start3A_108 : memref<128xi32, #tpu.memory_space<hbm>>) target(%dma_start3A_105 : memref<128xi32, #tpu.memory_space<vmem>>) target_semaphore(%run_scoped3A_96 : memref<!tpu.dma_semaphore, #tpu.memory_space<semaphore_mem>>)
      %dma_wait3A_109 = arith.constant 0 : i32
      %dma_wait3A_110 = tpu.memref_slice %arg8[%run_scoped3A, %dma_wait3A_109] : memref<2x128xi32, #tpu.memory_space<vmem>> -> memref<1x128xi32, #tpu.memory_space<vmem>>
      %dma_wait3A_111 = tpu.memref_squeeze %dma_wait3A_110 : memref<1x128xi32, #tpu.memory_space<vmem>> -> memref<128xi32, #tpu.memory_space<vmem>>
      %dma_wait3A_112 = arith.constant 0 : i32
      %dma_wait3A_113 = tpu.memref_slice %arg3[%mul3A_6, %dma_wait3A_112] : memref<1280x128xi32, #tpu.memory_space<hbm>> -> memref<1x128xi32, #tpu.memory_space<hbm>>
      %dma_wait3A_114 = tpu.memref_squeeze %dma_wait3A_113 : memref<1x128xi32, #tpu.memory_space<hbm>> -> memref<128xi32, #tpu.memory_space<hbm>>
      %dma_wait3A_115 = arith.constant 0 : i32
      %dma_wait3A_116 = tpu.memref_slice %arg8[%run_scoped3A, %dma_wait3A_115] : memref<2x128xi32, #tpu.memory_space<vmem>> -> memref<1x128xi32, #tpu.memory_space<vmem>>
      %dma_wait3A_117 = tpu.memref_squeeze %dma_wait3A_116 : memref<1x128xi32, #tpu.memory_space<vmem>> -> memref<128xi32, #tpu.memory_space<vmem>>
      %dma_wait3A_118 = arith.constant 0 : i32
      %dma_wait3A_119 = tpu.memref_slice %arg3[%mul3A_6, %dma_wait3A_118] : memref<1280x128xi32, #tpu.memory_space<hbm>> -> memref<1x128xi32, #tpu.memory_space<hbm>>
      %dma_wait3A_120 = tpu.memref_squeeze %dma_wait3A_119 : memref<1x128xi32, #tpu.memory_space<hbm>> -> memref<128xi32, #tpu.memory_space<hbm>>
      tpu.wait_dma2 semaphore(%run_scoped3A_96 : memref<!tpu.dma_semaphore, #tpu.memory_space<semaphore_mem>>) src(%dma_wait3A_120 : memref<128xi32, #tpu.memory_space<hbm>>) dst(%dma_wait3A_117 : memref<128xi32, #tpu.memory_space<vmem>>)
      tpu.yield
    }) : () -> ()
    %run_scoped3A_7 = arith.constant 0 : i32
    "tpu.region"() ({
      %run_scoped3A_96 = tpu.sem_alloc : memref<!tpu.dma_semaphore, #tpu.memory_space<semaphore_mem>>
      %dma_start3A_97 = arith.constant 0 : i32
      %dma_start3A_98 = tpu.memref_slice %arg9[%run_scoped3A_7, %dma_start3A_97] : memref<2x128xi32, #tpu.memory_space<vmem>> -> memref<1x128xi32, #tpu.memory_space<vmem>>
      %dma_start3A_99 = tpu.memref_squeeze %dma_start3A_98 : memref<1x128xi32, #tpu.memory_space<vmem>> -> memref<128xi32, #tpu.memory_space<vmem>>
      %dma_start3A_100 = arith.constant 0 : i32
      %dma_start3A_101 = tpu.memref_slice %arg4[%mul3A_6, %dma_start3A_100] : memref<1280x128xi32, #tpu.memory_space<hbm>> -> memref<1x128xi32, #tpu.memory_space<hbm>>
      %dma_start3A_102 = tpu.memref_squeeze %dma_start3A_101 : memref<1x128xi32, #tpu.memory_space<hbm>> -> memref<128xi32, #tpu.memory_space<hbm>>
      %dma_start3A_103 = arith.constant 0 : i32
      %dma_start3A_104 = tpu.memref_slice %arg9[%run_scoped3A_7, %dma_start3A_103] : memref<2x128xi32, #tpu.memory_space<vmem>> -> memref<1x128xi32, #tpu.memory_space<vmem>>
      %dma_start3A_105 = tpu.memref_squeeze %dma_start3A_104 : memref<1x128xi32, #tpu.memory_space<vmem>> -> memref<128xi32, #tpu.memory_space<vmem>>
      %dma_start3A_106 = arith.constant 0 : i32
      %dma_start3A_107 = tpu.memref_slice %arg4[%mul3A_6, %dma_start3A_106] : memref<1280x128xi32, #tpu.memory_space<hbm>> -> memref<1x128xi32, #tpu.memory_space<hbm>>
      %dma_start3A_108 = tpu.memref_squeeze %dma_start3A_107 : memref<1x128xi32, #tpu.memory_space<hbm>> -> memref<128xi32, #tpu.memory_space<hbm>>
      tpu.enqueue_dma source(%dma_start3A_108 : memref<128xi32, #tpu.memory_space<hbm>>) target(%dma_start3A_105 : memref<128xi32, #tpu.memory_space<vmem>>) target_semaphore(%run_scoped3A_96 : memref<!tpu.dma_semaphore, #tpu.memory_space<semaphore_mem>>)
      %dma_wait3A_109 = arith.constant 0 : i32
      %dma_wait3A_110 = tpu.memref_slice %arg9[%run_scoped3A_7, %dma_wait3A_109] : memref<2x128xi32, #tpu.memory_space<vmem>> -> memref<1x128xi32, #tpu.memory_space<vmem>>
      %dma_wait3A_111 = tpu.memref_squeeze %dma_wait3A_110 : memref<1x128xi32, #tpu.memory_space<vmem>> -> memref<128xi32, #tpu.memory_space<vmem>>
      %dma_wait3A_112 = arith.constant 0 : i32
      %dma_wait3A_113 = tpu.memref_slice %arg4[%mul3A_6, %dma_wait3A_112] : memref<1280x128xi32, #tpu.memory_space<hbm>> -> memref<1x128xi32, #tpu.memory_space<hbm>>
      %dma_wait3A_114 = tpu.memref_squeeze %dma_wait3A_113 : memref<1x128xi32, #tpu.memory_space<hbm>> -> memref<128xi32, #tpu.memory_space<hbm>>
      %dma_wait3A_115 = arith.constant 0 : i32
      %dma_wait3A_116 = tpu.memref_slice %arg9[%run_scoped3A_7, %dma_wait3A_115] : memref<2x128xi32, #tpu.memory_space<vmem>> -> memref<1x128xi32, #tpu.memory_space<vmem>>
      %dma_wait3A_117 = tpu.memref_squeeze %dma_wait3A_116 : memref<1x128xi32, #tpu.memory_space<vmem>> -> memref<128xi32, #tpu.memory_space<vmem>>
      %dma_wait3A_118 = arith.constant 0 : i32
      %dma_wait3A_119 = tpu.memref_slice %arg4[%mul3A_6, %dma_wait3A_118] : memref<1280x128xi32, #tpu.memory_space<hbm>> -> memref<1x128xi32, #tpu.memory_space<hbm>>
      %dma_wait3A_120 = tpu.memref_squeeze %dma_wait3A_119 : memref<1x128xi32, #tpu.memory_space<hbm>> -> memref<128xi32, #tpu.memory_space<hbm>>
      tpu.wait_dma2 semaphore(%run_scoped3A_96 : memref<!tpu.dma_semaphore, #tpu.memory_space<semaphore_mem>>) src(%dma_wait3A_120 : memref<128xi32, #tpu.memory_space<hbm>>) dst(%dma_wait3A_117 : memref<128xi32, #tpu.memory_space<vmem>>)
      tpu.yield
    }) : () -> ()
    %barrier3A = arith.constant 0 : index
    tpu.barrier barrier_id(%barrier3A)
    %dma_start3A = arith.constant 0 : i32
    %dma_start3A_8 = arith.constant 0 : i32
    %dma_start3A_9 = arith.constant 0 : i32
    %dma_start3A_10 = arith.constant 0 : i32
    %dma_start3A_11 = tpu.memref_slice %arg10[%dma_start3A_8, %dma_start3A_9, %dma_start3A_10] : memref<2x128x128xf32, #tpu.memory_space<vmem>> -> memref<1x128x128xf32, #tpu.memory_space<vmem>>
    %dma_start3A_12 = tpu.memref_squeeze %dma_start3A_11 : memref<1x128x128xf32, #tpu.memory_space<vmem>> -> memref<128x128xf32, #tpu.memory_space<vmem>>
    %dma_start3A_13 = arith.constant 0 : i32
    %dma_start3A_14 = tpu.memref_slice %arg8[%dma_start3A, %dma_start3A_13] : memref<2x128xi32, #tpu.memory_space<vmem>> -> memref<1x128xi32, #tpu.memory_space<vmem>>
    %dma_start3A_15 = tpu.memref_squeeze %dma_start3A_14 : memref<1x128xi32, #tpu.memory_space<vmem>> -> memref<128xi32, #tpu.memory_space<vmem>>
    %dma_start3A_16 = arith.constant 0 : i32
    %dma_start3A_17 = arith.constant 0 : i32
    %dma_start3A_18 = tpu.memref_slice %arg2[%dma_start3A_16, %dma_start3A_17] : memref<10240x128xf32, #tpu.memory_space<hbm>> -> memref<10240x128xf32, #tpu.memory_space<hbm>>
    tpu.enqueue_indirect_dma source(%dma_start3A_18 : memref<10240x128xf32, #tpu.memory_space<hbm>>) target(%dma_start3A_12 : memref<128x128xf32, #tpu.memory_space<vmem>>) offsets(%dma_start3A_15 : memref<128xi32, #tpu.memory_space<vmem>>) semaphore(%arg11 : memref<!tpu.dma_semaphore, #tpu.memory_space<semaphore_mem>>)
    %add3A_19 = arith.constant 1 : i32
    %add3A_20 = arith.addi %mul3A_6, %add3A_19 : i32
    %dma_start3A_21 = arith.constant 1 : i32
    %dma_start3A_22 = arith.constant 0 : i32
    %dma_start3A_23 = tpu.memref_slice %arg8[%dma_start3A_21, %dma_start3A_22] : memref<2x128xi32, #tpu.memory_space<vmem>> -> memref<1x128xi32, #tpu.memory_space<vmem>>
    %dma_start3A_24 = tpu.memref_squeeze %dma_start3A_23 : memref<1x128xi32, #tpu.memory_space<vmem>> -> memref<128xi32, #tpu.memory_space<vmem>>
    %dma_start3A_25 = arith.constant 0 : i32
    %dma_start3A_26 = tpu.memref_slice %arg3[%add3A_20, %dma_start3A_25] : memref<1280x128xi32, #tpu.memory_space<hbm>> -> memref<1x128xi32, #tpu.memory_space<hbm>>
    %dma_start3A_27 = tpu.memref_squeeze %dma_start3A_26 : memref<1x128xi32, #tpu.memory_space<hbm>> -> memref<128xi32, #tpu.memory_space<hbm>>
    %dma_start3A_28 = arith.constant 0 : i32
    %dma_start3A_29 = tpu.memref_slice %arg8[%dma_start3A_21, %dma_start3A_28] : memref<2x128xi32, #tpu.memory_space<vmem>> -> memref<1x128xi32, #tpu.memory_space<vmem>>
    %dma_start3A_30 = tpu.memref_squeeze %dma_start3A_29 : memref<1x128xi32, #tpu.memory_space<vmem>> -> memref<128xi32, #tpu.memory_space<vmem>>
    %dma_start3A_31 = arith.constant 0 : i32
    %dma_start3A_32 = tpu.memref_slice %arg3[%add3A_20, %dma_start3A_31] : memref<1280x128xi32, #tpu.memory_space<hbm>> -> memref<1x128xi32, #tpu.memory_space<hbm>>
    %dma_start3A_33 = tpu.memref_squeeze %dma_start3A_32 : memref<1x128xi32, #tpu.memory_space<hbm>> -> memref<128xi32, #tpu.memory_space<hbm>>
    tpu.enqueue_dma source(%dma_start3A_33 : memref<128xi32, #tpu.memory_space<hbm>>) target(%dma_start3A_30 : memref<128xi32, #tpu.memory_space<vmem>>) target_semaphore(%arg12 : memref<!tpu.dma_semaphore, #tpu.memory_space<semaphore_mem>>)
    %add3A_34 = arith.constant 1 : i32
    %add3A_35 = arith.addi %mul3A_6, %add3A_34 : i32
    %dma_start3A_36 = arith.constant 1 : i32
    %dma_start3A_37 = arith.constant 0 : i32
    %dma_start3A_38 = tpu.memref_slice %arg9[%dma_start3A_36, %dma_start3A_37] : memref<2x128xi32, #tpu.memory_space<vmem>> -> memref<1x128xi32, #tpu.memory_space<vmem>>
    %dma_start3A_39 = tpu.memref_squeeze %dma_start3A_38 : memref<1x128xi32, #tpu.memory_space<vmem>> -> memref<128xi32, #tpu.memory_space<vmem>>
    %dma_start3A_40 = arith.constant 0 : i32
    %dma_start3A_41 = tpu.memref_slice %arg4[%add3A_35, %dma_start3A_40] : memref<1280x128xi32, #tpu.memory_space<hbm>> -> memref<1x128xi32, #tpu.memory_space<hbm>>
    %dma_start3A_42 = tpu.memref_squeeze %dma_start3A_41 : memref<1x128xi32, #tpu.memory_space<hbm>> -> memref<128xi32, #tpu.memory_space<hbm>>
    %dma_start3A_43 = arith.constant 0 : i32
    %dma_start3A_44 = tpu.memref_slice %arg9[%dma_start3A_36, %dma_start3A_43] : memref<2x128xi32, #tpu.memory_space<vmem>> -> memref<1x128xi32, #tpu.memory_space<vmem>>
    %dma_start3A_45 = tpu.memref_squeeze %dma_start3A_44 : memref<1x128xi32, #tpu.memory_space<vmem>> -> memref<128xi32, #tpu.memory_space<vmem>>
    %dma_start3A_46 = arith.constant 0 : i32
    %dma_start3A_47 = tpu.memref_slice %arg4[%add3A_35, %dma_start3A_46] : memref<1280x128xi32, #tpu.memory_space<hbm>> -> memref<1x128xi32, #tpu.memory_space<hbm>>
    %dma_start3A_48 = tpu.memref_squeeze %dma_start3A_47 : memref<1x128xi32, #tpu.memory_space<hbm>> -> memref<128xi32, #tpu.memory_space<hbm>>
    tpu.enqueue_dma source(%dma_start3A_48 : memref<128xi32, #tpu.memory_space<hbm>>) target(%dma_start3A_45 : memref<128xi32, #tpu.memory_space<vmem>>) target_semaphore(%arg12 : memref<!tpu.dma_semaphore, #tpu.memory_space<semaphore_mem>>)
    %scan3A = arith.constant 0 : i32
    %scan3A_49 = arith.constant 0 : i32
    %scan3A_50 = arith.constant 20 : i32
    %scan3A_51 = arith.addi %scan3A_49, %scan3A_50 : i32
    %scan3A_52 = arith.constant 1 : i32
    scf.for %scan3A_96 = %scan3A_49 to %scan3A_51 step %scan3A_52  : i32 {
      %mul3A_97 = arith.constant 2 : i32
      %mul3A_98 = arith.muli %scan3A_96, %mul3A_97 : i32
      %add3A_99 = arith.constant 0 : i32
      %add3A_100 = arith.addi %mul3A_98, %add3A_99 : i32
      %dma_wait3A_101 = arith.constant 1 : i32
      %dma_wait3A_102 = arith.constant 0 : i32
      %dma_wait3A_103 = tpu.memref_slice %arg8[%dma_wait3A_101, %dma_wait3A_102] : memref<2x128xi32, #tpu.memory_space<vmem>> -> memref<1x128xi32, #tpu.memory_space<vmem>>
      %dma_wait3A_104 = tpu.memref_squeeze %dma_wait3A_103 : memref<1x128xi32, #tpu.memory_space<vmem>> -> memref<128xi32, #tpu.memory_space<vmem>>
      %dma_wait3A_105 = arith.constant 0 : i32
      %dma_wait3A_106 = tpu.memref_slice %arg3[%mul3A_6, %dma_wait3A_105] : memref<1280x128xi32, #tpu.memory_space<hbm>> -> memref<1x128xi32, #tpu.memory_space<hbm>>
      %dma_wait3A_107 = tpu.memref_squeeze %dma_wait3A_106 : memref<1x128xi32, #tpu.memory_space<hbm>> -> memref<128xi32, #tpu.memory_space<hbm>>
      %dma_wait3A_108 = arith.constant 0 : i32
      %dma_wait3A_109 = tpu.memref_slice %arg8[%dma_wait3A_101, %dma_wait3A_108] : memref<2x128xi32, #tpu.memory_space<vmem>> -> memref<1x128xi32, #tpu.memory_space<vmem>>
      %dma_wait3A_110 = tpu.memref_squeeze %dma_wait3A_109 : memref<1x128xi32, #tpu.memory_space<vmem>> -> memref<128xi32, #tpu.memory_space<vmem>>
      %dma_wait3A_111 = arith.constant 0 : i32
      %dma_wait3A_112 = tpu.memref_slice %arg3[%mul3A_6, %dma_wait3A_111] : memref<1280x128xi32, #tpu.memory_space<hbm>> -> memref<1x128xi32, #tpu.memory_space<hbm>>
      %dma_wait3A_113 = tpu.memref_squeeze %dma_wait3A_112 : memref<1x128xi32, #tpu.memory_space<hbm>> -> memref<128xi32, #tpu.memory_space<hbm>>
      tpu.wait_dma2 semaphore(%arg12 : memref<!tpu.dma_semaphore, #tpu.memory_space<semaphore_mem>>) src(%dma_wait3A_113 : memref<128xi32, #tpu.memory_space<hbm>>) dst(%dma_wait3A_110 : memref<128xi32, #tpu.memory_space<vmem>>)
      %dma_wait3A_114 = arith.constant 1 : i32
      %dma_wait3A_115 = arith.constant 0 : i32
      %dma_wait3A_116 = tpu.memref_slice %arg9[%dma_wait3A_114, %dma_wait3A_115] : memref<2x128xi32, #tpu.memory_space<vmem>> -> memref<1x128xi32, #tpu.memory_space<vmem>>
      %dma_wait3A_117 = tpu.memref_squeeze %dma_wait3A_116 : memref<1x128xi32, #tpu.memory_space<vmem>> -> memref<128xi32, #tpu.memory_space<vmem>>
      %dma_wait3A_118 = arith.constant 0 : i32
      %dma_wait3A_119 = tpu.memref_slice %arg4[%mul3A_6, %dma_wait3A_118] : memref<1280x128xi32, #tpu.memory_space<hbm>> -> memref<1x128xi32, #tpu.memory_space<hbm>>
      %dma_wait3A_120 = tpu.memref_squeeze %dma_wait3A_119 : memref<1x128xi32, #tpu.memory_space<hbm>> -> memref<128xi32, #tpu.memory_space<hbm>>
      %dma_wait3A_121 = arith.constant 0 : i32
      %dma_wait3A_122 = tpu.memref_slice %arg9[%dma_wait3A_114, %dma_wait3A_121] : memref<2x128xi32, #tpu.memory_space<vmem>> -> memref<1x128xi32, #tpu.memory_space<vmem>>
      %dma_wait3A_123 = tpu.memref_squeeze %dma_wait3A_122 : memref<1x128xi32, #tpu.memory_space<vmem>> -> memref<128xi32, #tpu.memory_space<vmem>>
      %dma_wait3A_124 = arith.constant 0 : i32
      %dma_wait3A_125 = tpu.memref_slice %arg4[%mul3A_6, %dma_wait3A_124] : memref<1280x128xi32, #tpu.memory_space<hbm>> -> memref<1x128xi32, #tpu.memory_space<hbm>>
      %dma_wait3A_126 = tpu.memref_squeeze %dma_wait3A_125 : memref<1x128xi32, #tpu.memory_space<hbm>> -> memref<128xi32, #tpu.memory_space<hbm>>
      tpu.wait_dma2 semaphore(%arg12 : memref<!tpu.dma_semaphore, #tpu.memory_space<semaphore_mem>>) src(%dma_wait3A_126 : memref<128xi32, #tpu.memory_space<hbm>>) dst(%dma_wait3A_123 : memref<128xi32, #tpu.memory_space<vmem>>)
      %dma_wait3A_127 = arith.constant 0 : i32
      %dma_wait3A_128 = arith.constant 0 : i32
      %dma_wait3A_129 = arith.constant 0 : i32
      %dma_wait3A_130 = arith.constant 0 : i32
      %dma_wait3A_131 = tpu.memref_slice %arg10[%dma_wait3A_128, %dma_wait3A_129, %dma_wait3A_130] : memref<2x128x128xf32, #tpu.memory_space<vmem>> -> memref<1x128x128xf32, #tpu.memory_space<vmem>>
      %dma_wait3A_132 = tpu.memref_squeeze %dma_wait3A_131 : memref<1x128x128xf32, #tpu.memory_space<vmem>> -> memref<128x128xf32, #tpu.memory_space<vmem>>
      %dma_wait3A_133 = arith.constant 0 : i32
      %dma_wait3A_134 = tpu.memref_slice %arg8[%dma_wait3A_127, %dma_wait3A_133] : memref<2x128xi32, #tpu.memory_space<vmem>> -> memref<1x128xi32, #tpu.memory_space<vmem>>
      %dma_wait3A_135 = tpu.memref_squeeze %dma_wait3A_134 : memref<1x128xi32, #tpu.memory_space<vmem>> -> memref<128xi32, #tpu.memory_space<vmem>>
      %dma_wait3A_136 = arith.constant 0 : i32
      %dma_wait3A_137 = arith.constant 0 : i32
      %dma_wait3A_138 = tpu.memref_slice %arg2[%dma_wait3A_136, %dma_wait3A_137] : memref<10240x128xf32, #tpu.memory_space<hbm>> -> memref<10240x128xf32, #tpu.memory_space<hbm>>
      tpu.wait_indirect_dma semaphore(%arg11 : memref<!tpu.dma_semaphore, #tpu.memory_space<semaphore_mem>>) src(%dma_wait3A_138 : memref<10240x128xf32, #tpu.memory_space<hbm>>) dst(%dma_wait3A_132 : memref<128x128xf32, #tpu.memory_space<vmem>>)
      %dma_start3A_139 = arith.constant 1 : i32
      %dma_start3A_140 = arith.constant 1 : i32
      %dma_start3A_141 = arith.constant 0 : i32
      %dma_start3A_142 = arith.constant 0 : i32
      %dma_start3A_143 = tpu.memref_slice %arg10[%dma_start3A_140, %dma_start3A_141, %dma_start3A_142] : memref<2x128x128xf32, #tpu.memory_space<vmem>> -> memref<1x128x128xf32, #tpu.memory_space<vmem>>
      %dma_start3A_144 = tpu.memref_squeeze %dma_start3A_143 : memref<1x128x128xf32, #tpu.memory_space<vmem>> -> memref<128x128xf32, #tpu.memory_space<vmem>>
      %dma_start3A_145 = arith.constant 0 : i32
      %dma_start3A_146 = tpu.memref_slice %arg8[%dma_start3A_139, %dma_start3A_145] : memref<2x128xi32, #tpu.memory_space<vmem>> -> memref<1x128xi32, #tpu.memory_space<vmem>>
      %dma_start3A_147 = tpu.memref_squeeze %dma_start3A_146 : memref<1x128xi32, #tpu.memory_space<vmem>> -> memref<128xi32, #tpu.memory_space<vmem>>
      %dma_start3A_148 = arith.constant 0 : i32
      %dma_start3A_149 = arith.constant 0 : i32
      %dma_start3A_150 = tpu.memref_slice %arg2[%dma_start3A_148, %dma_start3A_149] : memref<10240x128xf32, #tpu.memory_space<hbm>> -> memref<10240x128xf32, #tpu.memory_space<hbm>>
      tpu.enqueue_indirect_dma source(%dma_start3A_150 : memref<10240x128xf32, #tpu.memory_space<hbm>>) target(%dma_start3A_144 : memref<128x128xf32, #tpu.memory_space<vmem>>) offsets(%dma_start3A_147 : memref<128xi32, #tpu.memory_space<vmem>>) semaphore(%arg11 : memref<!tpu.dma_semaphore, #tpu.memory_space<semaphore_mem>>)
      %run_scoped3A_151 = arith.constant 0 : i32
      %run_scoped3A_152 = arith.constant 0 : i32
      "tpu.region"() ({
        %run_scoped3A_272 = tpu.sem_alloc : memref<!tpu.dma_semaphore, #tpu.memory_space<semaphore_mem>>
        %dma_start3A_273 = arith.constant 0 : i32
        %dma_start3A_274 = arith.constant 0 : i32
        %dma_start3A_275 = tpu.memref_slice %arg10[%run_scoped3A_151, %dma_start3A_273, %dma_start3A_274] : memref<2x128x128xf32, #tpu.memory_space<vmem>> -> memref<1x128x128xf32, #tpu.memory_space<vmem>>
        %dma_start3A_276 = tpu.memref_squeeze %dma_start3A_275 : memref<1x128x128xf32, #tpu.memory_space<vmem>> -> memref<128x128xf32, #tpu.memory_space<vmem>>
        %dma_start3A_277 = arith.constant 0 : i32
        %dma_start3A_278 = tpu.memref_slice %arg9[%run_scoped3A_152, %dma_start3A_277] : memref<2x128xi32, #tpu.memory_space<vmem>> -> memref<1x128xi32, #tpu.memory_space<vmem>>
        %dma_start3A_279 = tpu.memref_squeeze %dma_start3A_278 : memref<1x128xi32, #tpu.memory_space<vmem>> -> memref<128xi32, #tpu.memory_space<vmem>>
        %dma_start3A_280 = arith.constant 0 : i32
        %dma_start3A_281 = arith.constant 0 : i32
        %dma_start3A_282 = tpu.memref_slice %arg7[%dma_start3A_280, %dma_start3A_281] : memref<10240x128xf32, #tpu.memory_space<vmem_shared>> -> memref<10240x128xf32, #tpu.memory_space<vmem_shared>>
        tpu.enqueue_indirect_dma source(%dma_start3A_276 : memref<128x128xf32, #tpu.memory_space<vmem>>) target(%dma_start3A_282 : memref<10240x128xf32, #tpu.memory_space<vmem_shared>>) offsets(%dma_start3A_279 : memref<128xi32, #tpu.memory_space<vmem>>) semaphore(%run_scoped3A_272 : memref<!tpu.dma_semaphore, #tpu.memory_space<semaphore_mem>>) {add = true}
        %dma_wait3A_283 = arith.constant 0 : i32
        %dma_wait3A_284 = arith.constant 0 : i32
        %dma_wait3A_285 = tpu.memref_slice %arg10[%run_scoped3A_151, %dma_wait3A_283, %dma_wait3A_284] : memref<2x128x128xf32, #tpu.memory_space<vmem>> -> memref<1x128x128xf32, #tpu.memory_space<vmem>>
        %dma_wait3A_286 = tpu.memref_squeeze %dma_wait3A_285 : memref<1x128x128xf32, #tpu.memory_space<vmem>> -> memref<128x128xf32, #tpu.memory_space<vmem>>
        %dma_wait3A_287 = arith.constant 0 : i32
        %dma_wait3A_288 = tpu.memref_slice %arg9[%run_scoped3A_152, %dma_wait3A_287] : memref<2x128xi32, #tpu.memory_space<vmem>> -> memref<1x128xi32, #tpu.memory_space<vmem>>
        %dma_wait3A_289 = tpu.memref_squeeze %dma_wait3A_288 : memref<1x128xi32, #tpu.memory_space<vmem>> -> memref<128xi32, #tpu.memory_space<vmem>>
        %dma_wait3A_290 = arith.constant 0 : i32
        %dma_wait3A_291 = arith.constant 0 : i32
        %dma_wait3A_292 = tpu.memref_slice %arg7[%dma_wait3A_290, %dma_wait3A_291] : memref<10240x128xf32, #tpu.memory_space<vmem_shared>> -> memref<10240x128xf32, #tpu.memory_space<vmem_shared>>
        tpu.wait_indirect_dma semaphore(%run_scoped3A_272 : memref<!tpu.dma_semaphore, #tpu.memory_space<semaphore_mem>>) src(%dma_wait3A_286 : memref<128x128xf32, #tpu.memory_space<vmem>>) dst(%dma_wait3A_292 : memref<10240x128xf32, #tpu.memory_space<vmem_shared>>)
        tpu.yield
      }) : () -> ()
      %add3A_153 = arith.constant 2 : i32
      %add3A_154 = arith.addi %add3A_100, %add3A_153 : i32
      %rem3A = arith.constant 40 : i32
      %rem3A_155 = arith.remsi %add3A_154, %rem3A : i32
      %add3A_156 = arith.addi %mul3A_6, %rem3A_155 : i32
      %dma_start3A_157 = arith.constant 0 : i32
      %dma_start3A_158 = arith.constant 0 : i32
      %dma_start3A_159 = tpu.memref_slice %arg8[%dma_start3A_157, %dma_start3A_158] : memref<2x128xi32, #tpu.memory_space<vmem>> -> memref<1x128xi32, #tpu.memory_space<vmem>>
      %dma_start3A_160 = tpu.memref_squeeze %dma_start3A_159 : memref<1x128xi32, #tpu.memory_space<vmem>> -> memref<128xi32, #tpu.memory_space<vmem>>
      %dma_start3A_161 = arith.constant 0 : i32
      %dma_start3A_162 = tpu.memref_slice %arg3[%add3A_156, %dma_start3A_161] : memref<1280x128xi32, #tpu.memory_space<hbm>> -> memref<1x128xi32, #tpu.memory_space<hbm>>
      %dma_start3A_163 = tpu.memref_squeeze %dma_start3A_162 : memref<1x128xi32, #tpu.memory_space<hbm>> -> memref<128xi32, #tpu.memory_space<hbm>>
      %dma_start3A_164 = arith.constant 0 : i32
      %dma_start3A_165 = tpu.memref_slice %arg8[%dma_start3A_157, %dma_start3A_164] : memref<2x128xi32, #tpu.memory_space<vmem>> -> memref<1x128xi32, #tpu.memory_space<vmem>>
      %dma_start3A_166 = tpu.memref_squeeze %dma_start3A_165 : memref<1x128xi32, #tpu.memory_space<vmem>> -> memref<128xi32, #tpu.memory_space<vmem>>
      %dma_start3A_167 = arith.constant 0 : i32
      %dma_start3A_168 = tpu.memref_slice %arg3[%add3A_156, %dma_start3A_167] : memref<1280x128xi32, #tpu.memory_space<hbm>> -> memref<1x128xi32, #tpu.memory_space<hbm>>
      %dma_start3A_169 = tpu.memref_squeeze %dma_start3A_168 : memref<1x128xi32, #tpu.memory_space<hbm>> -> memref<128xi32, #tpu.memory_space<hbm>>
      tpu.enqueue_dma source(%dma_start3A_169 : memref<128xi32, #tpu.memory_space<hbm>>) target(%dma_start3A_166 : memref<128xi32, #tpu.memory_space<vmem>>) target_semaphore(%arg12 : memref<!tpu.dma_semaphore, #tpu.memory_space<semaphore_mem>>)
      %add3A_170 = arith.addi %mul3A_6, %rem3A_155 : i32
      %dma_start3A_171 = arith.constant 0 : i32
      %dma_start3A_172 = arith.constant 0 : i32
      %dma_start3A_173 = tpu.memref_slice %arg9[%dma_start3A_171, %dma_start3A_172] : memref<2x128xi32, #tpu.memory_space<vmem>> -> memref<1x128xi32, #tpu.memory_space<vmem>>
      %dma_start3A_174 = tpu.memref_squeeze %dma_start3A_173 : memref<1x128xi32, #tpu.memory_space<vmem>> -> memref<128xi32, #tpu.memory_space<vmem>>
      %dma_start3A_175 = arith.constant 0 : i32
      %dma_start3A_176 = tpu.memref_slice %arg4[%add3A_170, %dma_start3A_175] : memref<1280x128xi32, #tpu.memory_space<hbm>> -> memref<1x128xi32, #tpu.memory_space<hbm>>
      %dma_start3A_177 = tpu.memref_squeeze %dma_start3A_176 : memref<1x128xi32, #tpu.memory_space<hbm>> -> memref<128xi32, #tpu.memory_space<hbm>>
      %dma_start3A_178 = arith.constant 0 : i32
      %dma_start3A_179 = tpu.memref_slice %arg9[%dma_start3A_171, %dma_start3A_178] : memref<2x128xi32, #tpu.memory_space<vmem>> -> memref<1x128xi32, #tpu.memory_space<vmem>>
      %dma_start3A_180 = tpu.memref_squeeze %dma_start3A_179 : memref<1x128xi32, #tpu.memory_space<vmem>> -> memref<128xi32, #tpu.memory_space<vmem>>
      %dma_start3A_181 = arith.constant 0 : i32
      %dma_start3A_182 = tpu.memref_slice %arg4[%add3A_170, %dma_start3A_181] : memref<1280x128xi32, #tpu.memory_space<hbm>> -> memref<1x128xi32, #tpu.memory_space<hbm>>
      %dma_start3A_183 = tpu.memref_squeeze %dma_start3A_182 : memref<1x128xi32, #tpu.memory_space<hbm>> -> memref<128xi32, #tpu.memory_space<hbm>>
      tpu.enqueue_dma source(%dma_start3A_183 : memref<128xi32, #tpu.memory_space<hbm>>) target(%dma_start3A_180 : memref<128xi32, #tpu.memory_space<vmem>>) target_semaphore(%arg12 : memref<!tpu.dma_semaphore, #tpu.memory_space<semaphore_mem>>)
      %mul3A_184 = arith.constant 2 : i32
      %mul3A_185 = arith.muli %scan3A_96, %mul3A_184 : i32
      %add3A_186 = arith.constant 1 : i32
      %add3A_187 = arith.addi %mul3A_185, %add3A_186 : i32
      %dma_wait3A_188 = arith.constant 0 : i32
      %dma_wait3A_189 = arith.constant 0 : i32
      %dma_wait3A_190 = tpu.memref_slice %arg8[%dma_wait3A_188, %dma_wait3A_189] : memref<2x128xi32, #tpu.memory_space<vmem>> -> memref<1x128xi32, #tpu.memory_space<vmem>>
      %dma_wait3A_191 = tpu.memref_squeeze %dma_wait3A_190 : memref<1x128xi32, #tpu.memory_space<vmem>> -> memref<128xi32, #tpu.memory_space<vmem>>
      %dma_wait3A_192 = arith.constant 0 : i32
      %dma_wait3A_193 = tpu.memref_slice %arg3[%mul3A_6, %dma_wait3A_192] : memref<1280x128xi32, #tpu.memory_space<hbm>> -> memref<1x128xi32, #tpu.memory_space<hbm>>
      %dma_wait3A_194 = tpu.memref_squeeze %dma_wait3A_193 : memref<1x128xi32, #tpu.memory_space<hbm>> -> memref<128xi32, #tpu.memory_space<hbm>>
      %dma_wait3A_195 = arith.constant 0 : i32
      %dma_wait3A_196 = tpu.memref_slice %arg8[%dma_wait3A_188, %dma_wait3A_195] : memref<2x128xi32, #tpu.memory_space<vmem>> -> memref<1x128xi32, #tpu.memory_space<vmem>>
      %dma_wait3A_197 = tpu.memref_squeeze %dma_wait3A_196 : memref<1x128xi32, #tpu.memory_space<vmem>> -> memref<128xi32, #tpu.memory_space<vmem>>
      %dma_wait3A_198 = arith.constant 0 : i32
      %dma_wait3A_199 = tpu.memref_slice %arg3[%mul3A_6, %dma_wait3A_198] : memref<1280x128xi32, #tpu.memory_space<hbm>> -> memref<1x128xi32, #tpu.memory_space<hbm>>
      %dma_wait3A_200 = tpu.memref_squeeze %dma_wait3A_199 : memref<1x128xi32, #tpu.memory_space<hbm>> -> memref<128xi32, #tpu.memory_space<hbm>>
      tpu.wait_dma2 semaphore(%arg12 : memref<!tpu.dma_semaphore, #tpu.memory_space<semaphore_mem>>) src(%dma_wait3A_200 : memref<128xi32, #tpu.memory_space<hbm>>) dst(%dma_wait3A_197 : memref<128xi32, #tpu.memory_space<vmem>>)
      %dma_wait3A_201 = arith.constant 0 : i32
      %dma_wait3A_202 = arith.constant 0 : i32
      %dma_wait3A_203 = tpu.memref_slice %arg9[%dma_wait3A_201, %dma_wait3A_202] : memref<2x128xi32, #tpu.memory_space<vmem>> -> memref<1x128xi32, #tpu.memory_space<vmem>>
      %dma_wait3A_204 = tpu.memref_squeeze %dma_wait3A_203 : memref<1x128xi32, #tpu.memory_space<vmem>> -> memref<128xi32, #tpu.memory_space<vmem>>
      %dma_wait3A_205 = arith.constant 0 : i32
      %dma_wait3A_206 = tpu.memref_slice %arg4[%mul3A_6, %dma_wait3A_205] : memref<1280x128xi32, #tpu.memory_space<hbm>> -> memref<1x128xi32, #tpu.memory_space<hbm>>
      %dma_wait3A_207 = tpu.memref_squeeze %dma_wait3A_206 : memref<1x128xi32, #tpu.memory_space<hbm>> -> memref<128xi32, #tpu.memory_space<hbm>>
      %dma_wait3A_208 = arith.constant 0 : i32
      %dma_wait3A_209 = tpu.memref_slice %arg9[%dma_wait3A_201, %dma_wait3A_208] : memref<2x128xi32, #tpu.memory_space<vmem>> -> memref<1x128xi32, #tpu.memory_space<vmem>>
      %dma_wait3A_210 = tpu.memref_squeeze %dma_wait3A_209 : memref<1x128xi32, #tpu.memory_space<vmem>> -> memref<128xi32, #tpu.memory_space<vmem>>
      %dma_wait3A_211 = arith.constant 0 : i32
      %dma_wait3A_212 = tpu.memref_slice %arg4[%mul3A_6, %dma_wait3A_211] : memref<1280x128xi32, #tpu.memory_space<hbm>> -> memref<1x128xi32, #tpu.memory_space<hbm>>
      %dma_wait3A_213 = tpu.memref_squeeze %dma_wait3A_212 : memref<1x128xi32, #tpu.memory_space<hbm>> -> memref<128xi32, #tpu.memory_space<hbm>>
      tpu.wait_dma2 semaphore(%arg12 : memref<!tpu.dma_semaphore, #tpu.memory_space<semaphore_mem>>) src(%dma_wait3A_213 : memref<128xi32, #tpu.memory_space<hbm>>) dst(%dma_wait3A_210 : memref<128xi32, #tpu.memory_space<vmem>>)
      %dma_wait3A_214 = arith.constant 1 : i32
      %dma_wait3A_215 = arith.constant 1 : i32
      %dma_wait3A_216 = arith.constant 0 : i32
      %dma_wait3A_217 = arith.constant 0 : i32
      %dma_wait3A_218 = tpu.memref_slice %arg10[%dma_wait3A_215, %dma_wait3A_216, %dma_wait3A_217] : memref<2x128x128xf32, #tpu.memory_space<vmem>> -> memref<1x128x128xf32, #tpu.memory_space<vmem>>
      %dma_wait3A_219 = tpu.memref_squeeze %dma_wait3A_218 : memref<1x128x128xf32, #tpu.memory_space<vmem>> -> memref<128x128xf32, #tpu.memory_space<vmem>>
      %dma_wait3A_220 = arith.constant 0 : i32
      %dma_wait3A_221 = tpu.memref_slice %arg8[%dma_wait3A_214, %dma_wait3A_220] : memref<2x128xi32, #tpu.memory_space<vmem>> -> memref<1x128xi32, #tpu.memory_space<vmem>>
      %dma_wait3A_222 = tpu.memref_squeeze %dma_wait3A_221 : memref<1x128xi32, #tpu.memory_space<vmem>> -> memref<128xi32, #tpu.memory_space<vmem>>
      %dma_wait3A_223 = arith.constant 0 : i32
      %dma_wait3A_224 = arith.constant 0 : i32
      %dma_wait3A_225 = tpu.memref_slice %arg2[%dma_wait3A_223, %dma_wait3A_224] : memref<10240x128xf32, #tpu.memory_space<hbm>> -> memref<10240x128xf32, #tpu.memory_space<hbm>>
      tpu.wait_indirect_dma semaphore(%arg11 : memref<!tpu.dma_semaphore, #tpu.memory_space<semaphore_mem>>) src(%dma_wait3A_225 : memref<10240x128xf32, #tpu.memory_space<hbm>>) dst(%dma_wait3A_219 : memref<128x128xf32, #tpu.memory_space<vmem>>)
      %dma_start3A_226 = arith.constant 0 : i32
      %dma_start3A_227 = arith.constant 0 : i32
      %dma_start3A_228 = arith.constant 0 : i32
      %dma_start3A_229 = arith.constant 0 : i32
      %dma_start3A_230 = tpu.memref_slice %arg10[%dma_start3A_227, %dma_start3A_228, %dma_start3A_229] : memref<2x128x128xf32, #tpu.memory_space<vmem>> -> memref<1x128x128xf32, #tpu.memory_space<vmem>>
      %dma_start3A_231 = tpu.memref_squeeze %dma_start3A_230 : memref<1x128x128xf32, #tpu.memory_space<vmem>> -> memref<128x128xf32, #tpu.memory_space<vmem>>
      %dma_start3A_232 = arith.constant 0 : i32
      %dma_start3A_233 = tpu.memref_slice %arg8[%dma_start3A_226, %dma_start3A_232] : memref<2x128xi32, #tpu.memory_space<vmem>> -> memref<1x128xi32, #tpu.memory_space<vmem>>
      %dma_start3A_234 = tpu.memref_squeeze %dma_start3A_233 : memref<1x128xi32, #tpu.memory_space<vmem>> -> memref<128xi32, #tpu.memory_space<vmem>>
      %dma_start3A_235 = arith.constant 0 : i32
      %dma_start3A_236 = arith.constant 0 : i32
      %dma_start3A_237 = tpu.memref_slice %arg2[%dma_start3A_235, %dma_start3A_236] : memref<10240x128xf32, #tpu.memory_space<hbm>> -> memref<10240x128xf32, #tpu.memory_space<hbm>>
      tpu.enqueue_indirect_dma source(%dma_start3A_237 : memref<10240x128xf32, #tpu.memory_space<hbm>>) target(%dma_start3A_231 : memref<128x128xf32, #tpu.memory_space<vmem>>) offsets(%dma_start3A_234 : memref<128xi32, #tpu.memory_space<vmem>>) semaphore(%arg11 : memref<!tpu.dma_semaphore, #tpu.memory_space<semaphore_mem>>)
      %run_scoped3A_238 = arith.constant 1 : i32
      %run_scoped3A_239 = arith.constant 1 : i32
      "tpu.region"() ({
        %run_scoped3A_272 = tpu.sem_alloc : memref<!tpu.dma_semaphore, #tpu.memory_space<semaphore_mem>>
        %dma_start3A_273 = arith.constant 0 : i32
        %dma_start3A_274 = arith.constant 0 : i32
        %dma_start3A_275 = tpu.memref_slice %arg10[%run_scoped3A_238, %dma_start3A_273, %dma_start3A_274] : memref<2x128x128xf32, #tpu.memory_space<vmem>> -> memref<1x128x128xf32, #tpu.memory_space<vmem>>
        %dma_start3A_276 = tpu.memref_squeeze %dma_start3A_275 : memref<1x128x128xf32, #tpu.memory_space<vmem>> -> memref<128x128xf32, #tpu.memory_space<vmem>>
        %dma_start3A_277 = arith.constant 0 : i32
        %dma_start3A_278 = tpu.memref_slice %arg9[%run_scoped3A_239, %dma_start3A_277] : memref<2x128xi32, #tpu.memory_space<vmem>> -> memref<1x128xi32, #tpu.memory_space<vmem>>
        %dma_start3A_279 = tpu.memref_squeeze %dma_start3A_278 : memref<1x128xi32, #tpu.memory_space<vmem>> -> memref<128xi32, #tpu.memory_space<vmem>>
        %dma_start3A_280 = arith.constant 0 : i32
        %dma_start3A_281 = arith.constant 0 : i32
        %dma_start3A_282 = tpu.memref_slice %arg7[%dma_start3A_280, %dma_start3A_281] : memref<10240x128xf32, #tpu.memory_space<vmem_shared>> -> memref<10240x128xf32, #tpu.memory_space<vmem_shared>>
        tpu.enqueue_indirect_dma source(%dma_start3A_276 : memref<128x128xf32, #tpu.memory_space<vmem>>) target(%dma_start3A_282 : memref<10240x128xf32, #tpu.memory_space<vmem_shared>>) offsets(%dma_start3A_279 : memref<128xi32, #tpu.memory_space<vmem>>) semaphore(%run_scoped3A_272 : memref<!tpu.dma_semaphore, #tpu.memory_space<semaphore_mem>>) {add = true}
        %dma_wait3A_283 = arith.constant 0 : i32
        %dma_wait3A_284 = arith.constant 0 : i32
        %dma_wait3A_285 = tpu.memref_slice %arg10[%run_scoped3A_238, %dma_wait3A_283, %dma_wait3A_284] : memref<2x128x128xf32, #tpu.memory_space<vmem>> -> memref<1x128x128xf32, #tpu.memory_space<vmem>>
        %dma_wait3A_286 = tpu.memref_squeeze %dma_wait3A_285 : memref<1x128x128xf32, #tpu.memory_space<vmem>> -> memref<128x128xf32, #tpu.memory_space<vmem>>
        %dma_wait3A_287 = arith.constant 0 : i32
        %dma_wait3A_288 = tpu.memref_slice %arg9[%run_scoped3A_239, %dma_wait3A_287] : memref<2x128xi32, #tpu.memory_space<vmem>> -> memref<1x128xi32, #tpu.memory_space<vmem>>
        %dma_wait3A_289 = tpu.memref_squeeze %dma_wait3A_288 : memref<1x128xi32, #tpu.memory_space<vmem>> -> memref<128xi32, #tpu.memory_space<vmem>>
        %dma_wait3A_290 = arith.constant 0 : i32
        %dma_wait3A_291 = arith.constant 0 : i32
        %dma_wait3A_292 = tpu.memref_slice %arg7[%dma_wait3A_290, %dma_wait3A_291] : memref<10240x128xf32, #tpu.memory_space<vmem_shared>> -> memref<10240x128xf32, #tpu.memory_space<vmem_shared>>
        tpu.wait_indirect_dma semaphore(%run_scoped3A_272 : memref<!tpu.dma_semaphore, #tpu.memory_space<semaphore_mem>>) src(%dma_wait3A_286 : memref<128x128xf32, #tpu.memory_space<vmem>>) dst(%dma_wait3A_292 : memref<10240x128xf32, #tpu.memory_space<vmem_shared>>)
        tpu.yield
      }) : () -> ()
      %add3A_240 = arith.constant 2 : i32
      %add3A_241 = arith.addi %add3A_187, %add3A_240 : i32
      %rem3A_242 = arith.constant 40 : i32
      %rem3A_243 = arith.remsi %add3A_241, %rem3A_242 : i32
      %add3A_244 = arith.addi %mul3A_6, %rem3A_243 : i32
      %dma_start3A_245 = arith.constant 1 : i32
      %dma_start3A_246 = arith.constant 0 : i32
      %dma_start3A_247 = tpu.memref_slice %arg8[%dma_start3A_245, %dma_start3A_246] : memref<2x128xi32, #tpu.memory_space<vmem>> -> memref<1x128xi32, #tpu.memory_space<vmem>>
      %dma_start3A_248 = tpu.memref_squeeze %dma_start3A_247 : memref<1x128xi32, #tpu.memory_space<vmem>> -> memref<128xi32, #tpu.memory_space<vmem>>
      %dma_start3A_249 = arith.constant 0 : i32
      %dma_start3A_250 = tpu.memref_slice %arg3[%add3A_244, %dma_start3A_249] : memref<1280x128xi32, #tpu.memory_space<hbm>> -> memref<1x128xi32, #tpu.memory_space<hbm>>
      %dma_start3A_251 = tpu.memref_squeeze %dma_start3A_250 : memref<1x128xi32, #tpu.memory_space<hbm>> -> memref<128xi32, #tpu.memory_space<hbm>>
      %dma_start3A_252 = arith.constant 0 : i32
      %dma_start3A_253 = tpu.memref_slice %arg8[%dma_start3A_245, %dma_start3A_252] : memref<2x128xi32, #tpu.memory_space<vmem>> -> memref<1x128xi32, #tpu.memory_space<vmem>>
      %dma_start3A_254 = tpu.memref_squeeze %dma_start3A_253 : memref<1x128xi32, #tpu.memory_space<vmem>> -> memref<128xi32, #tpu.memory_space<vmem>>
      %dma_start3A_255 = arith.constant 0 : i32
      %dma_start3A_256 = tpu.memref_slice %arg3[%add3A_244, %dma_start3A_255] : memref<1280x128xi32, #tpu.memory_space<hbm>> -> memref<1x128xi32, #tpu.memory_space<hbm>>
      %dma_start3A_257 = tpu.memref_squeeze %dma_start3A_256 : memref<1x128xi32, #tpu.memory_space<hbm>> -> memref<128xi32, #tpu.memory_space<hbm>>
      tpu.enqueue_dma source(%dma_start3A_257 : memref<128xi32, #tpu.memory_space<hbm>>) target(%dma_start3A_254 : memref<128xi32, #tpu.memory_space<vmem>>) target_semaphore(%arg12 : memref<!tpu.dma_semaphore, #tpu.memory_space<semaphore_mem>>)
      %add3A_258 = arith.addi %mul3A_6, %rem3A_243 : i32
      %dma_start3A_259 = arith.constant 1 : i32
      %dma_start3A_260 = arith.constant 0 : i32
      %dma_start3A_261 = tpu.memref_slice %arg9[%dma_start3A_259, %dma_start3A_260] : memref<2x128xi32, #tpu.memory_space<vmem>> -> memref<1x128xi32, #tpu.memory_space<vmem>>
      %dma_start3A_262 = tpu.memref_squeeze %dma_start3A_261 : memref<1x128xi32, #tpu.memory_space<vmem>> -> memref<128xi32, #tpu.memory_space<vmem>>
      %dma_start3A_263 = arith.constant 0 : i32
      %dma_start3A_264 = tpu.memref_slice %arg4[%add3A_258, %dma_start3A_263] : memref<1280x128xi32, #tpu.memory_space<hbm>> -> memref<1x128xi32, #tpu.memory_space<hbm>>
      %dma_start3A_265 = tpu.memref_squeeze %dma_start3A_264 : memref<1x128xi32, #tpu.memory_space<hbm>> -> memref<128xi32, #tpu.memory_space<hbm>>
      %dma_start3A_266 = arith.constant 0 : i32
      %dma_start3A_267 = tpu.memref_slice %arg9[%dma_start3A_259, %dma_start3A_266] : memref<2x128xi32, #tpu.memory_space<vmem>> -> memref<1x128xi32, #tpu.memory_space<vmem>>
      %dma_start3A_268 = tpu.memref_squeeze %dma_start3A_267 : memref<1x128xi32, #tpu.memory_space<vmem>> -> memref<128xi32, #tpu.memory_space<vmem>>
      %dma_start3A_269 = arith.constant 0 : i32
      %dma_start3A_270 = tpu.memref_slice %arg4[%add3A_258, %dma_start3A_269] : memref<1280x128xi32, #tpu.memory_space<hbm>> -> memref<1x128xi32, #tpu.memory_space<hbm>>
      %dma_start3A_271 = tpu.memref_squeeze %dma_start3A_270 : memref<1x128xi32, #tpu.memory_space<hbm>> -> memref<128xi32, #tpu.memory_space<hbm>>
      tpu.enqueue_dma source(%dma_start3A_271 : memref<128xi32, #tpu.memory_space<hbm>>) target(%dma_start3A_268 : memref<128xi32, #tpu.memory_space<vmem>>) target_semaphore(%arg12 : memref<!tpu.dma_semaphore, #tpu.memory_space<semaphore_mem>>)
    }
    %scan3A_53 = arith.constant 20 : i32
    %dma_wait3A = arith.constant 0 : i32
    %dma_wait3A_54 = arith.constant 0 : i32
    %dma_wait3A_55 = arith.constant 0 : i32
    %dma_wait3A_56 = arith.constant 0 : i32
    %dma_wait3A_57 = tpu.memref_slice %arg10[%dma_wait3A_54, %dma_wait3A_55, %dma_wait3A_56] : memref<2x128x128xf32, #tpu.memory_space<vmem>> -> memref<1x128x128xf32, #tpu.memory_space<vmem>>
    %dma_wait3A_58 = tpu.memref_squeeze %dma_wait3A_57 : memref<1x128x128xf32, #tpu.memory_space<vmem>> -> memref<128x128xf32, #tpu.memory_space<vmem>>
    %dma_wait3A_59 = arith.constant 0 : i32
    %dma_wait3A_60 = tpu.memref_slice %arg8[%dma_wait3A, %dma_wait3A_59] : memref<2x128xi32, #tpu.memory_space<vmem>> -> memref<1x128xi32, #tpu.memory_space<vmem>>
    %dma_wait3A_61 = tpu.memref_squeeze %dma_wait3A_60 : memref<1x128xi32, #tpu.memory_space<vmem>> -> memref<128xi32, #tpu.memory_space<vmem>>
    %dma_wait3A_62 = arith.constant 0 : i32
    %dma_wait3A_63 = arith.constant 0 : i32
    %dma_wait3A_64 = tpu.memref_slice %arg2[%dma_wait3A_62, %dma_wait3A_63] : memref<10240x128xf32, #tpu.memory_space<hbm>> -> memref<10240x128xf32, #tpu.memory_space<hbm>>
    tpu.wait_indirect_dma semaphore(%arg11 : memref<!tpu.dma_semaphore, #tpu.memory_space<semaphore_mem>>) src(%dma_wait3A_64 : memref<10240x128xf32, #tpu.memory_space<hbm>>) dst(%dma_wait3A_58 : memref<128x128xf32, #tpu.memory_space<vmem>>)
    %dma_wait3A_65 = arith.constant 0 : i32
    %dma_wait3A_66 = arith.constant 0 : i32
    %dma_wait3A_67 = tpu.memref_slice %arg8[%dma_wait3A_65, %dma_wait3A_66] : memref<2x128xi32, #tpu.memory_space<vmem>> -> memref<1x128xi32, #tpu.memory_space<vmem>>
    %dma_wait3A_68 = tpu.memref_squeeze %dma_wait3A_67 : memref<1x128xi32, #tpu.memory_space<vmem>> -> memref<128xi32, #tpu.memory_space<vmem>>
    %dma_wait3A_69 = arith.constant 0 : i32
    %dma_wait3A_70 = tpu.memref_slice %arg3[%mul3A_6, %dma_wait3A_69] : memref<1280x128xi32, #tpu.memory_space<hbm>> -> memref<1x128xi32, #tpu.memory_space<hbm>>
    %dma_wait3A_71 = tpu.memref_squeeze %dma_wait3A_70 : memref<1x128xi32, #tpu.memory_space<hbm>> -> memref<128xi32, #tpu.memory_space<hbm>>
    %dma_wait3A_72 = arith.constant 0 : i32
    %dma_wait3A_73 = tpu.memref_slice %arg8[%dma_wait3A_65, %dma_wait3A_72] : memref<2x128xi32, #tpu.memory_space<vmem>> -> memref<1x128xi32, #tpu.memory_space<vmem>>
    %dma_wait3A_74 = tpu.memref_squeeze %dma_wait3A_73 : memref<1x128xi32, #tpu.memory_space<vmem>> -> memref<128xi32, #tpu.memory_space<vmem>>
    %dma_wait3A_75 = arith.constant 0 : i32
    %dma_wait3A_76 = tpu.memref_slice %arg3[%mul3A_6, %dma_wait3A_75] : memref<1280x128xi32, #tpu.memory_space<hbm>> -> memref<1x128xi32, #tpu.memory_space<hbm>>
    %dma_wait3A_77 = tpu.memref_squeeze %dma_wait3A_76 : memref<1x128xi32, #tpu.memory_space<hbm>> -> memref<128xi32, #tpu.memory_space<hbm>>
    tpu.wait_dma2 semaphore(%arg12 : memref<!tpu.dma_semaphore, #tpu.memory_space<semaphore_mem>>) src(%dma_wait3A_77 : memref<128xi32, #tpu.memory_space<hbm>>) dst(%dma_wait3A_74 : memref<128xi32, #tpu.memory_space<vmem>>)
    %dma_wait3A_78 = arith.constant 0 : i32
    %dma_wait3A_79 = arith.constant 0 : i32
    %dma_wait3A_80 = tpu.memref_slice %arg9[%dma_wait3A_78, %dma_wait3A_79] : memref<2x128xi32, #tpu.memory_space<vmem>> -> memref<1x128xi32, #tpu.memory_space<vmem>>
    %dma_wait3A_81 = tpu.memref_squeeze %dma_wait3A_80 : memref<1x128xi32, #tpu.memory_space<vmem>> -> memref<128xi32, #tpu.memory_space<vmem>>
    %dma_wait3A_82 = arith.constant 0 : i32
    %dma_wait3A_83 = tpu.memref_slice %arg4[%mul3A_6, %dma_wait3A_82] : memref<1280x128xi32, #tpu.memory_space<hbm>> -> memref<1x128xi32, #tpu.memory_space<hbm>>
    %dma_wait3A_84 = tpu.memref_squeeze %dma_wait3A_83 : memref<1x128xi32, #tpu.memory_space<hbm>> -> memref<128xi32, #tpu.memory_space<hbm>>
    %dma_wait3A_85 = arith.constant 0 : i32
    %dma_wait3A_86 = tpu.memref_slice %arg9[%dma_wait3A_78, %dma_wait3A_85] : memref<2x128xi32, #tpu.memory_space<vmem>> -> memref<1x128xi32, #tpu.memory_space<vmem>>
    %dma_wait3A_87 = tpu.memref_squeeze %dma_wait3A_86 : memref<1x128xi32, #tpu.memory_space<vmem>> -> memref<128xi32, #tpu.memory_space<vmem>>
    %dma_wait3A_88 = arith.constant 0 : i32
    %dma_wait3A_89 = tpu.memref_slice %arg4[%mul3A_6, %dma_wait3A_88] : memref<1280x128xi32, #tpu.memory_space<hbm>> -> memref<1x128xi32, #tpu.memory_space<hbm>>
    %dma_wait3A_90 = tpu.memref_squeeze %dma_wait3A_89 : memref<1x128xi32, #tpu.memory_space<hbm>> -> memref<128xi32, #tpu.memory_space<hbm>>
    tpu.wait_dma2 semaphore(%arg12 : memref<!tpu.dma_semaphore, #tpu.memory_space<semaphore_mem>>) src(%dma_wait3A_90 : memref<128xi32, #tpu.memory_space<hbm>>) dst(%dma_wait3A_87 : memref<128xi32, #tpu.memory_space<vmem>>)
    %barrier3A_91 = arith.constant 0 : index
    tpu.barrier barrier_id(%barrier3A_91)
    %mul3A_92 = arith.constant 640 : i32
    %mul3A_93 = arith.muli %arg1, %mul3A_92 : i32
    %mul3A_94 = arith.constant 640 : i32
    %mul3A_95 = arith.muli %arg1, %mul3A_94 : i32
    "tpu.region"() ({
      %run_scoped3A_96 = tpu.sem_alloc : memref<!tpu.dma_semaphore, #tpu.memory_space<semaphore_mem>>
      %dma_start3A_97 = arith.constant 0 : i32
      %dma_start3A_98 = tpu.memref_slice %arg6[%arg0, %mul3A_95, %dma_start3A_97] : memref<2x10240x128xf32, #tpu.memory_space<hbm>> -> memref<1x640x128xf32, #tpu.memory_space<hbm>>
      %dma_start3A_99 = tpu.memref_squeeze %dma_start3A_98 : memref<1x640x128xf32, #tpu.memory_space<hbm>> -> memref<640x128xf32, #tpu.memory_space<hbm>>
      %dma_start3A_100 = arith.constant 0 : i32
      %dma_start3A_101 = tpu.memref_slice %arg7[%mul3A_93, %dma_start3A_100] : memref<10240x128xf32, #tpu.memory_space<vmem_shared>> -> memref<640x128xf32, #tpu.memory_space<vmem_shared>>
      tpu.enqueue_dma source(%dma_start3A_101 : memref<640x128xf32, #tpu.memory_space<vmem_shared>>) target(%dma_start3A_99 : memref<640x128xf32, #tpu.memory_space<hbm>>) target_semaphore(%run_scoped3A_96 : memref<!tpu.dma_semaphore, #tpu.memory_space<semaphore_mem>>)
      %dma_wait3A_102 = arith.constant 0 : i32
      %dma_wait3A_103 = tpu.memref_slice %arg6[%arg0, %mul3A_95, %dma_wait3A_102] : memref<2x10240x128xf32, #tpu.memory_space<hbm>> -> memref<1x640x128xf32, #tpu.memory_space<hbm>>
      %dma_wait3A_104 = tpu.memref_squeeze %dma_wait3A_103 : memref<1x640x128xf32, #tpu.memory_space<hbm>> -> memref<640x128xf32, #tpu.memory_space<hbm>>
      %dma_wait3A_105 = arith.constant 0 : i32
      %dma_wait3A_106 = tpu.memref_slice %arg7[%mul3A_93, %dma_wait3A_105] : memref<10240x128xf32, #tpu.memory_space<vmem_shared>> -> memref<640x128xf32, #tpu.memory_space<vmem_shared>>
      tpu.wait_dma2 semaphore(%run_scoped3A_96 : memref<!tpu.dma_semaphore, #tpu.memory_space<semaphore_mem>>) src(%dma_wait3A_106 : memref<640x128xf32, #tpu.memory_space<vmem_shared>>) dst(%dma_wait3A_104 : memref<640x128xf32, #tpu.memory_space<hbm>>)
      tpu.yield
    }) : () -> ()
    return
  }
}

#map = affine_map<(d0, d1) -> (0, 0)>
#map1 = affine_map<(d0, d1) -> (0, 0, 0)>
module attributes {stable_mosaic.version = 14 : i64} {
  func.func @agg_kernel(%arg0: i32, %arg1: i32, %arg2: memref<20000x128xf32, #tpu.memory_space<hbm>>, %arg3: memref<2560x128xi32, #tpu.memory_space<hbm>>, %arg4: memref<1280x128xi32, #tpu.memory_space<hbm>>, %arg5: memref<10240x128xf32, #tpu.memory_space<hbm>>, %arg6: memref<2x10240x128xf32, #tpu.memory_space<hbm>>, %arg7: memref<10240x128xf32, #tpu.memory_space<vmem_shared>>, %arg8: memref<2x128xi32, #tpu.memory_space<vmem>>, %arg9: memref<2x128xi32, #tpu.memory_space<vmem>>, %arg10: memref<2x128x128xf32, #tpu.memory_space<vmem>>, %arg11: memref<!tpu.dma_semaphore, #tpu.memory_space<semaphore_mem>>, %arg12: memref<!tpu.dma_semaphore, #tpu.memory_space<semaphore_mem>>) attributes {dimension_semantics = [#tpu.dimension_semantics<core_parallel>, #tpu.dimension_semantics<subcore_parallel>], iteration_bounds = array<i64: 2, 16>, scalar_prefetch = 0 : i64, scratch_operands = 6 : i64, tpu.core_type = #tpu.core_type<sc_vector_subcore>, window_params = [{transform_indices = #map}, {transform_indices = #map}, {transform_indices = #map}, {transform_indices = #map}, {transform_indices = #map1}]} {
    %mul3A = arith.constant 640 : i32
    %mul3A_0 = arith.muli %arg1, %mul3A : i32
    %mul3A_1 = arith.constant 640 : i32
    %mul3A_2 = arith.muli %arg1, %mul3A_1 : i32
    "tpu.region"() ({
      %run_scoped3A_98 = tpu.sem_alloc : memref<!tpu.dma_semaphore, #tpu.memory_space<semaphore_mem>>
      %dma_start3A_99 = arith.constant 0 : i32
      %dma_start3A_100 = tpu.memref_slice %arg7[%mul3A_2, %dma_start3A_99] : memref<10240x128xf32, #tpu.memory_space<vmem_shared>> -> memref<640x128xf32, #tpu.memory_space<vmem_shared>>
      %dma_start3A_101 = arith.constant 0 : i32
      %dma_start3A_102 = tpu.memref_slice %arg5[%mul3A_0, %dma_start3A_101] : memref<10240x128xf32, #tpu.memory_space<hbm>> -> memref<640x128xf32, #tpu.memory_space<hbm>>
      tpu.enqueue_dma source(%dma_start3A_102 : memref<640x128xf32, #tpu.memory_space<hbm>>) target(%dma_start3A_100 : memref<640x128xf32, #tpu.memory_space<vmem_shared>>) target_semaphore(%run_scoped3A_98 : memref<!tpu.dma_semaphore, #tpu.memory_space<semaphore_mem>>)
      %dma_wait3A_103 = arith.constant 0 : i32
      %dma_wait3A_104 = tpu.memref_slice %arg7[%mul3A_2, %dma_wait3A_103] : memref<10240x128xf32, #tpu.memory_space<vmem_shared>> -> memref<640x128xf32, #tpu.memory_space<vmem_shared>>
      %dma_wait3A_105 = arith.constant 0 : i32
      %dma_wait3A_106 = tpu.memref_slice %arg5[%mul3A_0, %dma_wait3A_105] : memref<10240x128xf32, #tpu.memory_space<hbm>> -> memref<640x128xf32, #tpu.memory_space<hbm>>
      tpu.wait_dma2 semaphore(%run_scoped3A_98 : memref<!tpu.dma_semaphore, #tpu.memory_space<semaphore_mem>>) src(%dma_wait3A_106 : memref<640x128xf32, #tpu.memory_space<hbm>>) dst(%dma_wait3A_104 : memref<640x128xf32, #tpu.memory_space<vmem_shared>>)
      tpu.yield
    }) : () -> ()
    %mul3A_3 = arith.constant 1280 : i32
    %mul3A_4 = arith.muli %arg0, %mul3A_3 : i32
    %mul3A_5 = arith.constant 80 : i32
    %mul3A_6 = arith.muli %arg1, %mul3A_5 : i32
    %add3A = arith.addi %mul3A_4, %mul3A_6 : i32
    %mul3A_7 = arith.constant 80 : i32
    %mul3A_8 = arith.muli %arg1, %mul3A_7 : i32
    %run_scoped3A = arith.constant 0 : i32
    "tpu.region"() ({
      %run_scoped3A_98 = tpu.sem_alloc : memref<!tpu.dma_semaphore, #tpu.memory_space<semaphore_mem>>
      %dma_start3A_99 = arith.constant 0 : i32
      %dma_start3A_100 = tpu.memref_slice %arg8[%run_scoped3A, %dma_start3A_99] : memref<2x128xi32, #tpu.memory_space<vmem>> -> memref<1x128xi32, #tpu.memory_space<vmem>>
      %dma_start3A_101 = tpu.memref_squeeze %dma_start3A_100 : memref<1x128xi32, #tpu.memory_space<vmem>> -> memref<128xi32, #tpu.memory_space<vmem>>
      %dma_start3A_102 = arith.constant 0 : i32
      %dma_start3A_103 = tpu.memref_slice %arg3[%add3A, %dma_start3A_102] : memref<2560x128xi32, #tpu.memory_space<hbm>> -> memref<1x128xi32, #tpu.memory_space<hbm>>
      %dma_start3A_104 = tpu.memref_squeeze %dma_start3A_103 : memref<1x128xi32, #tpu.memory_space<hbm>> -> memref<128xi32, #tpu.memory_space<hbm>>
      %dma_start3A_105 = arith.constant 0 : i32
      %dma_start3A_106 = tpu.memref_slice %arg8[%run_scoped3A, %dma_start3A_105] : memref<2x128xi32, #tpu.memory_space<vmem>> -> memref<1x128xi32, #tpu.memory_space<vmem>>
      %dma_start3A_107 = tpu.memref_squeeze %dma_start3A_106 : memref<1x128xi32, #tpu.memory_space<vmem>> -> memref<128xi32, #tpu.memory_space<vmem>>
      %dma_start3A_108 = arith.constant 0 : i32
      %dma_start3A_109 = tpu.memref_slice %arg3[%add3A, %dma_start3A_108] : memref<2560x128xi32, #tpu.memory_space<hbm>> -> memref<1x128xi32, #tpu.memory_space<hbm>>
      %dma_start3A_110 = tpu.memref_squeeze %dma_start3A_109 : memref<1x128xi32, #tpu.memory_space<hbm>> -> memref<128xi32, #tpu.memory_space<hbm>>
      tpu.enqueue_dma source(%dma_start3A_110 : memref<128xi32, #tpu.memory_space<hbm>>) target(%dma_start3A_107 : memref<128xi32, #tpu.memory_space<vmem>>) target_semaphore(%run_scoped3A_98 : memref<!tpu.dma_semaphore, #tpu.memory_space<semaphore_mem>>)
      %dma_wait3A_111 = arith.constant 0 : i32
      %dma_wait3A_112 = tpu.memref_slice %arg8[%run_scoped3A, %dma_wait3A_111] : memref<2x128xi32, #tpu.memory_space<vmem>> -> memref<1x128xi32, #tpu.memory_space<vmem>>
      %dma_wait3A_113 = tpu.memref_squeeze %dma_wait3A_112 : memref<1x128xi32, #tpu.memory_space<vmem>> -> memref<128xi32, #tpu.memory_space<vmem>>
      %dma_wait3A_114 = arith.constant 0 : i32
      %dma_wait3A_115 = tpu.memref_slice %arg3[%add3A, %dma_wait3A_114] : memref<2560x128xi32, #tpu.memory_space<hbm>> -> memref<1x128xi32, #tpu.memory_space<hbm>>
      %dma_wait3A_116 = tpu.memref_squeeze %dma_wait3A_115 : memref<1x128xi32, #tpu.memory_space<hbm>> -> memref<128xi32, #tpu.memory_space<hbm>>
      %dma_wait3A_117 = arith.constant 0 : i32
      %dma_wait3A_118 = tpu.memref_slice %arg8[%run_scoped3A, %dma_wait3A_117] : memref<2x128xi32, #tpu.memory_space<vmem>> -> memref<1x128xi32, #tpu.memory_space<vmem>>
      %dma_wait3A_119 = tpu.memref_squeeze %dma_wait3A_118 : memref<1x128xi32, #tpu.memory_space<vmem>> -> memref<128xi32, #tpu.memory_space<vmem>>
      %dma_wait3A_120 = arith.constant 0 : i32
      %dma_wait3A_121 = tpu.memref_slice %arg3[%add3A, %dma_wait3A_120] : memref<2560x128xi32, #tpu.memory_space<hbm>> -> memref<1x128xi32, #tpu.memory_space<hbm>>
      %dma_wait3A_122 = tpu.memref_squeeze %dma_wait3A_121 : memref<1x128xi32, #tpu.memory_space<hbm>> -> memref<128xi32, #tpu.memory_space<hbm>>
      tpu.wait_dma2 semaphore(%run_scoped3A_98 : memref<!tpu.dma_semaphore, #tpu.memory_space<semaphore_mem>>) src(%dma_wait3A_122 : memref<128xi32, #tpu.memory_space<hbm>>) dst(%dma_wait3A_119 : memref<128xi32, #tpu.memory_space<vmem>>)
      tpu.yield
    }) : () -> ()
    %run_scoped3A_9 = arith.constant 0 : i32
    "tpu.region"() ({
      %run_scoped3A_98 = tpu.sem_alloc : memref<!tpu.dma_semaphore, #tpu.memory_space<semaphore_mem>>
      %dma_start3A_99 = arith.constant 0 : i32
      %dma_start3A_100 = tpu.memref_slice %arg9[%run_scoped3A_9, %dma_start3A_99] : memref<2x128xi32, #tpu.memory_space<vmem>> -> memref<1x128xi32, #tpu.memory_space<vmem>>
      %dma_start3A_101 = tpu.memref_squeeze %dma_start3A_100 : memref<1x128xi32, #tpu.memory_space<vmem>> -> memref<128xi32, #tpu.memory_space<vmem>>
      %dma_start3A_102 = arith.constant 0 : i32
      %dma_start3A_103 = tpu.memref_slice %arg4[%mul3A_8, %dma_start3A_102] : memref<1280x128xi32, #tpu.memory_space<hbm>> -> memref<1x128xi32, #tpu.memory_space<hbm>>
      %dma_start3A_104 = tpu.memref_squeeze %dma_start3A_103 : memref<1x128xi32, #tpu.memory_space<hbm>> -> memref<128xi32, #tpu.memory_space<hbm>>
      %dma_start3A_105 = arith.constant 0 : i32
      %dma_start3A_106 = tpu.memref_slice %arg9[%run_scoped3A_9, %dma_start3A_105] : memref<2x128xi32, #tpu.memory_space<vmem>> -> memref<1x128xi32, #tpu.memory_space<vmem>>
      %dma_start3A_107 = tpu.memref_squeeze %dma_start3A_106 : memref<1x128xi32, #tpu.memory_space<vmem>> -> memref<128xi32, #tpu.memory_space<vmem>>
      %dma_start3A_108 = arith.constant 0 : i32
      %dma_start3A_109 = tpu.memref_slice %arg4[%mul3A_8, %dma_start3A_108] : memref<1280x128xi32, #tpu.memory_space<hbm>> -> memref<1x128xi32, #tpu.memory_space<hbm>>
      %dma_start3A_110 = tpu.memref_squeeze %dma_start3A_109 : memref<1x128xi32, #tpu.memory_space<hbm>> -> memref<128xi32, #tpu.memory_space<hbm>>
      tpu.enqueue_dma source(%dma_start3A_110 : memref<128xi32, #tpu.memory_space<hbm>>) target(%dma_start3A_107 : memref<128xi32, #tpu.memory_space<vmem>>) target_semaphore(%run_scoped3A_98 : memref<!tpu.dma_semaphore, #tpu.memory_space<semaphore_mem>>)
      %dma_wait3A_111 = arith.constant 0 : i32
      %dma_wait3A_112 = tpu.memref_slice %arg9[%run_scoped3A_9, %dma_wait3A_111] : memref<2x128xi32, #tpu.memory_space<vmem>> -> memref<1x128xi32, #tpu.memory_space<vmem>>
      %dma_wait3A_113 = tpu.memref_squeeze %dma_wait3A_112 : memref<1x128xi32, #tpu.memory_space<vmem>> -> memref<128xi32, #tpu.memory_space<vmem>>
      %dma_wait3A_114 = arith.constant 0 : i32
      %dma_wait3A_115 = tpu.memref_slice %arg4[%mul3A_8, %dma_wait3A_114] : memref<1280x128xi32, #tpu.memory_space<hbm>> -> memref<1x128xi32, #tpu.memory_space<hbm>>
      %dma_wait3A_116 = tpu.memref_squeeze %dma_wait3A_115 : memref<1x128xi32, #tpu.memory_space<hbm>> -> memref<128xi32, #tpu.memory_space<hbm>>
      %dma_wait3A_117 = arith.constant 0 : i32
      %dma_wait3A_118 = tpu.memref_slice %arg9[%run_scoped3A_9, %dma_wait3A_117] : memref<2x128xi32, #tpu.memory_space<vmem>> -> memref<1x128xi32, #tpu.memory_space<vmem>>
      %dma_wait3A_119 = tpu.memref_squeeze %dma_wait3A_118 : memref<1x128xi32, #tpu.memory_space<vmem>> -> memref<128xi32, #tpu.memory_space<vmem>>
      %dma_wait3A_120 = arith.constant 0 : i32
      %dma_wait3A_121 = tpu.memref_slice %arg4[%mul3A_8, %dma_wait3A_120] : memref<1280x128xi32, #tpu.memory_space<hbm>> -> memref<1x128xi32, #tpu.memory_space<hbm>>
      %dma_wait3A_122 = tpu.memref_squeeze %dma_wait3A_121 : memref<1x128xi32, #tpu.memory_space<hbm>> -> memref<128xi32, #tpu.memory_space<hbm>>
      tpu.wait_dma2 semaphore(%run_scoped3A_98 : memref<!tpu.dma_semaphore, #tpu.memory_space<semaphore_mem>>) src(%dma_wait3A_122 : memref<128xi32, #tpu.memory_space<hbm>>) dst(%dma_wait3A_119 : memref<128xi32, #tpu.memory_space<vmem>>)
      tpu.yield
    }) : () -> ()
    %barrier3A = arith.constant 0 : index
    tpu.barrier barrier_id(%barrier3A)
    %dma_start3A = arith.constant 0 : i32
    %dma_start3A_10 = arith.constant 0 : i32
    %dma_start3A_11 = arith.constant 0 : i32
    %dma_start3A_12 = arith.constant 0 : i32
    %dma_start3A_13 = tpu.memref_slice %arg10[%dma_start3A_10, %dma_start3A_11, %dma_start3A_12] : memref<2x128x128xf32, #tpu.memory_space<vmem>> -> memref<1x128x128xf32, #tpu.memory_space<vmem>>
    %dma_start3A_14 = tpu.memref_squeeze %dma_start3A_13 : memref<1x128x128xf32, #tpu.memory_space<vmem>> -> memref<128x128xf32, #tpu.memory_space<vmem>>
    %dma_start3A_15 = arith.constant 0 : i32
    %dma_start3A_16 = tpu.memref_slice %arg8[%dma_start3A, %dma_start3A_15] : memref<2x128xi32, #tpu.memory_space<vmem>> -> memref<1x128xi32, #tpu.memory_space<vmem>>
    %dma_start3A_17 = tpu.memref_squeeze %dma_start3A_16 : memref<1x128xi32, #tpu.memory_space<vmem>> -> memref<128xi32, #tpu.memory_space<vmem>>
    %dma_start3A_18 = arith.constant 0 : i32
    %dma_start3A_19 = arith.constant 0 : i32
    %dma_start3A_20 = tpu.memref_slice %arg2[%dma_start3A_18, %dma_start3A_19] : memref<20000x128xf32, #tpu.memory_space<hbm>> -> memref<20000x128xf32, #tpu.memory_space<hbm>>
    tpu.enqueue_indirect_dma source(%dma_start3A_20 : memref<20000x128xf32, #tpu.memory_space<hbm>>) target(%dma_start3A_14 : memref<128x128xf32, #tpu.memory_space<vmem>>) offsets(%dma_start3A_17 : memref<128xi32, #tpu.memory_space<vmem>>) semaphore(%arg11 : memref<!tpu.dma_semaphore, #tpu.memory_space<semaphore_mem>>)
    %add3A_21 = arith.constant 1 : i32
    %add3A_22 = arith.addi %add3A, %add3A_21 : i32
    %dma_start3A_23 = arith.constant 1 : i32
    %dma_start3A_24 = arith.constant 0 : i32
    %dma_start3A_25 = tpu.memref_slice %arg8[%dma_start3A_23, %dma_start3A_24] : memref<2x128xi32, #tpu.memory_space<vmem>> -> memref<1x128xi32, #tpu.memory_space<vmem>>
    %dma_start3A_26 = tpu.memref_squeeze %dma_start3A_25 : memref<1x128xi32, #tpu.memory_space<vmem>> -> memref<128xi32, #tpu.memory_space<vmem>>
    %dma_start3A_27 = arith.constant 0 : i32
    %dma_start3A_28 = tpu.memref_slice %arg3[%add3A_22, %dma_start3A_27] : memref<2560x128xi32, #tpu.memory_space<hbm>> -> memref<1x128xi32, #tpu.memory_space<hbm>>
    %dma_start3A_29 = tpu.memref_squeeze %dma_start3A_28 : memref<1x128xi32, #tpu.memory_space<hbm>> -> memref<128xi32, #tpu.memory_space<hbm>>
    %dma_start3A_30 = arith.constant 0 : i32
    %dma_start3A_31 = tpu.memref_slice %arg8[%dma_start3A_23, %dma_start3A_30] : memref<2x128xi32, #tpu.memory_space<vmem>> -> memref<1x128xi32, #tpu.memory_space<vmem>>
    %dma_start3A_32 = tpu.memref_squeeze %dma_start3A_31 : memref<1x128xi32, #tpu.memory_space<vmem>> -> memref<128xi32, #tpu.memory_space<vmem>>
    %dma_start3A_33 = arith.constant 0 : i32
    %dma_start3A_34 = tpu.memref_slice %arg3[%add3A_22, %dma_start3A_33] : memref<2560x128xi32, #tpu.memory_space<hbm>> -> memref<1x128xi32, #tpu.memory_space<hbm>>
    %dma_start3A_35 = tpu.memref_squeeze %dma_start3A_34 : memref<1x128xi32, #tpu.memory_space<hbm>> -> memref<128xi32, #tpu.memory_space<hbm>>
    tpu.enqueue_dma source(%dma_start3A_35 : memref<128xi32, #tpu.memory_space<hbm>>) target(%dma_start3A_32 : memref<128xi32, #tpu.memory_space<vmem>>) target_semaphore(%arg12 : memref<!tpu.dma_semaphore, #tpu.memory_space<semaphore_mem>>)
    %add3A_36 = arith.constant 1 : i32
    %add3A_37 = arith.addi %mul3A_8, %add3A_36 : i32
    %dma_start3A_38 = arith.constant 1 : i32
    %dma_start3A_39 = arith.constant 0 : i32
    %dma_start3A_40 = tpu.memref_slice %arg9[%dma_start3A_38, %dma_start3A_39] : memref<2x128xi32, #tpu.memory_space<vmem>> -> memref<1x128xi32, #tpu.memory_space<vmem>>
    %dma_start3A_41 = tpu.memref_squeeze %dma_start3A_40 : memref<1x128xi32, #tpu.memory_space<vmem>> -> memref<128xi32, #tpu.memory_space<vmem>>
    %dma_start3A_42 = arith.constant 0 : i32
    %dma_start3A_43 = tpu.memref_slice %arg4[%add3A_37, %dma_start3A_42] : memref<1280x128xi32, #tpu.memory_space<hbm>> -> memref<1x128xi32, #tpu.memory_space<hbm>>
    %dma_start3A_44 = tpu.memref_squeeze %dma_start3A_43 : memref<1x128xi32, #tpu.memory_space<hbm>> -> memref<128xi32, #tpu.memory_space<hbm>>
    %dma_start3A_45 = arith.constant 0 : i32
    %dma_start3A_46 = tpu.memref_slice %arg9[%dma_start3A_38, %dma_start3A_45] : memref<2x128xi32, #tpu.memory_space<vmem>> -> memref<1x128xi32, #tpu.memory_space<vmem>>
    %dma_start3A_47 = tpu.memref_squeeze %dma_start3A_46 : memref<1x128xi32, #tpu.memory_space<vmem>> -> memref<128xi32, #tpu.memory_space<vmem>>
    %dma_start3A_48 = arith.constant 0 : i32
    %dma_start3A_49 = tpu.memref_slice %arg4[%add3A_37, %dma_start3A_48] : memref<1280x128xi32, #tpu.memory_space<hbm>> -> memref<1x128xi32, #tpu.memory_space<hbm>>
    %dma_start3A_50 = tpu.memref_squeeze %dma_start3A_49 : memref<1x128xi32, #tpu.memory_space<hbm>> -> memref<128xi32, #tpu.memory_space<hbm>>
    tpu.enqueue_dma source(%dma_start3A_50 : memref<128xi32, #tpu.memory_space<hbm>>) target(%dma_start3A_47 : memref<128xi32, #tpu.memory_space<vmem>>) target_semaphore(%arg12 : memref<!tpu.dma_semaphore, #tpu.memory_space<semaphore_mem>>)
    %scan3A = arith.constant 0 : i32
    %scan3A_51 = arith.constant 0 : i32
    %scan3A_52 = arith.constant 40 : i32
    %scan3A_53 = arith.addi %scan3A_51, %scan3A_52 : i32
    %scan3A_54 = arith.constant 1 : i32
    scf.for %scan3A_98 = %scan3A_51 to %scan3A_53 step %scan3A_54  : i32 {
      %mul3A_99 = arith.constant 2 : i32
      %mul3A_100 = arith.muli %scan3A_98, %mul3A_99 : i32
      %add3A_101 = arith.constant 0 : i32
      %add3A_102 = arith.addi %mul3A_100, %add3A_101 : i32
      %dma_wait3A_103 = arith.constant 1 : i32
      %dma_wait3A_104 = arith.constant 0 : i32
      %dma_wait3A_105 = tpu.memref_slice %arg8[%dma_wait3A_103, %dma_wait3A_104] : memref<2x128xi32, #tpu.memory_space<vmem>> -> memref<1x128xi32, #tpu.memory_space<vmem>>
      %dma_wait3A_106 = tpu.memref_squeeze %dma_wait3A_105 : memref<1x128xi32, #tpu.memory_space<vmem>> -> memref<128xi32, #tpu.memory_space<vmem>>
      %dma_wait3A_107 = arith.constant 0 : i32
      %dma_wait3A_108 = tpu.memref_slice %arg3[%add3A, %dma_wait3A_107] : memref<2560x128xi32, #tpu.memory_space<hbm>> -> memref<1x128xi32, #tpu.memory_space<hbm>>
      %dma_wait3A_109 = tpu.memref_squeeze %dma_wait3A_108 : memref<1x128xi32, #tpu.memory_space<hbm>> -> memref<128xi32, #tpu.memory_space<hbm>>
      %dma_wait3A_110 = arith.constant 0 : i32
      %dma_wait3A_111 = tpu.memref_slice %arg8[%dma_wait3A_103, %dma_wait3A_110] : memref<2x128xi32, #tpu.memory_space<vmem>> -> memref<1x128xi32, #tpu.memory_space<vmem>>
      %dma_wait3A_112 = tpu.memref_squeeze %dma_wait3A_111 : memref<1x128xi32, #tpu.memory_space<vmem>> -> memref<128xi32, #tpu.memory_space<vmem>>
      %dma_wait3A_113 = arith.constant 0 : i32
      %dma_wait3A_114 = tpu.memref_slice %arg3[%add3A, %dma_wait3A_113] : memref<2560x128xi32, #tpu.memory_space<hbm>> -> memref<1x128xi32, #tpu.memory_space<hbm>>
      %dma_wait3A_115 = tpu.memref_squeeze %dma_wait3A_114 : memref<1x128xi32, #tpu.memory_space<hbm>> -> memref<128xi32, #tpu.memory_space<hbm>>
      tpu.wait_dma2 semaphore(%arg12 : memref<!tpu.dma_semaphore, #tpu.memory_space<semaphore_mem>>) src(%dma_wait3A_115 : memref<128xi32, #tpu.memory_space<hbm>>) dst(%dma_wait3A_112 : memref<128xi32, #tpu.memory_space<vmem>>)
      %dma_wait3A_116 = arith.constant 1 : i32
      %dma_wait3A_117 = arith.constant 0 : i32
      %dma_wait3A_118 = tpu.memref_slice %arg9[%dma_wait3A_116, %dma_wait3A_117] : memref<2x128xi32, #tpu.memory_space<vmem>> -> memref<1x128xi32, #tpu.memory_space<vmem>>
      %dma_wait3A_119 = tpu.memref_squeeze %dma_wait3A_118 : memref<1x128xi32, #tpu.memory_space<vmem>> -> memref<128xi32, #tpu.memory_space<vmem>>
      %dma_wait3A_120 = arith.constant 0 : i32
      %dma_wait3A_121 = tpu.memref_slice %arg4[%mul3A_8, %dma_wait3A_120] : memref<1280x128xi32, #tpu.memory_space<hbm>> -> memref<1x128xi32, #tpu.memory_space<hbm>>
      %dma_wait3A_122 = tpu.memref_squeeze %dma_wait3A_121 : memref<1x128xi32, #tpu.memory_space<hbm>> -> memref<128xi32, #tpu.memory_space<hbm>>
      %dma_wait3A_123 = arith.constant 0 : i32
      %dma_wait3A_124 = tpu.memref_slice %arg9[%dma_wait3A_116, %dma_wait3A_123] : memref<2x128xi32, #tpu.memory_space<vmem>> -> memref<1x128xi32, #tpu.memory_space<vmem>>
      %dma_wait3A_125 = tpu.memref_squeeze %dma_wait3A_124 : memref<1x128xi32, #tpu.memory_space<vmem>> -> memref<128xi32, #tpu.memory_space<vmem>>
      %dma_wait3A_126 = arith.constant 0 : i32
      %dma_wait3A_127 = tpu.memref_slice %arg4[%mul3A_8, %dma_wait3A_126] : memref<1280x128xi32, #tpu.memory_space<hbm>> -> memref<1x128xi32, #tpu.memory_space<hbm>>
      %dma_wait3A_128 = tpu.memref_squeeze %dma_wait3A_127 : memref<1x128xi32, #tpu.memory_space<hbm>> -> memref<128xi32, #tpu.memory_space<hbm>>
      tpu.wait_dma2 semaphore(%arg12 : memref<!tpu.dma_semaphore, #tpu.memory_space<semaphore_mem>>) src(%dma_wait3A_128 : memref<128xi32, #tpu.memory_space<hbm>>) dst(%dma_wait3A_125 : memref<128xi32, #tpu.memory_space<vmem>>)
      %dma_wait3A_129 = arith.constant 0 : i32
      %dma_wait3A_130 = arith.constant 0 : i32
      %dma_wait3A_131 = arith.constant 0 : i32
      %dma_wait3A_132 = arith.constant 0 : i32
      %dma_wait3A_133 = tpu.memref_slice %arg10[%dma_wait3A_130, %dma_wait3A_131, %dma_wait3A_132] : memref<2x128x128xf32, #tpu.memory_space<vmem>> -> memref<1x128x128xf32, #tpu.memory_space<vmem>>
      %dma_wait3A_134 = tpu.memref_squeeze %dma_wait3A_133 : memref<1x128x128xf32, #tpu.memory_space<vmem>> -> memref<128x128xf32, #tpu.memory_space<vmem>>
      %dma_wait3A_135 = arith.constant 0 : i32
      %dma_wait3A_136 = tpu.memref_slice %arg8[%dma_wait3A_129, %dma_wait3A_135] : memref<2x128xi32, #tpu.memory_space<vmem>> -> memref<1x128xi32, #tpu.memory_space<vmem>>
      %dma_wait3A_137 = tpu.memref_squeeze %dma_wait3A_136 : memref<1x128xi32, #tpu.memory_space<vmem>> -> memref<128xi32, #tpu.memory_space<vmem>>
      %dma_wait3A_138 = arith.constant 0 : i32
      %dma_wait3A_139 = arith.constant 0 : i32
      %dma_wait3A_140 = tpu.memref_slice %arg2[%dma_wait3A_138, %dma_wait3A_139] : memref<20000x128xf32, #tpu.memory_space<hbm>> -> memref<20000x128xf32, #tpu.memory_space<hbm>>
      tpu.wait_indirect_dma semaphore(%arg11 : memref<!tpu.dma_semaphore, #tpu.memory_space<semaphore_mem>>) src(%dma_wait3A_140 : memref<20000x128xf32, #tpu.memory_space<hbm>>) dst(%dma_wait3A_134 : memref<128x128xf32, #tpu.memory_space<vmem>>)
      %dma_start3A_141 = arith.constant 1 : i32
      %dma_start3A_142 = arith.constant 1 : i32
      %dma_start3A_143 = arith.constant 0 : i32
      %dma_start3A_144 = arith.constant 0 : i32
      %dma_start3A_145 = tpu.memref_slice %arg10[%dma_start3A_142, %dma_start3A_143, %dma_start3A_144] : memref<2x128x128xf32, #tpu.memory_space<vmem>> -> memref<1x128x128xf32, #tpu.memory_space<vmem>>
      %dma_start3A_146 = tpu.memref_squeeze %dma_start3A_145 : memref<1x128x128xf32, #tpu.memory_space<vmem>> -> memref<128x128xf32, #tpu.memory_space<vmem>>
      %dma_start3A_147 = arith.constant 0 : i32
      %dma_start3A_148 = tpu.memref_slice %arg8[%dma_start3A_141, %dma_start3A_147] : memref<2x128xi32, #tpu.memory_space<vmem>> -> memref<1x128xi32, #tpu.memory_space<vmem>>
      %dma_start3A_149 = tpu.memref_squeeze %dma_start3A_148 : memref<1x128xi32, #tpu.memory_space<vmem>> -> memref<128xi32, #tpu.memory_space<vmem>>
      %dma_start3A_150 = arith.constant 0 : i32
      %dma_start3A_151 = arith.constant 0 : i32
      %dma_start3A_152 = tpu.memref_slice %arg2[%dma_start3A_150, %dma_start3A_151] : memref<20000x128xf32, #tpu.memory_space<hbm>> -> memref<20000x128xf32, #tpu.memory_space<hbm>>
      tpu.enqueue_indirect_dma source(%dma_start3A_152 : memref<20000x128xf32, #tpu.memory_space<hbm>>) target(%dma_start3A_146 : memref<128x128xf32, #tpu.memory_space<vmem>>) offsets(%dma_start3A_149 : memref<128xi32, #tpu.memory_space<vmem>>) semaphore(%arg11 : memref<!tpu.dma_semaphore, #tpu.memory_space<semaphore_mem>>)
      %run_scoped3A_153 = arith.constant 0 : i32
      %run_scoped3A_154 = arith.constant 0 : i32
      "tpu.region"() ({
        %run_scoped3A_274 = tpu.sem_alloc : memref<!tpu.dma_semaphore, #tpu.memory_space<semaphore_mem>>
        %dma_start3A_275 = arith.constant 0 : i32
        %dma_start3A_276 = arith.constant 0 : i32
        %dma_start3A_277 = tpu.memref_slice %arg10[%run_scoped3A_153, %dma_start3A_275, %dma_start3A_276] : memref<2x128x128xf32, #tpu.memory_space<vmem>> -> memref<1x128x128xf32, #tpu.memory_space<vmem>>
        %dma_start3A_278 = tpu.memref_squeeze %dma_start3A_277 : memref<1x128x128xf32, #tpu.memory_space<vmem>> -> memref<128x128xf32, #tpu.memory_space<vmem>>
        %dma_start3A_279 = arith.constant 0 : i32
        %dma_start3A_280 = tpu.memref_slice %arg9[%run_scoped3A_154, %dma_start3A_279] : memref<2x128xi32, #tpu.memory_space<vmem>> -> memref<1x128xi32, #tpu.memory_space<vmem>>
        %dma_start3A_281 = tpu.memref_squeeze %dma_start3A_280 : memref<1x128xi32, #tpu.memory_space<vmem>> -> memref<128xi32, #tpu.memory_space<vmem>>
        %dma_start3A_282 = arith.constant 0 : i32
        %dma_start3A_283 = arith.constant 0 : i32
        %dma_start3A_284 = tpu.memref_slice %arg7[%dma_start3A_282, %dma_start3A_283] : memref<10240x128xf32, #tpu.memory_space<vmem_shared>> -> memref<10240x128xf32, #tpu.memory_space<vmem_shared>>
        tpu.enqueue_indirect_dma source(%dma_start3A_278 : memref<128x128xf32, #tpu.memory_space<vmem>>) target(%dma_start3A_284 : memref<10240x128xf32, #tpu.memory_space<vmem_shared>>) offsets(%dma_start3A_281 : memref<128xi32, #tpu.memory_space<vmem>>) semaphore(%run_scoped3A_274 : memref<!tpu.dma_semaphore, #tpu.memory_space<semaphore_mem>>) {add = true}
        %dma_wait3A_285 = arith.constant 0 : i32
        %dma_wait3A_286 = arith.constant 0 : i32
        %dma_wait3A_287 = tpu.memref_slice %arg10[%run_scoped3A_153, %dma_wait3A_285, %dma_wait3A_286] : memref<2x128x128xf32, #tpu.memory_space<vmem>> -> memref<1x128x128xf32, #tpu.memory_space<vmem>>
        %dma_wait3A_288 = tpu.memref_squeeze %dma_wait3A_287 : memref<1x128x128xf32, #tpu.memory_space<vmem>> -> memref<128x128xf32, #tpu.memory_space<vmem>>
        %dma_wait3A_289 = arith.constant 0 : i32
        %dma_wait3A_290 = tpu.memref_slice %arg9[%run_scoped3A_154, %dma_wait3A_289] : memref<2x128xi32, #tpu.memory_space<vmem>> -> memref<1x128xi32, #tpu.memory_space<vmem>>
        %dma_wait3A_291 = tpu.memref_squeeze %dma_wait3A_290 : memref<1x128xi32, #tpu.memory_space<vmem>> -> memref<128xi32, #tpu.memory_space<vmem>>
        %dma_wait3A_292 = arith.constant 0 : i32
        %dma_wait3A_293 = arith.constant 0 : i32
        %dma_wait3A_294 = tpu.memref_slice %arg7[%dma_wait3A_292, %dma_wait3A_293] : memref<10240x128xf32, #tpu.memory_space<vmem_shared>> -> memref<10240x128xf32, #tpu.memory_space<vmem_shared>>
        tpu.wait_indirect_dma semaphore(%run_scoped3A_274 : memref<!tpu.dma_semaphore, #tpu.memory_space<semaphore_mem>>) src(%dma_wait3A_288 : memref<128x128xf32, #tpu.memory_space<vmem>>) dst(%dma_wait3A_294 : memref<10240x128xf32, #tpu.memory_space<vmem_shared>>)
        tpu.yield
      }) : () -> ()
      %add3A_155 = arith.constant 2 : i32
      %add3A_156 = arith.addi %add3A_102, %add3A_155 : i32
      %rem3A = arith.constant 80 : i32
      %rem3A_157 = arith.remsi %add3A_156, %rem3A : i32
      %add3A_158 = arith.addi %add3A, %rem3A_157 : i32
      %dma_start3A_159 = arith.constant 0 : i32
      %dma_start3A_160 = arith.constant 0 : i32
      %dma_start3A_161 = tpu.memref_slice %arg8[%dma_start3A_159, %dma_start3A_160] : memref<2x128xi32, #tpu.memory_space<vmem>> -> memref<1x128xi32, #tpu.memory_space<vmem>>
      %dma_start3A_162 = tpu.memref_squeeze %dma_start3A_161 : memref<1x128xi32, #tpu.memory_space<vmem>> -> memref<128xi32, #tpu.memory_space<vmem>>
      %dma_start3A_163 = arith.constant 0 : i32
      %dma_start3A_164 = tpu.memref_slice %arg3[%add3A_158, %dma_start3A_163] : memref<2560x128xi32, #tpu.memory_space<hbm>> -> memref<1x128xi32, #tpu.memory_space<hbm>>
      %dma_start3A_165 = tpu.memref_squeeze %dma_start3A_164 : memref<1x128xi32, #tpu.memory_space<hbm>> -> memref<128xi32, #tpu.memory_space<hbm>>
      %dma_start3A_166 = arith.constant 0 : i32
      %dma_start3A_167 = tpu.memref_slice %arg8[%dma_start3A_159, %dma_start3A_166] : memref<2x128xi32, #tpu.memory_space<vmem>> -> memref<1x128xi32, #tpu.memory_space<vmem>>
      %dma_start3A_168 = tpu.memref_squeeze %dma_start3A_167 : memref<1x128xi32, #tpu.memory_space<vmem>> -> memref<128xi32, #tpu.memory_space<vmem>>
      %dma_start3A_169 = arith.constant 0 : i32
      %dma_start3A_170 = tpu.memref_slice %arg3[%add3A_158, %dma_start3A_169] : memref<2560x128xi32, #tpu.memory_space<hbm>> -> memref<1x128xi32, #tpu.memory_space<hbm>>
      %dma_start3A_171 = tpu.memref_squeeze %dma_start3A_170 : memref<1x128xi32, #tpu.memory_space<hbm>> -> memref<128xi32, #tpu.memory_space<hbm>>
      tpu.enqueue_dma source(%dma_start3A_171 : memref<128xi32, #tpu.memory_space<hbm>>) target(%dma_start3A_168 : memref<128xi32, #tpu.memory_space<vmem>>) target_semaphore(%arg12 : memref<!tpu.dma_semaphore, #tpu.memory_space<semaphore_mem>>)
      %add3A_172 = arith.addi %mul3A_8, %rem3A_157 : i32
      %dma_start3A_173 = arith.constant 0 : i32
      %dma_start3A_174 = arith.constant 0 : i32
      %dma_start3A_175 = tpu.memref_slice %arg9[%dma_start3A_173, %dma_start3A_174] : memref<2x128xi32, #tpu.memory_space<vmem>> -> memref<1x128xi32, #tpu.memory_space<vmem>>
      %dma_start3A_176 = tpu.memref_squeeze %dma_start3A_175 : memref<1x128xi32, #tpu.memory_space<vmem>> -> memref<128xi32, #tpu.memory_space<vmem>>
      %dma_start3A_177 = arith.constant 0 : i32
      %dma_start3A_178 = tpu.memref_slice %arg4[%add3A_172, %dma_start3A_177] : memref<1280x128xi32, #tpu.memory_space<hbm>> -> memref<1x128xi32, #tpu.memory_space<hbm>>
      %dma_start3A_179 = tpu.memref_squeeze %dma_start3A_178 : memref<1x128xi32, #tpu.memory_space<hbm>> -> memref<128xi32, #tpu.memory_space<hbm>>
      %dma_start3A_180 = arith.constant 0 : i32
      %dma_start3A_181 = tpu.memref_slice %arg9[%dma_start3A_173, %dma_start3A_180] : memref<2x128xi32, #tpu.memory_space<vmem>> -> memref<1x128xi32, #tpu.memory_space<vmem>>
      %dma_start3A_182 = tpu.memref_squeeze %dma_start3A_181 : memref<1x128xi32, #tpu.memory_space<vmem>> -> memref<128xi32, #tpu.memory_space<vmem>>
      %dma_start3A_183 = arith.constant 0 : i32
      %dma_start3A_184 = tpu.memref_slice %arg4[%add3A_172, %dma_start3A_183] : memref<1280x128xi32, #tpu.memory_space<hbm>> -> memref<1x128xi32, #tpu.memory_space<hbm>>
      %dma_start3A_185 = tpu.memref_squeeze %dma_start3A_184 : memref<1x128xi32, #tpu.memory_space<hbm>> -> memref<128xi32, #tpu.memory_space<hbm>>
      tpu.enqueue_dma source(%dma_start3A_185 : memref<128xi32, #tpu.memory_space<hbm>>) target(%dma_start3A_182 : memref<128xi32, #tpu.memory_space<vmem>>) target_semaphore(%arg12 : memref<!tpu.dma_semaphore, #tpu.memory_space<semaphore_mem>>)
      %mul3A_186 = arith.constant 2 : i32
      %mul3A_187 = arith.muli %scan3A_98, %mul3A_186 : i32
      %add3A_188 = arith.constant 1 : i32
      %add3A_189 = arith.addi %mul3A_187, %add3A_188 : i32
      %dma_wait3A_190 = arith.constant 0 : i32
      %dma_wait3A_191 = arith.constant 0 : i32
      %dma_wait3A_192 = tpu.memref_slice %arg8[%dma_wait3A_190, %dma_wait3A_191] : memref<2x128xi32, #tpu.memory_space<vmem>> -> memref<1x128xi32, #tpu.memory_space<vmem>>
      %dma_wait3A_193 = tpu.memref_squeeze %dma_wait3A_192 : memref<1x128xi32, #tpu.memory_space<vmem>> -> memref<128xi32, #tpu.memory_space<vmem>>
      %dma_wait3A_194 = arith.constant 0 : i32
      %dma_wait3A_195 = tpu.memref_slice %arg3[%add3A, %dma_wait3A_194] : memref<2560x128xi32, #tpu.memory_space<hbm>> -> memref<1x128xi32, #tpu.memory_space<hbm>>
      %dma_wait3A_196 = tpu.memref_squeeze %dma_wait3A_195 : memref<1x128xi32, #tpu.memory_space<hbm>> -> memref<128xi32, #tpu.memory_space<hbm>>
      %dma_wait3A_197 = arith.constant 0 : i32
      %dma_wait3A_198 = tpu.memref_slice %arg8[%dma_wait3A_190, %dma_wait3A_197] : memref<2x128xi32, #tpu.memory_space<vmem>> -> memref<1x128xi32, #tpu.memory_space<vmem>>
      %dma_wait3A_199 = tpu.memref_squeeze %dma_wait3A_198 : memref<1x128xi32, #tpu.memory_space<vmem>> -> memref<128xi32, #tpu.memory_space<vmem>>
      %dma_wait3A_200 = arith.constant 0 : i32
      %dma_wait3A_201 = tpu.memref_slice %arg3[%add3A, %dma_wait3A_200] : memref<2560x128xi32, #tpu.memory_space<hbm>> -> memref<1x128xi32, #tpu.memory_space<hbm>>
      %dma_wait3A_202 = tpu.memref_squeeze %dma_wait3A_201 : memref<1x128xi32, #tpu.memory_space<hbm>> -> memref<128xi32, #tpu.memory_space<hbm>>
      tpu.wait_dma2 semaphore(%arg12 : memref<!tpu.dma_semaphore, #tpu.memory_space<semaphore_mem>>) src(%dma_wait3A_202 : memref<128xi32, #tpu.memory_space<hbm>>) dst(%dma_wait3A_199 : memref<128xi32, #tpu.memory_space<vmem>>)
      %dma_wait3A_203 = arith.constant 0 : i32
      %dma_wait3A_204 = arith.constant 0 : i32
      %dma_wait3A_205 = tpu.memref_slice %arg9[%dma_wait3A_203, %dma_wait3A_204] : memref<2x128xi32, #tpu.memory_space<vmem>> -> memref<1x128xi32, #tpu.memory_space<vmem>>
      %dma_wait3A_206 = tpu.memref_squeeze %dma_wait3A_205 : memref<1x128xi32, #tpu.memory_space<vmem>> -> memref<128xi32, #tpu.memory_space<vmem>>
      %dma_wait3A_207 = arith.constant 0 : i32
      %dma_wait3A_208 = tpu.memref_slice %arg4[%mul3A_8, %dma_wait3A_207] : memref<1280x128xi32, #tpu.memory_space<hbm>> -> memref<1x128xi32, #tpu.memory_space<hbm>>
      %dma_wait3A_209 = tpu.memref_squeeze %dma_wait3A_208 : memref<1x128xi32, #tpu.memory_space<hbm>> -> memref<128xi32, #tpu.memory_space<hbm>>
      %dma_wait3A_210 = arith.constant 0 : i32
      %dma_wait3A_211 = tpu.memref_slice %arg9[%dma_wait3A_203, %dma_wait3A_210] : memref<2x128xi32, #tpu.memory_space<vmem>> -> memref<1x128xi32, #tpu.memory_space<vmem>>
      %dma_wait3A_212 = tpu.memref_squeeze %dma_wait3A_211 : memref<1x128xi32, #tpu.memory_space<vmem>> -> memref<128xi32, #tpu.memory_space<vmem>>
      %dma_wait3A_213 = arith.constant 0 : i32
      %dma_wait3A_214 = tpu.memref_slice %arg4[%mul3A_8, %dma_wait3A_213] : memref<1280x128xi32, #tpu.memory_space<hbm>> -> memref<1x128xi32, #tpu.memory_space<hbm>>
      %dma_wait3A_215 = tpu.memref_squeeze %dma_wait3A_214 : memref<1x128xi32, #tpu.memory_space<hbm>> -> memref<128xi32, #tpu.memory_space<hbm>>
      tpu.wait_dma2 semaphore(%arg12 : memref<!tpu.dma_semaphore, #tpu.memory_space<semaphore_mem>>) src(%dma_wait3A_215 : memref<128xi32, #tpu.memory_space<hbm>>) dst(%dma_wait3A_212 : memref<128xi32, #tpu.memory_space<vmem>>)
      %dma_wait3A_216 = arith.constant 1 : i32
      %dma_wait3A_217 = arith.constant 1 : i32
      %dma_wait3A_218 = arith.constant 0 : i32
      %dma_wait3A_219 = arith.constant 0 : i32
      %dma_wait3A_220 = tpu.memref_slice %arg10[%dma_wait3A_217, %dma_wait3A_218, %dma_wait3A_219] : memref<2x128x128xf32, #tpu.memory_space<vmem>> -> memref<1x128x128xf32, #tpu.memory_space<vmem>>
      %dma_wait3A_221 = tpu.memref_squeeze %dma_wait3A_220 : memref<1x128x128xf32, #tpu.memory_space<vmem>> -> memref<128x128xf32, #tpu.memory_space<vmem>>
      %dma_wait3A_222 = arith.constant 0 : i32
      %dma_wait3A_223 = tpu.memref_slice %arg8[%dma_wait3A_216, %dma_wait3A_222] : memref<2x128xi32, #tpu.memory_space<vmem>> -> memref<1x128xi32, #tpu.memory_space<vmem>>
      %dma_wait3A_224 = tpu.memref_squeeze %dma_wait3A_223 : memref<1x128xi32, #tpu.memory_space<vmem>> -> memref<128xi32, #tpu.memory_space<vmem>>
      %dma_wait3A_225 = arith.constant 0 : i32
      %dma_wait3A_226 = arith.constant 0 : i32
      %dma_wait3A_227 = tpu.memref_slice %arg2[%dma_wait3A_225, %dma_wait3A_226] : memref<20000x128xf32, #tpu.memory_space<hbm>> -> memref<20000x128xf32, #tpu.memory_space<hbm>>
      tpu.wait_indirect_dma semaphore(%arg11 : memref<!tpu.dma_semaphore, #tpu.memory_space<semaphore_mem>>) src(%dma_wait3A_227 : memref<20000x128xf32, #tpu.memory_space<hbm>>) dst(%dma_wait3A_221 : memref<128x128xf32, #tpu.memory_space<vmem>>)
      %dma_start3A_228 = arith.constant 0 : i32
      %dma_start3A_229 = arith.constant 0 : i32
      %dma_start3A_230 = arith.constant 0 : i32
      %dma_start3A_231 = arith.constant 0 : i32
      %dma_start3A_232 = tpu.memref_slice %arg10[%dma_start3A_229, %dma_start3A_230, %dma_start3A_231] : memref<2x128x128xf32, #tpu.memory_space<vmem>> -> memref<1x128x128xf32, #tpu.memory_space<vmem>>
      %dma_start3A_233 = tpu.memref_squeeze %dma_start3A_232 : memref<1x128x128xf32, #tpu.memory_space<vmem>> -> memref<128x128xf32, #tpu.memory_space<vmem>>
      %dma_start3A_234 = arith.constant 0 : i32
      %dma_start3A_235 = tpu.memref_slice %arg8[%dma_start3A_228, %dma_start3A_234] : memref<2x128xi32, #tpu.memory_space<vmem>> -> memref<1x128xi32, #tpu.memory_space<vmem>>
      %dma_start3A_236 = tpu.memref_squeeze %dma_start3A_235 : memref<1x128xi32, #tpu.memory_space<vmem>> -> memref<128xi32, #tpu.memory_space<vmem>>
      %dma_start3A_237 = arith.constant 0 : i32
      %dma_start3A_238 = arith.constant 0 : i32
      %dma_start3A_239 = tpu.memref_slice %arg2[%dma_start3A_237, %dma_start3A_238] : memref<20000x128xf32, #tpu.memory_space<hbm>> -> memref<20000x128xf32, #tpu.memory_space<hbm>>
      tpu.enqueue_indirect_dma source(%dma_start3A_239 : memref<20000x128xf32, #tpu.memory_space<hbm>>) target(%dma_start3A_233 : memref<128x128xf32, #tpu.memory_space<vmem>>) offsets(%dma_start3A_236 : memref<128xi32, #tpu.memory_space<vmem>>) semaphore(%arg11 : memref<!tpu.dma_semaphore, #tpu.memory_space<semaphore_mem>>)
      %run_scoped3A_240 = arith.constant 1 : i32
      %run_scoped3A_241 = arith.constant 1 : i32
      "tpu.region"() ({
        %run_scoped3A_274 = tpu.sem_alloc : memref<!tpu.dma_semaphore, #tpu.memory_space<semaphore_mem>>
        %dma_start3A_275 = arith.constant 0 : i32
        %dma_start3A_276 = arith.constant 0 : i32
        %dma_start3A_277 = tpu.memref_slice %arg10[%run_scoped3A_240, %dma_start3A_275, %dma_start3A_276] : memref<2x128x128xf32, #tpu.memory_space<vmem>> -> memref<1x128x128xf32, #tpu.memory_space<vmem>>
        %dma_start3A_278 = tpu.memref_squeeze %dma_start3A_277 : memref<1x128x128xf32, #tpu.memory_space<vmem>> -> memref<128x128xf32, #tpu.memory_space<vmem>>
        %dma_start3A_279 = arith.constant 0 : i32
        %dma_start3A_280 = tpu.memref_slice %arg9[%run_scoped3A_241, %dma_start3A_279] : memref<2x128xi32, #tpu.memory_space<vmem>> -> memref<1x128xi32, #tpu.memory_space<vmem>>
        %dma_start3A_281 = tpu.memref_squeeze %dma_start3A_280 : memref<1x128xi32, #tpu.memory_space<vmem>> -> memref<128xi32, #tpu.memory_space<vmem>>
        %dma_start3A_282 = arith.constant 0 : i32
        %dma_start3A_283 = arith.constant 0 : i32
        %dma_start3A_284 = tpu.memref_slice %arg7[%dma_start3A_282, %dma_start3A_283] : memref<10240x128xf32, #tpu.memory_space<vmem_shared>> -> memref<10240x128xf32, #tpu.memory_space<vmem_shared>>
        tpu.enqueue_indirect_dma source(%dma_start3A_278 : memref<128x128xf32, #tpu.memory_space<vmem>>) target(%dma_start3A_284 : memref<10240x128xf32, #tpu.memory_space<vmem_shared>>) offsets(%dma_start3A_281 : memref<128xi32, #tpu.memory_space<vmem>>) semaphore(%run_scoped3A_274 : memref<!tpu.dma_semaphore, #tpu.memory_space<semaphore_mem>>) {add = true}
        %dma_wait3A_285 = arith.constant 0 : i32
        %dma_wait3A_286 = arith.constant 0 : i32
        %dma_wait3A_287 = tpu.memref_slice %arg10[%run_scoped3A_240, %dma_wait3A_285, %dma_wait3A_286] : memref<2x128x128xf32, #tpu.memory_space<vmem>> -> memref<1x128x128xf32, #tpu.memory_space<vmem>>
        %dma_wait3A_288 = tpu.memref_squeeze %dma_wait3A_287 : memref<1x128x128xf32, #tpu.memory_space<vmem>> -> memref<128x128xf32, #tpu.memory_space<vmem>>
        %dma_wait3A_289 = arith.constant 0 : i32
        %dma_wait3A_290 = tpu.memref_slice %arg9[%run_scoped3A_241, %dma_wait3A_289] : memref<2x128xi32, #tpu.memory_space<vmem>> -> memref<1x128xi32, #tpu.memory_space<vmem>>
        %dma_wait3A_291 = tpu.memref_squeeze %dma_wait3A_290 : memref<1x128xi32, #tpu.memory_space<vmem>> -> memref<128xi32, #tpu.memory_space<vmem>>
        %dma_wait3A_292 = arith.constant 0 : i32
        %dma_wait3A_293 = arith.constant 0 : i32
        %dma_wait3A_294 = tpu.memref_slice %arg7[%dma_wait3A_292, %dma_wait3A_293] : memref<10240x128xf32, #tpu.memory_space<vmem_shared>> -> memref<10240x128xf32, #tpu.memory_space<vmem_shared>>
        tpu.wait_indirect_dma semaphore(%run_scoped3A_274 : memref<!tpu.dma_semaphore, #tpu.memory_space<semaphore_mem>>) src(%dma_wait3A_288 : memref<128x128xf32, #tpu.memory_space<vmem>>) dst(%dma_wait3A_294 : memref<10240x128xf32, #tpu.memory_space<vmem_shared>>)
        tpu.yield
      }) : () -> ()
      %add3A_242 = arith.constant 2 : i32
      %add3A_243 = arith.addi %add3A_189, %add3A_242 : i32
      %rem3A_244 = arith.constant 80 : i32
      %rem3A_245 = arith.remsi %add3A_243, %rem3A_244 : i32
      %add3A_246 = arith.addi %add3A, %rem3A_245 : i32
      %dma_start3A_247 = arith.constant 1 : i32
      %dma_start3A_248 = arith.constant 0 : i32
      %dma_start3A_249 = tpu.memref_slice %arg8[%dma_start3A_247, %dma_start3A_248] : memref<2x128xi32, #tpu.memory_space<vmem>> -> memref<1x128xi32, #tpu.memory_space<vmem>>
      %dma_start3A_250 = tpu.memref_squeeze %dma_start3A_249 : memref<1x128xi32, #tpu.memory_space<vmem>> -> memref<128xi32, #tpu.memory_space<vmem>>
      %dma_start3A_251 = arith.constant 0 : i32
      %dma_start3A_252 = tpu.memref_slice %arg3[%add3A_246, %dma_start3A_251] : memref<2560x128xi32, #tpu.memory_space<hbm>> -> memref<1x128xi32, #tpu.memory_space<hbm>>
      %dma_start3A_253 = tpu.memref_squeeze %dma_start3A_252 : memref<1x128xi32, #tpu.memory_space<hbm>> -> memref<128xi32, #tpu.memory_space<hbm>>
      %dma_start3A_254 = arith.constant 0 : i32
      %dma_start3A_255 = tpu.memref_slice %arg8[%dma_start3A_247, %dma_start3A_254] : memref<2x128xi32, #tpu.memory_space<vmem>> -> memref<1x128xi32, #tpu.memory_space<vmem>>
      %dma_start3A_256 = tpu.memref_squeeze %dma_start3A_255 : memref<1x128xi32, #tpu.memory_space<vmem>> -> memref<128xi32, #tpu.memory_space<vmem>>
      %dma_start3A_257 = arith.constant 0 : i32
      %dma_start3A_258 = tpu.memref_slice %arg3[%add3A_246, %dma_start3A_257] : memref<2560x128xi32, #tpu.memory_space<hbm>> -> memref<1x128xi32, #tpu.memory_space<hbm>>
      %dma_start3A_259 = tpu.memref_squeeze %dma_start3A_258 : memref<1x128xi32, #tpu.memory_space<hbm>> -> memref<128xi32, #tpu.memory_space<hbm>>
      tpu.enqueue_dma source(%dma_start3A_259 : memref<128xi32, #tpu.memory_space<hbm>>) target(%dma_start3A_256 : memref<128xi32, #tpu.memory_space<vmem>>) target_semaphore(%arg12 : memref<!tpu.dma_semaphore, #tpu.memory_space<semaphore_mem>>)
      %add3A_260 = arith.addi %mul3A_8, %rem3A_245 : i32
      %dma_start3A_261 = arith.constant 1 : i32
      %dma_start3A_262 = arith.constant 0 : i32
      %dma_start3A_263 = tpu.memref_slice %arg9[%dma_start3A_261, %dma_start3A_262] : memref<2x128xi32, #tpu.memory_space<vmem>> -> memref<1x128xi32, #tpu.memory_space<vmem>>
      %dma_start3A_264 = tpu.memref_squeeze %dma_start3A_263 : memref<1x128xi32, #tpu.memory_space<vmem>> -> memref<128xi32, #tpu.memory_space<vmem>>
      %dma_start3A_265 = arith.constant 0 : i32
      %dma_start3A_266 = tpu.memref_slice %arg4[%add3A_260, %dma_start3A_265] : memref<1280x128xi32, #tpu.memory_space<hbm>> -> memref<1x128xi32, #tpu.memory_space<hbm>>
      %dma_start3A_267 = tpu.memref_squeeze %dma_start3A_266 : memref<1x128xi32, #tpu.memory_space<hbm>> -> memref<128xi32, #tpu.memory_space<hbm>>
      %dma_start3A_268 = arith.constant 0 : i32
      %dma_start3A_269 = tpu.memref_slice %arg9[%dma_start3A_261, %dma_start3A_268] : memref<2x128xi32, #tpu.memory_space<vmem>> -> memref<1x128xi32, #tpu.memory_space<vmem>>
      %dma_start3A_270 = tpu.memref_squeeze %dma_start3A_269 : memref<1x128xi32, #tpu.memory_space<vmem>> -> memref<128xi32, #tpu.memory_space<vmem>>
      %dma_start3A_271 = arith.constant 0 : i32
      %dma_start3A_272 = tpu.memref_slice %arg4[%add3A_260, %dma_start3A_271] : memref<1280x128xi32, #tpu.memory_space<hbm>> -> memref<1x128xi32, #tpu.memory_space<hbm>>
      %dma_start3A_273 = tpu.memref_squeeze %dma_start3A_272 : memref<1x128xi32, #tpu.memory_space<hbm>> -> memref<128xi32, #tpu.memory_space<hbm>>
      tpu.enqueue_dma source(%dma_start3A_273 : memref<128xi32, #tpu.memory_space<hbm>>) target(%dma_start3A_270 : memref<128xi32, #tpu.memory_space<vmem>>) target_semaphore(%arg12 : memref<!tpu.dma_semaphore, #tpu.memory_space<semaphore_mem>>)
    }
    %scan3A_55 = arith.constant 40 : i32
    %dma_wait3A = arith.constant 0 : i32
    %dma_wait3A_56 = arith.constant 0 : i32
    %dma_wait3A_57 = arith.constant 0 : i32
    %dma_wait3A_58 = arith.constant 0 : i32
    %dma_wait3A_59 = tpu.memref_slice %arg10[%dma_wait3A_56, %dma_wait3A_57, %dma_wait3A_58] : memref<2x128x128xf32, #tpu.memory_space<vmem>> -> memref<1x128x128xf32, #tpu.memory_space<vmem>>
    %dma_wait3A_60 = tpu.memref_squeeze %dma_wait3A_59 : memref<1x128x128xf32, #tpu.memory_space<vmem>> -> memref<128x128xf32, #tpu.memory_space<vmem>>
    %dma_wait3A_61 = arith.constant 0 : i32
    %dma_wait3A_62 = tpu.memref_slice %arg8[%dma_wait3A, %dma_wait3A_61] : memref<2x128xi32, #tpu.memory_space<vmem>> -> memref<1x128xi32, #tpu.memory_space<vmem>>
    %dma_wait3A_63 = tpu.memref_squeeze %dma_wait3A_62 : memref<1x128xi32, #tpu.memory_space<vmem>> -> memref<128xi32, #tpu.memory_space<vmem>>
    %dma_wait3A_64 = arith.constant 0 : i32
    %dma_wait3A_65 = arith.constant 0 : i32
    %dma_wait3A_66 = tpu.memref_slice %arg2[%dma_wait3A_64, %dma_wait3A_65] : memref<20000x128xf32, #tpu.memory_space<hbm>> -> memref<20000x128xf32, #tpu.memory_space<hbm>>
    tpu.wait_indirect_dma semaphore(%arg11 : memref<!tpu.dma_semaphore, #tpu.memory_space<semaphore_mem>>) src(%dma_wait3A_66 : memref<20000x128xf32, #tpu.memory_space<hbm>>) dst(%dma_wait3A_60 : memref<128x128xf32, #tpu.memory_space<vmem>>)
    %dma_wait3A_67 = arith.constant 0 : i32
    %dma_wait3A_68 = arith.constant 0 : i32
    %dma_wait3A_69 = tpu.memref_slice %arg8[%dma_wait3A_67, %dma_wait3A_68] : memref<2x128xi32, #tpu.memory_space<vmem>> -> memref<1x128xi32, #tpu.memory_space<vmem>>
    %dma_wait3A_70 = tpu.memref_squeeze %dma_wait3A_69 : memref<1x128xi32, #tpu.memory_space<vmem>> -> memref<128xi32, #tpu.memory_space<vmem>>
    %dma_wait3A_71 = arith.constant 0 : i32
    %dma_wait3A_72 = tpu.memref_slice %arg3[%add3A, %dma_wait3A_71] : memref<2560x128xi32, #tpu.memory_space<hbm>> -> memref<1x128xi32, #tpu.memory_space<hbm>>
    %dma_wait3A_73 = tpu.memref_squeeze %dma_wait3A_72 : memref<1x128xi32, #tpu.memory_space<hbm>> -> memref<128xi32, #tpu.memory_space<hbm>>
    %dma_wait3A_74 = arith.constant 0 : i32
    %dma_wait3A_75 = tpu.memref_slice %arg8[%dma_wait3A_67, %dma_wait3A_74] : memref<2x128xi32, #tpu.memory_space<vmem>> -> memref<1x128xi32, #tpu.memory_space<vmem>>
    %dma_wait3A_76 = tpu.memref_squeeze %dma_wait3A_75 : memref<1x128xi32, #tpu.memory_space<vmem>> -> memref<128xi32, #tpu.memory_space<vmem>>
    %dma_wait3A_77 = arith.constant 0 : i32
    %dma_wait3A_78 = tpu.memref_slice %arg3[%add3A, %dma_wait3A_77] : memref<2560x128xi32, #tpu.memory_space<hbm>> -> memref<1x128xi32, #tpu.memory_space<hbm>>
    %dma_wait3A_79 = tpu.memref_squeeze %dma_wait3A_78 : memref<1x128xi32, #tpu.memory_space<hbm>> -> memref<128xi32, #tpu.memory_space<hbm>>
    tpu.wait_dma2 semaphore(%arg12 : memref<!tpu.dma_semaphore, #tpu.memory_space<semaphore_mem>>) src(%dma_wait3A_79 : memref<128xi32, #tpu.memory_space<hbm>>) dst(%dma_wait3A_76 : memref<128xi32, #tpu.memory_space<vmem>>)
    %dma_wait3A_80 = arith.constant 0 : i32
    %dma_wait3A_81 = arith.constant 0 : i32
    %dma_wait3A_82 = tpu.memref_slice %arg9[%dma_wait3A_80, %dma_wait3A_81] : memref<2x128xi32, #tpu.memory_space<vmem>> -> memref<1x128xi32, #tpu.memory_space<vmem>>
    %dma_wait3A_83 = tpu.memref_squeeze %dma_wait3A_82 : memref<1x128xi32, #tpu.memory_space<vmem>> -> memref<128xi32, #tpu.memory_space<vmem>>
    %dma_wait3A_84 = arith.constant 0 : i32
    %dma_wait3A_85 = tpu.memref_slice %arg4[%mul3A_8, %dma_wait3A_84] : memref<1280x128xi32, #tpu.memory_space<hbm>> -> memref<1x128xi32, #tpu.memory_space<hbm>>
    %dma_wait3A_86 = tpu.memref_squeeze %dma_wait3A_85 : memref<1x128xi32, #tpu.memory_space<hbm>> -> memref<128xi32, #tpu.memory_space<hbm>>
    %dma_wait3A_87 = arith.constant 0 : i32
    %dma_wait3A_88 = tpu.memref_slice %arg9[%dma_wait3A_80, %dma_wait3A_87] : memref<2x128xi32, #tpu.memory_space<vmem>> -> memref<1x128xi32, #tpu.memory_space<vmem>>
    %dma_wait3A_89 = tpu.memref_squeeze %dma_wait3A_88 : memref<1x128xi32, #tpu.memory_space<vmem>> -> memref<128xi32, #tpu.memory_space<vmem>>
    %dma_wait3A_90 = arith.constant 0 : i32
    %dma_wait3A_91 = tpu.memref_slice %arg4[%mul3A_8, %dma_wait3A_90] : memref<1280x128xi32, #tpu.memory_space<hbm>> -> memref<1x128xi32, #tpu.memory_space<hbm>>
    %dma_wait3A_92 = tpu.memref_squeeze %dma_wait3A_91 : memref<1x128xi32, #tpu.memory_space<hbm>> -> memref<128xi32, #tpu.memory_space<hbm>>
    tpu.wait_dma2 semaphore(%arg12 : memref<!tpu.dma_semaphore, #tpu.memory_space<semaphore_mem>>) src(%dma_wait3A_92 : memref<128xi32, #tpu.memory_space<hbm>>) dst(%dma_wait3A_89 : memref<128xi32, #tpu.memory_space<vmem>>)
    %barrier3A_93 = arith.constant 0 : index
    tpu.barrier barrier_id(%barrier3A_93)
    %mul3A_94 = arith.constant 640 : i32
    %mul3A_95 = arith.muli %arg1, %mul3A_94 : i32
    %mul3A_96 = arith.constant 640 : i32
    %mul3A_97 = arith.muli %arg1, %mul3A_96 : i32
    "tpu.region"() ({
      %run_scoped3A_98 = tpu.sem_alloc : memref<!tpu.dma_semaphore, #tpu.memory_space<semaphore_mem>>
      %dma_start3A_99 = arith.constant 0 : i32
      %dma_start3A_100 = tpu.memref_slice %arg6[%arg0, %mul3A_97, %dma_start3A_99] : memref<2x10240x128xf32, #tpu.memory_space<hbm>> -> memref<1x640x128xf32, #tpu.memory_space<hbm>>
      %dma_start3A_101 = tpu.memref_squeeze %dma_start3A_100 : memref<1x640x128xf32, #tpu.memory_space<hbm>> -> memref<640x128xf32, #tpu.memory_space<hbm>>
      %dma_start3A_102 = arith.constant 0 : i32
      %dma_start3A_103 = tpu.memref_slice %arg7[%mul3A_95, %dma_start3A_102] : memref<10240x128xf32, #tpu.memory_space<vmem_shared>> -> memref<640x128xf32, #tpu.memory_space<vmem_shared>>
      tpu.enqueue_dma source(%dma_start3A_103 : memref<640x128xf32, #tpu.memory_space<vmem_shared>>) target(%dma_start3A_101 : memref<640x128xf32, #tpu.memory_space<hbm>>) target_semaphore(%run_scoped3A_98 : memref<!tpu.dma_semaphore, #tpu.memory_space<semaphore_mem>>)
      %dma_wait3A_104 = arith.constant 0 : i32
      %dma_wait3A_105 = tpu.memref_slice %arg6[%arg0, %mul3A_97, %dma_wait3A_104] : memref<2x10240x128xf32, #tpu.memory_space<hbm>> -> memref<1x640x128xf32, #tpu.memory_space<hbm>>
      %dma_wait3A_106 = tpu.memref_squeeze %dma_wait3A_105 : memref<1x640x128xf32, #tpu.memory_space<hbm>> -> memref<640x128xf32, #tpu.memory_space<hbm>>
      %dma_wait3A_107 = arith.constant 0 : i32
      %dma_wait3A_108 = tpu.memref_slice %arg7[%mul3A_95, %dma_wait3A_107] : memref<10240x128xf32, #tpu.memory_space<vmem_shared>> -> memref<640x128xf32, #tpu.memory_space<vmem_shared>>
      tpu.wait_dma2 semaphore(%run_scoped3A_98 : memref<!tpu.dma_semaphore, #tpu.memory_space<semaphore_mem>>) src(%dma_wait3A_108 : memref<640x128xf32, #tpu.memory_space<vmem_shared>>) dst(%dma_wait3A_106 : memref<640x128xf32, #tpu.memory_space<hbm>>)
      tpu.yield
    }) : () -> ()
    return
  }
}

module attributes {stable_mosaic.version = 14 : i64} {
  func.func @body(%arg0: i32, %arg1: memref<2000x256xf32, #tpu.memory_space<vmem>>, %arg2: memref<256x256xf32, #tpu.memory_space<vmem>>, %arg3: memref<2x2000x16xf32, #tpu.memory_space<vmem>>, %arg4: memref<2x2000x128xf32, #tpu.memory_space<vmem>>) attributes {dimension_semantics = [#tpu.dimension_semantics<arbitrary>], iteration_bounds = array<i64: 5>, scalar_prefetch = 0 : i64, scratch_operands = 0 : i64, tpu.core_type = #tpu.core_type<tc>, window_params = [{transform_indices = @transform_0, window_bounds = array<i64: 2000, 256>}, {pipeline_mode = #tpu.pipeline_mode<synchronous>, transform_indices = @transform_1, window_bounds = array<i64: 256, 256>}, {transform_indices = @transform_2, window_bounds = array<i64: 2, 2000, 16>}, {transform_indices = @transform_3, window_bounds = array<i64: 2, 2000, 128>}]} {
    %get3A = arith.constant 0 : index
    %get3A_0 = arith.constant 0 : index
    %get3A_1 = arith.constant 0 : index
    %get3A_2 = vector.load %arg3[%get3A, %get3A_0, %get3A_1] : memref<2x2000x16xf32, #tpu.memory_space<vmem>>, vector<1x2000x1xf32>
    %get3A_3 = vector.shape_cast %get3A_2 : vector<1x2000x1xf32> to vector<2000xf32>
    %get3A_4 = arith.constant 1 : index
    %get3A_5 = arith.constant 0 : index
    %get3A_6 = arith.constant 0 : index
    %get3A_7 = vector.load %arg3[%get3A_4, %get3A_5, %get3A_6] : memref<2x2000x16xf32, #tpu.memory_space<vmem>>, vector<1x2000x1xf32>
    %get3A_8 = vector.shape_cast %get3A_7 : vector<1x2000x1xf32> to vector<2000xf32>
    %add3A = arith.addf %get3A_3, %get3A_8 : vector<2000xf32>
    %add3A_9 = arith.constant 1.000000e+00 : f32
    %add3A_10 = vector.broadcast %add3A_9 : f32 to vector<2000xf32>
    %add3A_11 = arith.addf %add3A, %add3A_10 : vector<2000xf32>
    %rsqrt3A = math.rsqrt %add3A_11 : vector<2000xf32>
    %get3A_12 = arith.constant 0 : index
    %get3A_13 = arith.constant 0 : index
    %get3A_14 = vector.load %arg1[%get3A_12, %get3A_13] : memref<2000x256xf32, #tpu.memory_space<vmem>>, vector<2000x256xf32>
    %get3A_15 = arith.constant 0 : index
    %get3A_16 = arith.constant 0 : index
    %get3A_17 = vector.load %arg2[%get3A_15, %get3A_16] : memref<256x256xf32, #tpu.memory_space<vmem>>, vector<256x256xf32>
    %dot_general3A = arith.constant dense<0.000000e+00> : vector<2000x256xf32>
    %dot_general3A_18 = tpu.matmul %get3A_14, %get3A_17, %dot_general3A {dimension_numbers = #tpu.dot_dimension_numbers<[1], [0], [0], [1], [0, 0, 1, 1], [], []>, transpose_lhs_hint = false} : vector<2000x256xf32>, vector<256x256xf32>, vector<2000x256xf32> -> vector<2000x256xf32>
    %broadcast_in_dim3A = vector.shape_cast %rsqrt3A : vector<2000xf32> to vector<2000x1xf32>
    %mul3A = vector.broadcast %broadcast_in_dim3A : vector<2000x1xf32> to vector<2000x256xf32>
    %mul3A_19 = arith.mulf %dot_general3A_18, %mul3A : vector<2000x256xf32>
    %slice3A = vector.extract_strided_slice %mul3A_19 {offsets = [0, 0], sizes = [2000, 128], strides = [1, 1]} : vector<2000x256xf32> to vector<2000x128xf32>
    %swap3A = arith.constant 0 : index
    %swap3A_20 = arith.constant 0 : index
    %swap3A_21 = arith.constant 0 : index
    %swap3A_22 = vector.load %arg4[%swap3A, %swap3A_20, %swap3A_21] : memref<2x2000x128xf32, #tpu.memory_space<vmem>>, vector<1x2000x128xf32>
    %swap3A_23 = vector.shape_cast %swap3A_22 : vector<1x2000x128xf32> to vector<2000x128xf32>
    %swap3A_24 = vector.shape_cast %slice3A : vector<2000x128xf32> to vector<1x2000x128xf32>
    tpu.vector_store %arg4[%swap3A, %swap3A_20, %swap3A_21], %swap3A_24 {strides = array<i32>} : memref<2x2000x128xf32, #tpu.memory_space<vmem>>, vector<1x2000x128xf32>,
    %slice3A_25 = vector.extract_strided_slice %mul3A_19 {offsets = [0, 128], sizes = [2000, 128], strides = [1, 1]} : vector<2000x256xf32> to vector<2000x128xf32>
    %swap3A_26 = arith.constant 1 : index
    %swap3A_27 = arith.constant 0 : index
    %swap3A_28 = arith.constant 0 : index
    %swap3A_29 = vector.load %arg4[%swap3A_26, %swap3A_27, %swap3A_28] : memref<2x2000x128xf32, #tpu.memory_space<vmem>>, vector<1x2000x128xf32>
    %swap3A_30 = vector.shape_cast %swap3A_29 : vector<1x2000x128xf32> to vector<2000x128xf32>
    %swap3A_31 = vector.shape_cast %slice3A_25 : vector<2000x128xf32> to vector<1x2000x128xf32>
    tpu.vector_store %arg4[%swap3A_26, %swap3A_27, %swap3A_28], %swap3A_31 {strides = array<i32>} : memref<2x2000x128xf32, #tpu.memory_space<vmem>>, vector<1x2000x128xf32>,
    return
  }
  func.func @transform_0(%arg0: i32) -> (i32, i32) {
    %c0_i32 = arith.constant 0 : i32
    %c0_i32_0 = arith.constant 0 : i32
    return %arg0, %c0_i32 : i32, i32
  }
  func.func @transform_1(%arg0: i32) -> (i32, i32) {
    %c0_i32 = arith.constant 0 : i32
    %c0_i32_0 = arith.constant 0 : i32
    %c0_i32_1 = arith.constant 0 : i32
    return %c0_i32, %c0_i32_0 : i32, i32
  }
  func.func @transform_2(%arg0: i32) -> (i32, i32, i32) {
    %c0_i32 = arith.constant 0 : i32
    %c0_i32_0 = arith.constant 0 : i32
    %c0_i32_1 = arith.constant 0 : i32
    return %c0_i32, %arg0, %c0_i32_0 : i32, i32, i32
  }
  func.func @transform_3(%arg0: i32) -> (i32, i32, i32) {
    %c0_i32 = arith.constant 0 : i32
    %c0_i32_0 = arith.constant 0 : i32
    %c0_i32_1 = arith.constant 0 : i32
    return %c0_i32, %arg0, %c0_i32_0 : i32, i32, i32
  }
}

module attributes {stable_mosaic.version = 14 : i64} {
  func.func @body(%arg0: i32, %arg1: memref<2x2000x128xf32, #tpu.memory_space<vmem>>, %arg2: memref<2x2000x128xf32, #tpu.memory_space<vmem>>, %arg3: memref<2x2000x16xf32, #tpu.memory_space<vmem>>, %arg4: memref<1x256xf32, #tpu.memory_space<vmem>>, %arg5: memref<256x128xf32, #tpu.memory_space<vmem>>, %arg6: memref<2000x128xf32, #tpu.memory_space<vmem>>) attributes {dimension_semantics = [#tpu.dimension_semantics<arbitrary>], iteration_bounds = array<i64: 5>, scalar_prefetch = 0 : i64, scratch_operands = 0 : i64, tpu.core_type = #tpu.core_type<tc>, window_params = [{transform_indices = @transform_0, window_bounds = array<i64: 2, 2000, 128>}, {transform_indices = @transform_1, window_bounds = array<i64: 2, 2000, 128>}, {transform_indices = @transform_2, window_bounds = array<i64: 2, 2000, 16>}, {pipeline_mode = #tpu.pipeline_mode<synchronous>, transform_indices = @transform_3, window_bounds = array<i64: 1, 256>}, {pipeline_mode = #tpu.pipeline_mode<synchronous>, transform_indices = @transform_4, window_bounds = array<i64: 256, 128>}, {transform_indices = @transform_5, window_bounds = array<i64: 2000, 128>}]} {
    %get3A = arith.constant 0 : index
    %get3A_0 = arith.constant 0 : index
    %get3A_1 = arith.constant 0 : index
    %get3A_2 = vector.load %arg3[%get3A, %get3A_0, %get3A_1] : memref<2x2000x16xf32, #tpu.memory_space<vmem>>, vector<1x2000x1xf32>
    %get3A_3 = vector.shape_cast %get3A_2 : vector<1x2000x1xf32> to vector<2000xf32>
    %get3A_4 = arith.constant 1 : index
    %get3A_5 = arith.constant 0 : index
    %get3A_6 = arith.constant 0 : index
    %get3A_7 = vector.load %arg3[%get3A_4, %get3A_5, %get3A_6] : memref<2x2000x16xf32, #tpu.memory_space<vmem>>, vector<1x2000x1xf32>
    %get3A_8 = vector.shape_cast %get3A_7 : vector<1x2000x1xf32> to vector<2000xf32>
    %add3A = arith.addf %get3A_3, %get3A_8 : vector<2000xf32>
    %add3A_9 = arith.constant 1.000000e+00 : f32
    %add3A_10 = vector.broadcast %add3A_9 : f32 to vector<2000xf32>
    %add3A_11 = arith.addf %add3A, %add3A_10 : vector<2000xf32>
    %rsqrt3A = math.rsqrt %add3A_11 : vector<2000xf32>
    %get3A_12 = arith.constant 0 : index
    %get3A_13 = arith.constant 0 : index
    %get3A_14 = arith.constant 0 : index
    %get3A_15 = vector.load %arg1[%get3A_12, %get3A_13, %get3A_14] : memref<2x2000x128xf32, #tpu.memory_space<vmem>>, vector<1x2000x128xf32>
    %get3A_16 = vector.shape_cast %get3A_15 : vector<1x2000x128xf32> to vector<2000x128xf32>
    %get3A_17 = arith.constant 1 : index
    %get3A_18 = arith.constant 0 : index
    %get3A_19 = arith.constant 0 : index
    %get3A_20 = vector.load %arg1[%get3A_17, %get3A_18, %get3A_19] : memref<2x2000x128xf32, #tpu.memory_space<vmem>>, vector<1x2000x128xf32>
    %get3A_21 = vector.shape_cast %get3A_20 : vector<1x2000x128xf32> to vector<2000x128xf32>
    %concatenate3A = tpu.concatenate %get3A_16, %get3A_21 in 1 : vector<2000x128xf32>, vector<2000x128xf32> -> vector<2000x256xf32>
    %get3A_22 = arith.constant 0 : index
    %get3A_23 = arith.constant 0 : index
    %get3A_24 = arith.constant 0 : index
    %get3A_25 = vector.load %arg2[%get3A_22, %get3A_23, %get3A_24] : memref<2x2000x128xf32, #tpu.memory_space<vmem>>, vector<1x2000x128xf32>
    %get3A_26 = vector.shape_cast %get3A_25 : vector<1x2000x128xf32> to vector<2000x128xf32>
    %get3A_27 = arith.constant 1 : index
    %get3A_28 = arith.constant 0 : index
    %get3A_29 = arith.constant 0 : index
    %get3A_30 = vector.load %arg2[%get3A_27, %get3A_28, %get3A_29] : memref<2x2000x128xf32, #tpu.memory_space<vmem>>, vector<1x2000x128xf32>
    %get3A_31 = vector.shape_cast %get3A_30 : vector<1x2000x128xf32> to vector<2000x128xf32>
    %concatenate3A_32 = tpu.concatenate %get3A_26, %get3A_31 in 1 : vector<2000x128xf32>, vector<2000x128xf32> -> vector<2000x256xf32>
    %broadcast_in_dim3A = vector.shape_cast %rsqrt3A : vector<2000xf32> to vector<2000x1xf32>
    %add3A_33 = arith.addf %concatenate3A, %concatenate3A_32 : vector<2000x256xf32>
    %mul3A = vector.broadcast %broadcast_in_dim3A : vector<2000x1xf32> to vector<2000x256xf32>
    %mul3A_34 = arith.mulf %mul3A, %add3A_33 : vector<2000x256xf32>
    %get3A_35 = arith.constant 0 : index
    %get3A_36 = arith.constant 0 : index
    %get3A_37 = vector.load %arg4[%get3A_35, %get3A_36] : memref<1x256xf32, #tpu.memory_space<vmem>>, vector<1x256xf32>
    %add3A_38 = vector.broadcast %get3A_37 : vector<1x256xf32> to vector<2000x256xf32>
    %add3A_39 = arith.addf %mul3A_34, %add3A_38 : vector<2000x256xf32>
    %max3A = arith.constant 0.000000e+00 : f32
    %max3A_40 = vector.broadcast %max3A : f32 to vector<2000x256xf32>
    %max3A_41 = arith.maximumf %add3A_39, %max3A_40 : vector<2000x256xf32>
    %get3A_42 = arith.constant 0 : index
    %get3A_43 = arith.constant 0 : index
    %get3A_44 = vector.load %arg5[%get3A_42, %get3A_43] : memref<256x128xf32, #tpu.memory_space<vmem>>, vector<256x128xf32>
    %dot_general3A = arith.constant dense<0.000000e+00> : vector<2000x128xf32>
    %dot_general3A_45 = tpu.matmul %max3A_41, %get3A_44, %dot_general3A {dimension_numbers = #tpu.dot_dimension_numbers<[1], [0], [0], [1], [0, 0, 1, 1], [], []>, transpose_lhs_hint = false} : vector<2000x256xf32>, vector<256x128xf32>, vector<2000x128xf32> -> vector<2000x128xf32>
    %broadcast_in_dim3A_46 = vector.shape_cast %rsqrt3A : vector<2000xf32> to vector<2000x1xf32>
    %mul3A_47 = vector.broadcast %broadcast_in_dim3A_46 : vector<2000x1xf32> to vector<2000x128xf32>
    %mul3A_48 = arith.mulf %dot_general3A_45, %mul3A_47 : vector<2000x128xf32>
    %swap3A = arith.constant 0 : index
    %swap3A_49 = arith.constant 0 : index
    %swap3A_50 = vector.load %arg6[%swap3A, %swap3A_49] : memref<2000x128xf32, #tpu.memory_space<vmem>>, vector<2000x128xf32>
    tpu.vector_store %arg6[%swap3A, %swap3A_49], %mul3A_48 {strides = array<i32>} : memref<2000x128xf32, #tpu.memory_space<vmem>>, vector<2000x128xf32>,
    return
  }
  func.func @transform_0(%arg0: i32) -> (i32, i32, i32) {
    %c0_i32 = arith.constant 0 : i32
    %c0_i32_0 = arith.constant 0 : i32
    %c0_i32_1 = arith.constant 0 : i32
    return %c0_i32, %arg0, %c0_i32_0 : i32, i32, i32
  }
  func.func @transform_1(%arg0: i32) -> (i32, i32, i32) {
    %c0_i32 = arith.constant 0 : i32
    %c0_i32_0 = arith.constant 0 : i32
    %c0_i32_1 = arith.constant 0 : i32
    return %c0_i32, %arg0, %c0_i32_0 : i32, i32, i32
  }
  func.func @transform_2(%arg0: i32) -> (i32, i32, i32) {
    %c0_i32 = arith.constant 0 : i32
    %c0_i32_0 = arith.constant 0 : i32
    %c0_i32_1 = arith.constant 0 : i32
    return %c0_i32, %arg0, %c0_i32_0 : i32, i32, i32
  }
  func.func @transform_3(%arg0: i32) -> (i32, i32) {
    %c0_i32 = arith.constant 0 : i32
    %c0_i32_0 = arith.constant 0 : i32
    %c0_i32_1 = arith.constant 0 : i32
    return %c0_i32, %c0_i32_0 : i32, i32
  }
  func.func @transform_4(%arg0: i32) -> (i32, i32) {
    %c0_i32 = arith.constant 0 : i32
    %c0_i32_0 = arith.constant 0 : i32
    %c0_i32_1 = arith.constant 0 : i32
    return %c0_i32, %c0_i32_0 : i32, i32
  }
  func.func @transform_5(%arg0: i32) -> (i32, i32) {
    %c0_i32 = arith.constant 0 : i32
    %c0_i32_0 = arith.constant 0 : i32
    return %arg0, %c0_i32 : i32, i32
  }
}

module attributes {stable_mosaic.version = 14 : i64} {
  func.func @body(%arg0: i32, %arg1: memref<2x2000x128xf32, #tpu.memory_space<vmem>>, %arg2: memref<2000x128xf32, #tpu.memory_space<vmem>>, %arg3: memref<2x2000x16xf32, #tpu.memory_space<vmem>>, %arg4: memref<1x16xf32, #tpu.memory_space<vmem>>, %arg5: memref<2000x16xf32, #tpu.memory_space<vmem>>) attributes {dimension_semantics = [#tpu.dimension_semantics<arbitrary>], iteration_bounds = array<i64: 5>, scalar_prefetch = 0 : i64, scratch_operands = 0 : i64, tpu.core_type = #tpu.core_type<tc>, window_params = [{transform_indices = @transform_0, window_bounds = array<i64: 2, 2000, 128>}, {transform_indices = @transform_1, window_bounds = array<i64: 2000, 128>}, {transform_indices = @transform_2, window_bounds = array<i64: 2, 2000, 16>}, {pipeline_mode = #tpu.pipeline_mode<synchronous>, transform_indices = @transform_3, window_bounds = array<i64: 1, 16>}, {transform_indices = @transform_4, window_bounds = array<i64: 2000, 16>}]} {
    %get3A = arith.constant 0 : index
    %get3A_0 = arith.constant 0 : index
    %get3A_1 = arith.constant 0 : index
    %get3A_2 = vector.load %arg3[%get3A, %get3A_0, %get3A_1] : memref<2x2000x16xf32, #tpu.memory_space<vmem>>, vector<1x2000x1xf32>
    %get3A_3 = vector.shape_cast %get3A_2 : vector<1x2000x1xf32> to vector<2000xf32>
    %get3A_4 = arith.constant 1 : index
    %get3A_5 = arith.constant 0 : index
    %get3A_6 = arith.constant 0 : index
    %get3A_7 = vector.load %arg3[%get3A_4, %get3A_5, %get3A_6] : memref<2x2000x16xf32, #tpu.memory_space<vmem>>, vector<1x2000x1xf32>
    %get3A_8 = vector.shape_cast %get3A_7 : vector<1x2000x1xf32> to vector<2000xf32>
    %add3A = arith.addf %get3A_3, %get3A_8 : vector<2000xf32>
    %add3A_9 = arith.constant 1.000000e+00 : f32
    %add3A_10 = vector.broadcast %add3A_9 : f32 to vector<2000xf32>
    %add3A_11 = arith.addf %add3A, %add3A_10 : vector<2000xf32>
    %rsqrt3A = math.rsqrt %add3A_11 : vector<2000xf32>
    %broadcast_in_dim3A = vector.shape_cast %rsqrt3A : vector<2000xf32> to vector<2000x1xf32>
    %get3A_12 = arith.constant 0 : index
    %get3A_13 = arith.constant 0 : index
    %get3A_14 = arith.constant 0 : index
    %get3A_15 = vector.load %arg1[%get3A_12, %get3A_13, %get3A_14] : memref<2x2000x128xf32, #tpu.memory_space<vmem>>, vector<1x2000x128xf32>
    %get3A_16 = vector.shape_cast %get3A_15 : vector<1x2000x128xf32> to vector<2000x128xf32>
    %get3A_17 = arith.constant 1 : index
    %get3A_18 = arith.constant 0 : index
    %get3A_19 = arith.constant 0 : index
    %get3A_20 = vector.load %arg1[%get3A_17, %get3A_18, %get3A_19] : memref<2x2000x128xf32, #tpu.memory_space<vmem>>, vector<1x2000x128xf32>
    %get3A_21 = vector.shape_cast %get3A_20 : vector<1x2000x128xf32> to vector<2000x128xf32>
    %add3A_22 = arith.addf %get3A_16, %get3A_21 : vector<2000x128xf32>
    %get3A_23 = arith.constant 0 : index
    %get3A_24 = arith.constant 0 : index
    %get3A_25 = vector.load %arg2[%get3A_23, %get3A_24] : memref<2000x128xf32, #tpu.memory_space<vmem>>, vector<2000x128xf32>
    %add3A_26 = arith.addf %add3A_22, %get3A_25 : vector<2000x128xf32>
    %mul3A = vector.broadcast %broadcast_in_dim3A : vector<2000x1xf32> to vector<2000x128xf32>
    %mul3A_27 = arith.mulf %mul3A, %add3A_26 : vector<2000x128xf32>
    %slice3A = vector.extract_strided_slice %mul3A_27 {offsets = [0, 0], sizes = [2000, 16], strides = [1, 1]} : vector<2000x128xf32> to vector<2000x16xf32>
    %get3A_28 = arith.constant 0 : index
    %get3A_29 = arith.constant 0 : index
    %get3A_30 = vector.load %arg4[%get3A_28, %get3A_29] : memref<1x16xf32, #tpu.memory_space<vmem>>, vector<1x16xf32>
    %add3A_31 = vector.broadcast %get3A_30 : vector<1x16xf32> to vector<2000x16xf32>
    %add3A_32 = arith.addf %slice3A, %add3A_31 : vector<2000x16xf32>
    %swap3A = arith.constant 0 : index
    %swap3A_33 = arith.constant 0 : index
    %swap3A_34 = vector.load %arg5[%swap3A, %swap3A_33] : memref<2000x16xf32, #tpu.memory_space<vmem>>, vector<2000x16xf32>
    tpu.vector_store %arg5[%swap3A, %swap3A_33], %add3A_32 {strides = array<i32>} : memref<2000x16xf32, #tpu.memory_space<vmem>>, vector<2000x16xf32>,
    return
  }
  func.func @transform_0(%arg0: i32) -> (i32, i32, i32) {
    %c0_i32 = arith.constant 0 : i32
    %c0_i32_0 = arith.constant 0 : i32
    %c0_i32_1 = arith.constant 0 : i32
    return %c0_i32, %arg0, %c0_i32_0 : i32, i32, i32
  }
  func.func @transform_1(%arg0: i32) -> (i32, i32) {
    %c0_i32 = arith.constant 0 : i32
    %c0_i32_0 = arith.constant 0 : i32
    return %arg0, %c0_i32 : i32, i32
  }
  func.func @transform_2(%arg0: i32) -> (i32, i32, i32) {
    %c0_i32 = arith.constant 0 : i32
    %c0_i32_0 = arith.constant 0 : i32
    %c0_i32_1 = arith.constant 0 : i32
    return %c0_i32, %arg0, %c0_i32_0 : i32, i32, i32
  }
  func.func @transform_3(%arg0: i32) -> (i32, i32) {
    %c0_i32 = arith.constant 0 : i32
    %c0_i32_0 = arith.constant 0 : i32
    %c0_i32_1 = arith.constant 0 : i32
    return %c0_i32, %c0_i32_0 : i32, i32
  }
  func.func @transform_4(%arg0: i32) -> (i32, i32) {
    %c0_i32 = arith.constant 0 : i32
    %c0_i32_0 = arith.constant 0 : i32
    return %arg0, %c0_i32 : i32, i32
  }
}

</mosaic_0001>

<sc_bundles>
// kernel: kernel.11.cloned.1.call-start
scs
__scs_entry_jumppad:
0x0: {  	(pc) =	sbr.rel $0x88, $3  }
0x1: {  	(tag) =	ssettag $0x0;
	lr =	simm.s32 $0x1  }
0x2: {  	[smem:$0x3F9B] =	sst lr;
	_ =	strace $0xD0000000  }
0x3: {  	_ = 	snop  }
0x4: {  	_ = 	snop  }
0x5: {  	_ = 	snop  }
0x6: {  	_ = 	snop  }
0x7: {  	_ = 	snop  }
__scs_overlays_trampoline_lowered:
0x8: {  	[smem:$0x3FAA] =	sst s0  }
0x9: {  	[smem:$0x3FAB] =	sst s1  }
0xa: {  	[smem:$0x3FAC] =	sst s2  }
0xb: {  	[smem:$0x3FAD] =	sst s3  }
0xc: {  	[smem:$0x3FAE] =	sst s4  }
0xd: {  	[smem:$0x3FAF] =	sst s5  }
0xe: {  	[smem:$0x3FB0] =	sst s6  }
0xf: {  	[smem:$0x3FB1] =	sst s7  }
0x10: {  	[smem:$0x3FB2] =	sst s8  }
0x11: {  	[smem:$0x3FB3] =	sst s9;
	s0 =	simm.s32 @!p0 $0x0  }
0x12: {  	s1 =	sld [smem:$0x3F99];
	s0 =	simm.s32 @p0 $0x1  }
0x13: {  	[smem:$0x3FB4] =	sst s0;
	s0 =	simm.s32 @!p1 $0x0  }
0x14: {  	s2 =	sld [smem:$0x3F98];
	s0 =	simm.s32 @p1 $0x1  }
0x15: {  	[smem:$0x3FB5] =	sst s0;
	s0 =	simm.s32 @!p2 $0x0  }
0x16: {  	s3 =	sld [smem:$0x3FDB];
	s0 =	simm.s32 @p2 $0x1  }
0x17: {  	s4 =	simm.s32 $0x1BF5;
	[smem:$0x3FB7] =	sst s0  }
0x18: {  	s0 =	sld [smem:$0x3F9A];
	_ =	swait.ge [sflag:s4], $0x0  }
0x19: {  	s7 =	sld [smem:$0x3F9B]  }
0x1a: {  	s8 =	sadd.s32 $0xFFFFE003, lr  }
0x1b: {  	s9 =	sadd.s32 $0xFFFFFEF7, lr;
	s5 =	simm.s32 $0xFFFFFFFF;
	p2 =	slt.u32 s8, $0xFFFFF086  }
0x1c: {  	p1 =	slt.u32 s9, $0xF7A;
	s5 =	simm.s32 @!p2 $0x0  }
0x1d: {  	s5 =	simm.s32 @p1 $0x1;
	p0 =	seq.s32 s7, s2  }
0x1e: {  	s7 =	smul.u32 @!p0 $0xF7A, s2;
	p2 =	seq.s32 @!p0 s5, $0x0  }
0x1f: {  	s9 =	smul.u32 $0xF7A, s1;
	s8 =	simm.s32 @!p0 $0x1BF5;
	p2 =	por !p2, p0  }
0x20: {  	[sflag:s8] =	ssyncset.s32 @!p0 $0xFFFFF086;
	s6 =	sadd.s32 @!p0 s3, s7;
	s7 =	simm.s32 @!p0 $0x108  }
0x21: {  	s3 =	sadd.s32 s3, s9;
	s6 =	sadd.s32 @!p0 $0x88, s6;
	s7 =	simm.s32 @p2 $0x1082  }
0x22: {  	[simem:s7], [sflag:s8] =	dma.local @!p0 [hbm:s6], $0xF7A  }
0x23: {  	s9 =	sor.u32 $0xD0000000, s2;
	s6 =	simm.s32 $0x108;
	_ =	swait.ge @!p0 [sflag:s8], $0x0  }
0x24: {  	s3 =	sadd.s32 $0x88, s3;
	s6 =	simm.s32 @!p1 $0x1082;
	[sflag:s4] =	ssyncset.s32 $0xFFFFF086  }
0x25: {  	[simem:s6], [sflag:s4] =	dma.local [hbm:s3], $0xF7A  }
0x26: {  	[smem:$0x3F9B] =	sst s1;
	(tag) =	ssettag s2;
	_ =	strace s9  }
0x27: {  	s1 =	sld [smem:$0x3FAB]  }
0x28: {  	s2 =	sld [smem:$0x3FAC]  }
0x29: {  	s4 =	sld [smem:$0x3FAE]  }
0x2a: {  	p0 =	seq.s32 s5, $0x0;
	s5 =	sld [smem:$0x3FAF]  }
0x2b: {  	s6 =	sld [smem:$0x3FB0]  }
0x2c: {  	s7 =	sld [smem:$0x3FB1]  }
0x2d: {  	s3 =	simm.s32 $0x108;
	s8 =	sld [smem:$0x3FB2]  }
0x2e: {  	s3 =	simm.s32 @!p0 $0x1082;
	s9 =	sld [smem:$0x3FB3]  }
0x2f: {  	lr =	sadd.s32 s0, s3;
	s0 =	sld [smem:$0x3FAA]  }
0x30: {  	s3 =	sld [smem:$0x3FAD]  }
0x31: {  	[smem:$0x3FB6] =	sst s10  }
0x32: {  	s10 =	sld [smem:$0x3FB4];
	_ =	sdelay $0x3  }
0x33: {  	p0 =	seq.s32 s10, $0x1;
	s10 =	sld [smem:$0x3FB6];
	_ =	sdelay $0x3  }
0x34: {  	[smem:$0x3FB6] =	sst s10  }
0x35: {  	s10 =	sld [smem:$0x3FB5];
	_ =	sdelay $0x3  }
0x36: {  	p1 =	seq.s32 s10, $0x1;
	s10 =	sld [smem:$0x3FB6];
	_ =	sdelay $0x3  }
0x37: {  	[smem:$0x3FB6] =	sst s10  }
0x38: {  	s10 =	sld [smem:$0x3FB7]  }
0x39: {  	_ = 	snop;
	(pc) =	sbr.ind lr, $3  }
0x3a: {  	_ = 	snop  }
0x3b: {  	_ = 	snop  }
0x3c: {  	p2 =	seq.s32 s10, $0x1;
	s10 =	sld [smem:$0x3FB6]  }
0x3d: {  	_ =	shalt  }
0x3e: {  	_ =	shalt  }
0x3f: {  	_ =	shalt  }
0x40: {  	_ =	shalt  }
0x41: {  	_ =	shalt  }
0x42: {  	_ =	shalt  }
0x43: {  	_ =	shalt  }
0x44: {  	_ =	shalt  }
0x45: {  	_ =	shalt  }
0x46: {  	_ =	shalt  }
0x47: {  	_ =	shalt  }
0x48: {  	_ =	shalt  }
0x49: {  	_ =	shalt  }
0x4a: {  	_ =	shalt  }
0x4b: {  	_ =	shalt  }
0x4c: {  	_ =	shalt  }
0x4d: {  	_ =	shalt  }
0x4e: {  	_ =	shalt  }
0x4f: {  	_ =	shalt  }
0x50: {  	_ =	shalt  }
0x51: {  	_ =	shalt  }
0x52: {  	_ =	shalt  }
0x53: {  	_ =	shalt  }
0x54: {  	_ =	shalt  }
0x55: {  	_ =	shalt  }
0x56: {  	_ =	shalt  }
0x57: {  	_ =	shalt  }
0x58: {  	_ =	shalt  }
0x59: {  	_ =	shalt  }
0x5a: {  	_ =	shalt  }
0x5b: {  	_ =	shalt  }
0x5c: {  	_ =	shalt  }
0x5d: {  	_ =	shalt  }
0x5e: {  	_ =	shalt  }
0x5f: {  	_ =	shalt  }
0x60: {  	_ =	shalt  }
0x61: {  	_ =	shalt  }
0x62: {  	_ =	shalt  }
0x63: {  	_ =	shalt  }
0x64: {  	_ =	shalt  }
0x65: {  	_ =	shalt  }
0x66: {  	_ =	shalt  }
0x67: {  	_ =	shalt  }
0x68: {  	_ =	shalt  }
0x69: {  	_ =	shalt  }
0x6a: {  	_ =	shalt  }
0x6b: {  	_ =	shalt  }
0x6c: {  	_ =	shalt  }
0x6d: {  	_ =	shalt  }
0x6e: {  	_ =	shalt  }
0x6f: {  	_ =	shalt  }
0x70: {  	_ =	shalt  }
0x71: {  	_ =	shalt  }
0x72: {  	_ =	shalt  }
0x73: {  	_ =	shalt  }
0x74: {  	_ =	shalt  }
0x75: {  	_ =	shalt  }
0x76: {  	_ =	shalt  }
0x77: {  	_ =	shalt  }
0x78: {  	_ =	shalt  }
0x79: {  	_ =	shalt  }
0x7a: {  	_ =	shalt  }
0x7b: {  	_ =	shalt  }
0x7c: {  	_ =	shalt  }
0x7d: {  	_ =	shalt  }
0x7e: {  	_ =	shalt  }
0x7f: {  	_ =	shalt  }
0x80: {  	_ =	shalt  }
0x81: {  	_ =	shalt  }
0x82: {  	_ =	shalt  }
0x83: {  	_ =	shalt  }
0x84: {  	_ =	shalt  }
0x85: {  	_ =	shalt  }
0x86: {  	_ =	shalt  }
0x87: {  	_ =	shalt  }
.Lfunc_end0:
.L_simem_size_0:
called_computation.1_lowered:
.L_overlay_start_0:
0x88: {  	s2 =	sld [smem:$0x3FD9]  }
0x89: {  	s3 =	sld [smem:$0x3FFE];
	_ =	sdelay $0x1  }
0x8a: {  	s1 =	srdreg.scid  }
0x8b: {  	s0 =	sand.u32 $0x1, s1  }
0x8c: {  	s16 =	sshll.u32 s0, $0xA;
	s2 =	sadd.s32 s3, s2  }
0x8d: {  	s2 =	sadd.s32 s2, s16  }
0x8e: {  	[smem:$0x3FC2] =	sst s2  }
0x8f: {  	_ = 	snop  }
0x90: {  	(tm) =	ssettm $0x1  }
0x91: {  	s17 =	sld [smem:$0x3FFB];
	_ =	sdelay $0x3  }
0x92: {  	_ =	strace s17  }
0x93: {  	s2 =	sld [smem:$0x3FFC];
	_ =	sdelay $0x3  }
0x94: {  	_ =	strace s2  }
0x95: {  	s2 =	sld [smem:$0x3FFD];
	_ =	sdelay $0x3  }
0x96: {  	_ =	strace s2  }
0x97: {  	_ =	strace $0x8FFFFFFF  }
0x98: {  	s18 =	sld [smem:$0x3FDB];
	_ =	sdelay $0x1  }
0x99: {  	s19 =	simm.s32 $_scs_section_size  }
0x9a: {  	s4 =	simm.s32 $_size__tile_overlayer_lowered;
	s5 =	simm.s32 $_tile_overlayer_lowered  }
0x9b: {  	s22 =	simm.s32 $0x1BFF;
	s21 =	sshll.u32 s5, $0x1;
	s2 =	sadd.s32 s19, s18  }
0x9c: {  	s6 =	simm.s32 $0x0;
	s20 =	sshll.u32 s4, $0x1;
	s4 =	sadd.s32 s21, s2  }
0x9d: {  	[timem:s6], [sflag:s22] =	dma.local [hbm:s4], s20  }
0x9e: {  	_ =	swait.ge [sflag:s22], s20  }
0x9f: {  	s3 =	ssub.s32 $0x0, s20;
	[sflag:s22] =	ssyncset.done $0x0  }
0xa0: {  	[sflag:s22] =	ssyncadd.s32 s3;
	_ =	sdelay $0x1  }
0xa1: {  	s23 =	simm.s32 $0x1B8B  }
0xa2: {  	_ =	swait.ge [sflag:s23], $0x1  }
0xa3: {  	[sflag:s23] =	ssyncset.done $0x0  }
0xa4: {  	s25 =	simm.s32 $0x1B8E;
	s24 =	sld [smem:$0x3FFE];
	[sflag:s23] =	ssyncadd.s32 $0xFFFFFFFF  }
0xa5: {  	s26 =	simm.s32 $execute0_lowered;
	[smem:$0x3FD2] =	sst s25  }
0xa6: {  	s4 =	sshll.u32 s26, $0x1;
	_ =	strace $0x80000049;
	[dreg:$0x1] =	wrdreg $0xFFFFFFFF  }
0xa7: {  	s28 =	simm.s32 $_size_execute0_lowered;
	s2 =	sadd.s32 s2, s4;
	[dreg:$0x0] =	wrdreg $0x0  }
0xa8: {  	s4 =	sshll.u32 s28, $0x1;
	[dreg:$0x2] =	wrdreg s2  }
0xa9: {  	[dreg:$0x3] =	wrdreg s4  }
0xaa: {  	[dreg:$0x4] =	wrdreg $0xC0  }
0xab: {  	_ =	task [dreg:s6], $0x5FFFF  }
0xac: {  	[dreg:$0x1] =	wrdreg $0xFFFFFFFF  }
0xad: {  	[dreg:$0x0] =	wrdreg $0x60  }
0xae: {  	[dreg:$0x2] =	wrdreg s24  }
0xaf: {  	[dreg:$0x3] =	wrdreg $0x0  }
0xb0: {  	[dreg:$0x4] =	wrdreg $0x9  }
0xb1: {  	_ =	task.clear_ibuf [dreg:s6], $0x5FFFF;
	_ =	strace $0x90000049  }
0xb2: {  	s29 =	simm.s32 $0x9;
	_ =	strace $0x8000004B  }
0xb3: {  	_ =	swait.ge [sflag:s29], $0x1  }
0xb4: {  	[sflag:s29] =	ssyncadd.s32 $0xFFFFFFFF  }
0xb5: {  	_ =	strace $0x9000004B  }
0xb6: {  	_ =	sfence  }
0xb7: {  	s30 =	sld [smem:$0x0];
	_ =	sdelay $0x2  }
0xb8: {  	s31 =	sshll.u32 s1, $0xD;
	s1 =	sshrl.u32 s1, $0x2  }
0xb9: {  	s3 =	sand.u32 $0x4000, s31;
	s1 =	sadd.s32 s1, s30  }
0xba: {  	s0 =	sor.u32 s3, s0;
	s1 =	sshll.u32 s1, $0x11  }
0xbb: {  	s0 =	sor.u32 s1, s0  }
0xbc: {  	s0 =	sadd.s32 $0x8F2B, s0  }
0xbd: {  	[sflag:s0] =	ssyncadd.remote.s32 $0x1  }
0xbe: {  	_ =	sfence.sel $0xFFFF  }
0xbf: {  	[dreg:$0x0] =	wrdreg $0xFFFFFFFF;
	(pc) =	sbr.abs _section_cstart, $3  }
0xc0: {  	[dreg:$0x1] =	wrdreg $0xFFFFFFFF  }
0xc1: {  	_ =	task.clear_ibuf [dreg:s6], $0x2FFFF;
	_ =	strace $0x9FFFFFFF  }
0xc2: {  	(tm) =	ssettm $0x7FFFFFFF  }
0xc3: {  	_ =	shalt  }
tec
execute0_lowered:
.L_overlay_start_1:
0x0: {  	(tag) =	ssettag $0x1  }
0x1: {  	s0 =	rddreg [dreg:$0x0]  }
0x2: {  	s2 =	rddreg [dreg:$0x1];
	s3 =	simm.s32 $0x0  }
0x3: {  	s13 =	stileid.u32;
	s1 =	srdreg.scid;
	s18 =	simm.s32 $0x14000  }
0x4: {  	s19 =	simm.s32 $0x14100;
	s20 =	simm.s32 $0x80;
	s21 =	simm.s32 $0x14200  }
0x5: {  	s22 =	simm.s32 $0x14080;
	s23 =	simm.s32 $0x14180;
	s7 =	smul.u32 $0x14000, s13  }
0x6: {  	s28 =	simm.s32 $0x3;
	s29 =	simm.s32 $0x0;
	s9 =	smul.u32 $0x50000, s13  }
0x7: {  	[smem:$0x7FF] =	sst s3;
	s1 =	sand.u32 $0x1, s1;
	s12 =	smul.u32 $0x500, s13  }
0x8: {  	s4 =	sadd.s32 $0x70200, s0;
	s5 =	sadd.s32 $0x16200, s0;
	s8 =	smul.u32 $0x140000, s1  }
0x9: {  	s6 =	sadd.s32 $0x2200, s0;
	s24 =	smul.u32 $0x500, s1;
	s1 =	ssub.s32 $0x2, s1  }
0xa: {  	_ =	strace $0x8000004A;
	s10 =	sshrl.u32 s7, $0x3;
	s25 =	sshrl.u32 s1, $0x1  }
0xb: {  	s9 =	sshrl.u32 s9, $0x2;
	s12 =	sadd.s32 s6, s12;
	s7 =	sadd.s32 s7, s8  }
0xc: {  	s10 =	sadd.s32 s10, s0;
	s1 =	ssub.s32 s1, s25;
	s9 =	sadd.s32 s9, s2  }
0xd: {  	s31 =	sadd.s32 $0x10, s12;
	s11 =	sshrl.u32 s7, $0x3;
	s7 =	smul.u32 $0x50, s13  }
0xe: {  	s25 =	simm.s32 $0x1;
	s10 =	sadd.s32 $0xBE400, s10;
	s13 =	sshll.u32 s13, $0x6  }
0xf: {  	[dreg:$0x5] =	wrdreg s31;
	s16 =	smax.u32 s1, $0x1;
	s8 =	sadd.s32 s7, s24  }
0x10: {  	s17 =	sshrl.u32 s9, $0x3;
	s0 =	sadd.s32 s11, s0;
	s26 =	sshll.u32 s8, $0x4  }
0x11: {  	[dreg:$0x3] =	wrdreg s10;
	s0 =	sadd.s32 $0xE6400, s0;
	s10 =	sadd.s32 s5, s26  }
0x12: {  	s11 =	sor.u32 $0x1C03, s13;
	[dreg:$0x6] =	wrdreg s0;
	s30 =	sadd.s32 $0x10, s10  }
0x13: {  	s24 =	simm.s32 $0x2;
	s26 =	simm.s32 $0x18200;
	[dreg:$0x4] =	wrdreg s30  }
.LBB2_1:
0x14: {  	s0 =	rddreg [dreg:$0x3]  }
0x15: {  	[spmem:s17], [sflag:s11] =	dma.local [hbm:s0], $0x2800  }
0x16: {  	_ =	swait.ge [sflag:s28], $0x2800  }
0x17: {  	[sflag:s28] =	ssyncset.done $0x0  }
0x18: {  	[sflag:s28] =	ssyncadd.s32 $0xFFFFD800  }
0x19: {  	[tilespmem:s18], [sflag:$0x3] =	stream.linear.gather [hbm4b:s10+s3], $0x80, $0x38;
	[tilespmem:$0x1C200] =	vst v63  }
0x1a: {  	_ =	swait.ge [sflag:s28], $0x80  }
0x1b: {  	[sflag:s28] =	ssyncset.done $0x0  }
0x1c: {  	[sflag:s28] =	ssyncadd.s32 $0xFFFFFF80  }
0x1d: {  	[tilespmem:s19], [sflag:$0x3] =	stream.linear.gather [hbm4b:s12+s3], $0x80, $0x38;
	[tilespmem:$0x1C200] =	vst v63  }
0x1e: {  	_ =	swait.ge [sflag:s28], $0x80  }
0x1f: {  	[sflag:s28] =	ssyncset.done $0x0  }
0x20: {  	[sflag:s28] =	ssyncadd.s32 $0xFFFFFF80  }
0x21: {  	[bflag:$0x0] =	sbarrier.arrive $0xFFFF  }
0x22: {  	[tilespmem:s21], [sflag:$0x1] =	stream.indirect.gather [hbm4b:s4+s20], $0x80, s18, s20, $0xb8;
	[tilespmem:$0x1C200] =	vst v63  }
0x23: {  	s1 =	rddreg [dreg:$0x4]  }
0x24: {  	[tilespmem:s22], [sflag:$0x2] =	stream.linear.gather [hbm4b:s1+s3], $0x80, $0x38;
	[tilespmem:$0x1C200] =	vst v63  }
0x25: {  	s9 =	rddreg [dreg:$0x5]  }
0x26: {  	[tilespmem:s23], [sflag:$0x2] =	stream.linear.gather [hbm4b:s9+s3], $0x80, $0x38;
	[tilespmem:$0x1C200] =	vst v63  }
0x27: {  	_ =	swait.ge [sflag:s24], $0x80  }
0x28: {  	[sflag:s24] =	ssyncset.done $0x0  }
0x29: {  	[sflag:s24] =	ssyncadd.s32 $0xFFFFFF80  }
0x2a: {  	_ =	swait.ge [sflag:s24], $0x80  }
0x2b: {  	[sflag:s24] =	ssyncset.done $0x0  }
0x2c: {  	p0 =	por $0x0, $0x0;
	s0 =	simm.s32 $0x2;
	[sflag:s24] =	ssyncadd.s32 $0xFFFFFF80  }
0x2d: {  	s0 =	simm.s32 @p0 $0x0;
	_ =	swait.ge [sflag:s25], $0x4000  }
0x2e: {  	s1 =	sadd.s32 s7, s0;
	[sflag:s25] =	ssyncset.done $0x0  }
0x2f: {  	s1 =	sshll.u32 s1, $0x4;
	[sflag:s25] =	ssyncadd.s32 $0xFFFFC000  }
0x30: {  	[tilespmem:s26], [sflag:$0x1] =	stream.indirect.gather [hbm4b:s4+s20], $0x80, s22, s20, $0xb8;
	[tilespmem:$0x1C200] =	vst v63  }
0x31: {  	s9 =	sadd.s32 s8, s0;
	s0 =	sshll.u32 s0, $0x4;
	s1 =	sand.u32 $0xFF80, s1  }
0x32: {  	[spmem:s2] =	stream.indirect.scatter.add.f32 [tilespmem:s21], [sflag:$0x3], $0x80, s19, s20, $0xb8;
	[tilespmem:$0x1C200] =	vst v63  }
0x33: {  	s9 =	sshll.u32 s9, $0x4;
	s0 =	sand.u32 $0x60, s0;
	_ =	swait.ge [sflag:s28], $0x4000  }
0x34: {  	s9 =	sand.u32 $0x1FF80, s9;
	s13 =	sadd.s32 s5, s0;
	[sflag:s28] =	ssyncset.done $0x0  }
0x35: {  	s0 =	sadd.s32 s6, s0;
	s9 =	sadd.s32 s9, s13;
	[sflag:s28] =	ssyncadd.s32 $0xFFFFC000  }
0x36: {  	[tilespmem:s18], [sflag:$0x2] =	stream.linear.gather [hbm4b:s9+s3], $0x80, $0x38;
	[tilespmem:$0x1C200] =	vst v63  }
0x37: {  	s0 =	sadd.s32 s1, s0  }
0x38: {  	[tilespmem:s19], [sflag:$0x2] =	stream.linear.gather [hbm4b:s0+s3], $0x80, $0x38;
	[tilespmem:$0x1C200] =	vst v63  }
0x39: {  	_ =	swait.ge [sflag:s24], $0x80  }
0x3a: {  	[sflag:s24] =	ssyncset.done $0x0  }
0x3b: {  	[sflag:s24] =	ssyncadd.s32 $0xFFFFFF80  }
0x3c: {  	_ =	swait.ge [sflag:s24], $0x80  }
0x3d: {  	s1 =	simm.s32 $0x3;
	[sflag:s24] =	ssyncset.done $0x0  }
0x3e: {  	s30 =	simm.s32 $0x5;
	s1 =	simm.s32 @p0 $0x1;
	[sflag:s24] =	ssyncadd.s32 $0xFFFFFF80  }
0x3f: {  	s13 =	sshll.u32 s1, $0x4;
	s14 =	sadd.s32 s8, s1;
	_ =	swait.ge [sflag:s25], $0x4000  }
0x40: {  	s31 =	sadd.s32 s7, s1;
	s15 =	sand.u32 $0x70, s13;
	[sflag:s25] =	ssyncset.done $0x0  }
0x41: {  	s13 =	sshll.u32 s31, $0x4;
	s9 =	sshll.u32 s14, $0x4;
	[sflag:s25] =	ssyncadd.s32 $0xFFFFC000  }
0x42: {  	[tilespmem:s21], [sflag:$0x1] =	stream.indirect.gather [hbm4b:s4+s20], $0x80, s18, s20, $0xb8;
	[tilespmem:$0x1C200] =	vst v63  }
0x43: {  	s1 =	sadd.s32 s6, s15;
	s9 =	sand.u32 $0x1FF80, s9;
	s0 =	sadd.s32 s5, s15  }
0x44: {  	[spmem:s2] =	stream.indirect.scatter.add.f32 [tilespmem:s26], [sflag:$0x3], $0x80, s23, s20, $0xb8;
	[tilespmem:$0x1C200] =	vst v63  }
.LBB2_2:
0x45: {  	p0 =	sne.s32 s30, $0x51  }
0x46: {  	_ =	swait.ge [sflag:s28], $0x4000;
	s31 =	smov.u32 s30;
	s30 =	sadd.s32 $0x2, s30  }
0x47: {  	s0 =	sadd.s32 s9, s0;
	s9 =	sand.u32 $0xFF80, s13;
	[sflag:s28] =	ssyncset.done $0x0  }
0x48: {  	s1 =	sadd.s32 s9, s1;
	[sflag:s28] =	ssyncadd.s32 $0xFFFFC000  }
0x49: {  	[tilespmem:s22], [sflag:$0x2] =	stream.linear.gather [hbm4b:s0+s3], $0x80, $0x38;
	[tilespmem:$0x1C200] =	vst v63  }
0x4a: {  	_ = 	snop  }
0x4b: {  	[tilespmem:s23], [sflag:$0x2] =	stream.linear.gather [hbm4b:s1+s3], $0x80, $0x38;
	[tilespmem:$0x1C200] =	vst v63  }
0x4c: {  	_ =	swait.ge [sflag:s24], $0x80  }
0x4d: {  	[sflag:s24] =	ssyncset.done $0x0  }
0x4e: {  	[sflag:s24] =	ssyncadd.s32 $0xFFFFFF80  }
0x4f: {  	_ =	swait.ge [sflag:s24], $0x80  }
0x50: {  	p1 =	seq.s32 s31, $0x51;
	s0 =	sadd.s32 $0xFFFFFFFF, s31;
	[sflag:s24] =	ssyncset.done $0x0  }
0x51: {  	s31 =	simm.s32 @p1 $0x1;
	[sflag:s24] =	ssyncadd.s32 $0xFFFFFF80  }
0x52: {  	s0 =	simm.s32 @p1 $0x0;
	s1 =	sadd.s32 s8, s31;
	_ =	swait.ge [sflag:s25], $0x4000  }
0x53: {  	s13 =	sshll.u32 s31, $0x4;
	s9 =	sadd.s32 s7, s0;
	[sflag:s25] =	ssyncset.done $0x0  }
0x54: {  	s14 =	sadd.s32 s8, s0;
	s0 =	sshll.u32 s0, $0x4;
	s9 =	sshll.u32 s9, $0x4  }
0x55: {  	s14 =	sshll.u32 s14, $0x4;
	s0 =	sand.u32 $0x60, s0;
	[sflag:s25] =	ssyncadd.s32 $0xFFFFC000  }
0x56: {  	[tilespmem:s26], [sflag:$0x1] =	stream.indirect.gather [hbm4b:s4+s20], $0x80, s22, s20, $0xb8;
	[tilespmem:$0x1C200] =	vst v63  }
0x57: {  	s14 =	sand.u32 $0x1FF80, s14;
	s9 =	sand.u32 $0xFF80, s9;
	s15 =	sadd.s32 s6, s0  }
0x58: {  	[spmem:s2] =	stream.indirect.scatter.add.f32 [tilespmem:s21], [sflag:$0x3], $0x80, s19, s20, $0xb8;
	[tilespmem:$0x1C200] =	vst v63  }
0x59: {  	s0 =	sadd.s32 s5, s0;
	s15 =	sadd.s32 s9, s15;
	_ =	swait.ge [sflag:s28], $0x4000  }
0x5a: {  	s13 =	sand.u32 $0x70, s13;
	s9 =	sadd.s32 s14, s0;
	[sflag:s28] =	ssyncset.done $0x0  }
0x5b: {  	s1 =	sshll.u32 s1, $0x4;
	s0 =	sadd.s32 s5, s13;
	[sflag:s28] =	ssyncadd.s32 $0xFFFFC000  }
0x5c: {  	[tilespmem:s18], [sflag:$0x2] =	stream.linear.gather [hbm4b:s9+s3], $0x80, $0x38;
	[tilespmem:$0x1C200] =	vst v63  }
0x5d: {  	s14 =	sadd.s32 s7, s31;
	s9 =	sand.u32 $0x1FF80, s1;
	s1 =	sadd.s32 s6, s13  }
0x5e: {  	[tilespmem:s19], [sflag:$0x2] =	stream.linear.gather [hbm4b:s15+s3], $0x80, $0x38;
	[tilespmem:$0x1C200] =	vst v63  }
0x5f: {  	s13 =	sshll.u32 s14, $0x4;
	_ =	swait.ge [sflag:s24], $0x80  }
0x60: {  	[sflag:s24] =	ssyncset.done $0x0  }
0x61: {  	[sflag:s24] =	ssyncadd.s32 $0xFFFFFF80  }
0x62: {  	_ =	swait.ge [sflag:s24], $0x80  }
0x63: {  	[sflag:s24] =	ssyncset.done $0x0  }
0x64: {  	[sflag:s24] =	ssyncadd.s32 $0xFFFFFF80  }
0x65: {  	_ =	swait.ge [sflag:s25], $0x4000  }
.Ltmp0:
0x66: {  	[sflag:s25] =	ssyncset.done $0x0;
	(pc) =	sbr.rel @p0 .LBB2_2-.Ltmp0, $4  }
0x67: {  	[sflag:s25] =	ssyncadd.s32 $0xFFFFC000  }
0x68: {  	[tilespmem:s21], [sflag:$0x1] =	stream.indirect.gather [hbm4b:s4+s20], $0x80, s18, s20, $0xb8;
	[tilespmem:$0x1C200] =	vst v63  }
0x69: {  	_ = 	snop  }
0x6a: {  	[spmem:s2] =	stream.indirect.scatter.add.f32 [tilespmem:s26], [sflag:$0x3], $0x80, s23, s20, $0xb8;
	[tilespmem:$0x1C200] =	vst v63  }
0x6b: {  	_ =	swait.ge [sflag:s28], $0x4000  }
0x6c: {  	[sflag:s28] =	ssyncset.done $0x0  }
0x6d: {  	s0 =	sadd.s32 s9, s0;
	s15 =	sand.u32 $0xFF80, s13;
	[sflag:s28] =	ssyncadd.s32 $0xFFFFC000  }
0x6e: {  	[tilespmem:s22], [sflag:$0x2] =	stream.linear.gather [hbm4b:s0+s3], $0x80, $0x38;
	[tilespmem:$0x1C200] =	vst v63  }
0x6f: {  	s30 =	sadd.s32 s15, s1  }
0x70: {  	[tilespmem:s23], [sflag:$0x2] =	stream.linear.gather [hbm4b:s30+s3], $0x80, $0x38;
	[tilespmem:$0x1C200] =	vst v63  }
0x71: {  	_ =	swait.ge [sflag:s25], $0x4000  }
0x72: {  	[sflag:s25] =	ssyncset.done $0x0  }
0x73: {  	[sflag:s25] =	ssyncadd.s32 $0xFFFFC000  }
0x74: {  	_ =	swait.ge [sflag:s24], $0x80  }
0x75: {  	[sflag:s24] =	ssyncset.done $0x0  }
0x76: {  	[sflag:s24] =	ssyncadd.s32 $0xFFFFFF80  }
0x77: {  	_ =	swait.ge [sflag:s24], $0x80  }
0x78: {  	[sflag:s24] =	ssyncset.done $0x0  }
0x79: {  	s29 =	sadd.s32 $0x1, s29;
	[sflag:s24] =	ssyncadd.s32 $0xFFFFFF80  }
0x7a: {  	p0 =	sne.s32 s29, s16;
	[bflag:$0x0] =	sbarrier.arrive $0xFFFF  }
.Ltmp1:
0x7b: {  	s31 =	rddreg [dreg:$0x6];
	(pc) =	sbr.rel @p0 .LBB2_1-.Ltmp1, $4  }
0x7c: {  	[hbm:s31], [sflag:s11] =	dma.local [spmem:s17], $0x2800  }
0x7d: {  	_ =	swait.ge [sflag:s28], $0x2800  }
0x7e: {  	[sflag:s28] =	ssyncset.done $0x0  }
0x7f: {  	[sflag:s28] =	ssyncadd.s32 $0xFFFFD800  }
0x80: {  	_ =	sfence.sel $0x180000  }
0x81: {  	[bflag:$0x0] =	sbarrier.arrive $0xFFFF  }
0x82: {  	_ =	strace $0x9000004A  }
0x83: {  	s0 =	stileid.u32;
	[bflag:$0x2] =	sbarrier.arrive $0xFFFF  }
0x84: {  	p0 =	sne.s32 s0, $0x0;
	s0 =	rddreg [dreg:$0x2]  }
0x85: {  	s0 =	sadd.s32 @!p0 $0x100000, s0  }
0x86: {  	[sflag:s0] =	ssyncadd.tile.s32 @!p0 $0x1;
	_ =	shalt  }
.Lfunc_end2:
_tile_overlayer_lowered:
.L_overlay_start_2:
0x87: {  	(tag) =	ssettag $0x2  }
0x88: {  	s0 =	rddreg [dreg:$0x0];
	s2 =	stileid.u32  }
0x89: {  	s1 =	rddreg [dreg:$0x1];
	p0 =	sne.s32 s2, $0x0  }
0x8a: {  	s3 =	rddreg [dreg:$0x2];
	[bflag:$0x3] =	sbarrier.arrive $0xFFFF;
	s2 =	simm.s32 @!p0 $0x1C03  }
0x8b: {  	[timem:s3], [sflag:s2] =	dma.local @!p0 [hbm:s0], s1  }
0x8c: {  	s0 =	simm.s32 @!p0 $0x3  }
0x8d: {  	_ =	swait.ge @!p0 [sflag:s0], s1  }
0x8e: {  	s1 =	ssub.s32 @!p0 $0x0, s1;
	[sflag:s0] =	ssyncset.done @!p0 $0x0  }
0x8f: {  	[sflag:s0] =	ssyncadd.s32 @!p0 s1  }
0x90: {  	[bflag:$0x3] =	sbarrier.arrive $0xFFFF  }
0x91: {  	_ =	shalt  }

// kernel: kernel.14.cloned.1.call-start
scs
__scs_entry_jumppad:
0x0: {  	(pc) =	sbr.rel $0x88, $3  }
0x1: {  	(tag) =	ssettag $0x0;
	lr =	simm.s32 $0x1  }
0x2: {  	[smem:$0x3F9B] =	sst lr;
	_ =	strace $0xD0000000  }
0x3: {  	_ = 	snop  }
0x4: {  	_ = 	snop  }
0x5: {  	_ = 	snop  }
0x6: {  	_ = 	snop  }
0x7: {  	_ = 	snop  }
__scs_overlays_trampoline_lowered:
0x8: {  	[smem:$0x3FAA] =	sst s0  }
0x9: {  	[smem:$0x3FAB] =	sst s1  }
0xa: {  	[smem:$0x3FAC] =	sst s2  }
0xb: {  	[smem:$0x3FAD] =	sst s3  }
0xc: {  	[smem:$0x3FAE] =	sst s4  }
0xd: {  	[smem:$0x3FAF] =	sst s5  }
0xe: {  	[smem:$0x3FB0] =	sst s6  }
0xf: {  	[smem:$0x3FB1] =	sst s7  }
0x10: {  	[smem:$0x3FB2] =	sst s8  }
0x11: {  	[smem:$0x3FB3] =	sst s9;
	s0 =	simm.s32 @!p0 $0x0  }
0x12: {  	s1 =	sld [smem:$0x3F99];
	s0 =	simm.s32 @p0 $0x1  }
0x13: {  	[smem:$0x3FB4] =	sst s0;
	s0 =	simm.s32 @!p1 $0x0  }
0x14: {  	s2 =	sld [smem:$0x3F98];
	s0 =	simm.s32 @p1 $0x1  }
0x15: {  	[smem:$0x3FB5] =	sst s0;
	s0 =	simm.s32 @!p2 $0x0  }
0x16: {  	s3 =	sld [smem:$0x3FDB];
	s0 =	simm.s32 @p2 $0x1  }
0x17: {  	s4 =	simm.s32 $0x1BF5;
	[smem:$0x3FB7] =	sst s0  }
0x18: {  	s0 =	sld [smem:$0x3F9A];
	_ =	swait.ge [sflag:s4], $0x0  }
0x19: {  	s7 =	sld [smem:$0x3F9B]  }
0x1a: {  	s8 =	sadd.s32 $0xFFFFE003, lr  }
0x1b: {  	s9 =	sadd.s32 $0xFFFFFEF7, lr;
	s5 =	simm.s32 $0xFFFFFFFF;
	p2 =	slt.u32 s8, $0xFFFFF086  }
0x1c: {  	p1 =	slt.u32 s9, $0xF7A;
	s5 =	simm.s32 @!p2 $0x0  }
0x1d: {  	s5 =	simm.s32 @p1 $0x1;
	p0 =	seq.s32 s7, s2  }
0x1e: {  	s7 =	smul.u32 @!p0 $0xF7A, s2;
	p2 =	seq.s32 @!p0 s5, $0x0  }
0x1f: {  	s9 =	smul.u32 $0xF7A, s1;
	s8 =	simm.s32 @!p0 $0x1BF5;
	p2 =	por !p2, p0  }
0x20: {  	[sflag:s8] =	ssyncset.s32 @!p0 $0xFFFFF086;
	s6 =	sadd.s32 @!p0 s3, s7;
	s7 =	simm.s32 @!p0 $0x108  }
0x21: {  	s3 =	sadd.s32 s3, s9;
	s6 =	sadd.s32 @!p0 $0x88, s6;
	s7 =	simm.s32 @p2 $0x1082  }
0x22: {  	[simem:s7], [sflag:s8] =	dma.local @!p0 [hbm:s6], $0xF7A  }
0x23: {  	s9 =	sor.u32 $0xD0000000, s2;
	s6 =	simm.s32 $0x108;
	_ =	swait.ge @!p0 [sflag:s8], $0x0  }
0x24: {  	s3 =	sadd.s32 $0x88, s3;
	s6 =	simm.s32 @!p1 $0x1082;
	[sflag:s4] =	ssyncset.s32 $0xFFFFF086  }
0x25: {  	[simem:s6], [sflag:s4] =	dma.local [hbm:s3], $0xF7A  }
0x26: {  	[smem:$0x3F9B] =	sst s1;
	(tag) =	ssettag s2;
	_ =	strace s9  }
0x27: {  	s1 =	sld [smem:$0x3FAB]  }
0x28: {  	s2 =	sld [smem:$0x3FAC]  }
0x29: {  	s4 =	sld [smem:$0x3FAE]  }
0x2a: {  	p0 =	seq.s32 s5, $0x0;
	s5 =	sld [smem:$0x3FAF]  }
0x2b: {  	s6 =	sld [smem:$0x3FB0]  }
0x2c: {  	s7 =	sld [smem:$0x3FB1]  }
0x2d: {  	s3 =	simm.s32 $0x108;
	s8 =	sld [smem:$0x3FB2]  }
0x2e: {  	s3 =	simm.s32 @!p0 $0x1082;
	s9 =	sld [smem:$0x3FB3]  }
0x2f: {  	lr =	sadd.s32 s0, s3;
	s0 =	sld [smem:$0x3FAA]  }
0x30: {  	s3 =	sld [smem:$0x3FAD]  }
0x31: {  	[smem:$0x3FB6] =	sst s10  }
0x32: {  	s10 =	sld [smem:$0x3FB4];
	_ =	sdelay $0x3  }
0x33: {  	p0 =	seq.s32 s10, $0x1;
	s10 =	sld [smem:$0x3FB6];
	_ =	sdelay $0x3  }
0x34: {  	[smem:$0x3FB6] =	sst s10  }
0x35: {  	s10 =	sld [smem:$0x3FB5];
	_ =	sdelay $0x3  }
0x36: {  	p1 =	seq.s32 s10, $0x1;
	s10 =	sld [smem:$0x3FB6];
	_ =	sdelay $0x3  }
0x37: {  	[smem:$0x3FB6] =	sst s10  }
0x38: {  	s10 =	sld [smem:$0x3FB7]  }
0x39: {  	_ = 	snop;
	(pc) =	sbr.ind lr, $3  }
0x3a: {  	_ = 	snop  }
0x3b: {  	_ = 	snop  }
0x3c: {  	p2 =	seq.s32 s10, $0x1;
	s10 =	sld [smem:$0x3FB6]  }
0x3d: {  	_ =	shalt  }
0x3e: {  	_ =	shalt  }
0x3f: {  	_ =	shalt  }
0x40: {  	_ =	shalt  }
0x41: {  	_ =	shalt  }
0x42: {  	_ =	shalt  }
0x43: {  	_ =	shalt  }
0x44: {  	_ =	shalt  }
0x45: {  	_ =	shalt  }
0x46: {  	_ =	shalt  }
0x47: {  	_ =	shalt  }
0x48: {  	_ =	shalt  }
0x49: {  	_ =	shalt  }
0x4a: {  	_ =	shalt  }
0x4b: {  	_ =	shalt  }
0x4c: {  	_ =	shalt  }
0x4d: {  	_ =	shalt  }
0x4e: {  	_ =	shalt  }
0x4f: {  	_ =	shalt  }
0x50: {  	_ =	shalt  }
0x51: {  	_ =	shalt  }
0x52: {  	_ =	shalt  }
0x53: {  	_ =	shalt  }
0x54: {  	_ =	shalt  }
0x55: {  	_ =	shalt  }
0x56: {  	_ =	shalt  }
0x57: {  	_ =	shalt  }
0x58: {  	_ =	shalt  }
0x59: {  	_ =	shalt  }
0x5a: {  	_ =	shalt  }
0x5b: {  	_ =	shalt  }
0x5c: {  	_ =	shalt  }
0x5d: {  	_ =	shalt  }
0x5e: {  	_ =	shalt  }
0x5f: {  	_ =	shalt  }
0x60: {  	_ =	shalt  }
0x61: {  	_ =	shalt  }
0x62: {  	_ =	shalt  }
0x63: {  	_ =	shalt  }
0x64: {  	_ =	shalt  }
0x65: {  	_ =	shalt  }
0x66: {  	_ =	shalt  }
0x67: {  	_ =	shalt  }
0x68: {  	_ =	shalt  }
0x69: {  	_ =	shalt  }
0x6a: {  	_ =	shalt  }
0x6b: {  	_ =	shalt  }
0x6c: {  	_ =	shalt  }
0x6d: {  	_ =	shalt  }
0x6e: {  	_ =	shalt  }
0x6f: {  	_ =	shalt  }
0x70: {  	_ =	shalt  }
0x71: {  	_ =	shalt  }
0x72: {  	_ =	shalt  }
0x73: {  	_ =	shalt  }
0x74: {  	_ =	shalt  }
0x75: {  	_ =	shalt  }
0x76: {  	_ =	shalt  }
0x77: {  	_ =	shalt  }
0x78: {  	_ =	shalt  }
0x79: {  	_ =	shalt  }
0x7a: {  	_ =	shalt  }
0x7b: {  	_ =	shalt  }
0x7c: {  	_ =	shalt  }
0x7d: {  	_ =	shalt  }
0x7e: {  	_ =	shalt  }
0x7f: {  	_ =	shalt  }
0x80: {  	_ =	shalt  }
0x81: {  	_ =	shalt  }
0x82: {  	_ =	shalt  }
0x83: {  	_ =	shalt  }
0x84: {  	_ =	shalt  }
0x85: {  	_ =	shalt  }
0x86: {  	_ =	shalt  }
0x87: {  	_ =	shalt  }
.Lfunc_end0:
.L_simem_size_0:
called_computation.2_lowered:
.L_overlay_start_0:
0x88: {  	s2 =	sld [smem:$0x3FD9]  }
0x89: {  	s3 =	sld [smem:$0x3FFE];
	_ =	sdelay $0x1  }
0x8a: {  	s1 =	srdreg.scid  }
0x8b: {  	s0 =	sand.u32 $0x1, s1  }
0x8c: {  	s16 =	sshll.u32 s0, $0xA;
	s2 =	sadd.s32 s3, s2  }
0x8d: {  	s2 =	sadd.s32 s2, s16  }
0x8e: {  	[smem:$0x3FC2] =	sst s2  }
0x8f: {  	_ = 	snop  }
0x90: {  	(tm) =	ssettm $0x1  }
0x91: {  	s17 =	sld [smem:$0x3FFB];
	_ =	sdelay $0x3  }
0x92: {  	_ =	strace s17  }
0x93: {  	s2 =	sld [smem:$0x3FFC];
	_ =	sdelay $0x3  }
0x94: {  	_ =	strace s2  }
0x95: {  	s2 =	sld [smem:$0x3FFD];
	_ =	sdelay $0x3  }
0x96: {  	_ =	strace s2  }
0x97: {  	_ =	strace $0x8FFFFFFF  }
0x98: {  	s18 =	sld [smem:$0x3FDB];
	_ =	sdelay $0x1  }
0x99: {  	s19 =	simm.s32 $_scs_section_size  }
0x9a: {  	s4 =	simm.s32 $_size__tile_overlayer_lowered;
	s5 =	simm.s32 $_tile_overlayer_lowered  }
0x9b: {  	s22 =	simm.s32 $0x1BFF;
	s21 =	sshll.u32 s5, $0x1;
	s2 =	sadd.s32 s19, s18  }
0x9c: {  	s6 =	simm.s32 $0x0;
	s20 =	sshll.u32 s4, $0x1;
	s4 =	sadd.s32 s21, s2  }
0x9d: {  	[timem:s6], [sflag:s22] =	dma.local [hbm:s4], s20  }
0x9e: {  	_ =	swait.ge [sflag:s22], s20  }
0x9f: {  	s3 =	ssub.s32 $0x0, s20;
	[sflag:s22] =	ssyncset.done $0x0  }
0xa0: {  	[sflag:s22] =	ssyncadd.s32 s3;
	_ =	sdelay $0x1  }
0xa1: {  	s23 =	simm.s32 $0x1B8B  }
0xa2: {  	_ =	swait.ge [sflag:s23], $0x1  }
0xa3: {  	[sflag:s23] =	ssyncset.done $0x0  }
0xa4: {  	s25 =	simm.s32 $0x1B8E;
	s24 =	sld [smem:$0x3FFE];
	[sflag:s23] =	ssyncadd.s32 $0xFFFFFFFF  }
0xa5: {  	s26 =	simm.s32 $execute0_lowered;
	[smem:$0x3FD2] =	sst s25  }
0xa6: {  	s4 =	sshll.u32 s26, $0x1;
	_ =	strace $0x8000004C;
	[dreg:$0x1] =	wrdreg $0xFFFFFFFF  }
0xa7: {  	s28 =	simm.s32 $_size_execute0_lowered;
	s2 =	sadd.s32 s2, s4;
	[dreg:$0x0] =	wrdreg $0x0  }
0xa8: {  	s4 =	sshll.u32 s28, $0x1;
	[dreg:$0x2] =	wrdreg s2  }
0xa9: {  	[dreg:$0x3] =	wrdreg s4  }
0xaa: {  	[dreg:$0x4] =	wrdreg $0xC0  }
0xab: {  	_ =	task [dreg:s6], $0x5FFFF  }
0xac: {  	[dreg:$0x1] =	wrdreg $0xFFFFFFFF  }
0xad: {  	[dreg:$0x0] =	wrdreg $0x60  }
0xae: {  	[dreg:$0x2] =	wrdreg s24  }
0xaf: {  	[dreg:$0x3] =	wrdreg $0x0  }
0xb0: {  	[dreg:$0x4] =	wrdreg $0x9  }
0xb1: {  	_ =	task.clear_ibuf [dreg:s6], $0x5FFFF;
	_ =	strace $0x9000004C  }
0xb2: {  	s29 =	simm.s32 $0x9;
	_ =	strace $0x8000004E  }
0xb3: {  	_ =	swait.ge [sflag:s29], $0x1  }
0xb4: {  	[sflag:s29] =	ssyncadd.s32 $0xFFFFFFFF  }
0xb5: {  	_ =	strace $0x9000004E  }
0xb6: {  	_ =	sfence  }
0xb7: {  	s30 =	sld [smem:$0x0];
	_ =	sdelay $0x2  }
0xb8: {  	s31 =	sshll.u32 s1, $0xD;
	s1 =	sshrl.u32 s1, $0x2  }
0xb9: {  	s3 =	sand.u32 $0x4000, s31;
	s1 =	sadd.s32 s1, s30  }
0xba: {  	s0 =	sor.u32 s3, s0;
	s1 =	sshll.u32 s1, $0x11  }
0xbb: {  	s0 =	sor.u32 s1, s0  }
0xbc: {  	s0 =	sadd.s32 $0x8F2B, s0  }
0xbd: {  	[sflag:s0] =	ssyncadd.remote.s32 $0x1  }
0xbe: {  	_ =	sfence.sel $0xFFFF  }
0xbf: {  	[dreg:$0x0] =	wrdreg $0xFFFFFFFF;
	(pc) =	sbr.abs _section_cstart, $3  }
0xc0: {  	[dreg:$0x1] =	wrdreg $0xFFFFFFFF  }
0xc1: {  	_ =	task.clear_ibuf [dreg:s6], $0x2FFFF;
	_ =	strace $0x9FFFFFFF  }
0xc2: {  	(tm) =	ssettm $0x7FFFFFFF  }
0xc3: {  	_ =	shalt  }
tec
execute0_lowered:
.L_overlay_start_1:
0x0: {  	(tag) =	ssettag $0x1  }
0x1: {  	s7 =	rddreg [dreg:$0x0]  }
0x2: {  	s2 =	rddreg [dreg:$0x1];
	s3 =	simm.s32 $0x0;
	s0 =	stileid.u32  }
0x3: {  	s4 =	srdreg.scid;
	s19 =	simm.s32 $0x14100;
	s20 =	simm.s32 $0x80  }
0x4: {  	s21 =	simm.s32 $0x14200;
	s22 =	simm.s32 $0x14080;
	s23 =	simm.s32 $0x14180  }
0x5: {  	s28 =	simm.s32 $0x0;
	[smem:$0x7FF] =	sst s3;
	s8 =	smul.u32 $0x14000, s0  }
0x6: {  	s9 =	sand.u32 $0x1, s4;
	s4 =	sadd.s32 $0x70200, s7;
	s12 =	smul.u32 $0x50000, s0  }
0x7: {  	s5 =	sadd.s32 $0x11200, s7;
	s6 =	sadd.s32 $0x2200, s7;
	s18 =	smul.u32 $0x280, s0  }
0x8: {  	s30 =	sshll.u32 s0, $0x6;
	_ =	strace $0x8000004D;
	s10 =	smul.u32 $0x140000, s9  }
0x9: {  	s24 =	ssub.s32 $0x2, s9;
	s26 =	sshll.u32 s9, $0x4;
	s15 =	smul.u32 $0x2800, s9  }
0xa: {  	s11 =	sshrl.u32 s8, $0x3;
	s25 =	sshrl.u32 s24, $0x1;
	s29 =	sshrl.u32 s12, $0x2  }
0xb: {  	s11 =	sadd.s32 s11, s7;
	s8 =	sadd.s32 s8, s10;
	s14 =	ssub.s32 s24, s25  }
0xc: {  	s16 =	sadd.s32 s29, s2;
	s15 =	sadd.s32 s18, s15;
	s18 =	simm.s32 $0x14000  }
0xd: {  	s24 =	simm.s32 $0x2;
	s25 =	simm.s32 $0x1;
	s8 =	sshrl.u32 s8, $0x3  }
0xe: {  	s14 =	smax.u32 s14, $0x1;
	s13 =	sadd.s32 s8, s7;
	s8 =	sor.u32 s0, s26  }
0xf: {  	s16 =	sshrl.u32 s16, $0x3;
	s7 =	sadd.s32 $0xBE400, s11;
	s31 =	smul.u32 $0x280, s8  }
0x10: {  	s26 =	simm.s32 $0x18200;
	s8 =	sor.u32 $0x1C03, s30;
	s13 =	sadd.s32 $0xE6400, s13  }
0x11: {  	s9 =	sadd.s32 s5, s31;
	s17 =	sor.u32 $0x10, s31;
	s10 =	sadd.s32 s6, s31  }
0x12: {  	s11 =	sadd.s32 s5, s17;
	s12 =	sadd.s32 s6, s17;
	s17 =	simm.s32 $0x3  }
.LBB2_1:
0x13: {  	[spmem:s16], [sflag:s8] =	dma.local [hbm:s7], $0x2800  }
0x14: {  	_ =	swait.ge [sflag:s17], $0x2800  }
0x15: {  	[sflag:s17] =	ssyncset.done $0x0  }
0x16: {  	[sflag:s17] =	ssyncadd.s32 $0xFFFFD800  }
0x17: {  	[tilespmem:s18], [sflag:$0x3] =	stream.linear.gather [hbm4b:s9+s3], $0x80, $0x38;
	[tilespmem:$0x1C200] =	vst v63  }
0x18: {  	_ =	swait.ge [sflag:s17], $0x80  }
0x19: {  	[sflag:s17] =	ssyncset.done $0x0  }
0x1a: {  	[sflag:s17] =	ssyncadd.s32 $0xFFFFFF80  }
0x1b: {  	[tilespmem:s19], [sflag:$0x3] =	stream.linear.gather [hbm4b:s10+s3], $0x80, $0x38;
	[tilespmem:$0x1C200] =	vst v63  }
0x1c: {  	_ =	swait.ge [sflag:s17], $0x80  }
0x1d: {  	[sflag:s17] =	ssyncset.done $0x0  }
0x1e: {  	[sflag:s17] =	ssyncadd.s32 $0xFFFFFF80  }
0x1f: {  	[bflag:$0x0] =	sbarrier.arrive $0xFFFF  }
0x20: {  	[tilespmem:s21], [sflag:$0x1] =	stream.indirect.gather [hbm4b:s4+s20], $0x80, s18, s20, $0xb8;
	[tilespmem:$0x1C200] =	vst v63  }
0x21: {  	_ = 	snop  }
0x22: {  	[tilespmem:s22], [sflag:$0x2] =	stream.linear.gather [hbm4b:s11+s3], $0x80, $0x38;
	[tilespmem:$0x1C200] =	vst v63  }
0x23: {  	_ = 	snop  }
0x24: {  	[tilespmem:s23], [sflag:$0x2] =	stream.linear.gather [hbm4b:s12+s3], $0x80, $0x38;
	[tilespmem:$0x1C200] =	vst v63  }
0x25: {  	_ =	swait.ge [sflag:s24], $0x80  }
0x26: {  	[sflag:s24] =	ssyncset.done $0x0  }
0x27: {  	[sflag:s24] =	ssyncadd.s32 $0xFFFFFF80  }
0x28: {  	_ =	swait.ge [sflag:s24], $0x80  }
0x29: {  	[sflag:s24] =	ssyncset.done $0x0  }
0x2a: {  	[sflag:s24] =	ssyncadd.s32 $0xFFFFFF80  }
0x2b: {  	_ =	swait.ge [sflag:s25], $0x4000  }
0x2c: {  	[sflag:s25] =	ssyncset.done $0x0  }
0x2d: {  	s29 =	sadd.s32 $0x30, s15;
	[sflag:s25] =	ssyncadd.s32 $0xFFFFC000  }
0x2e: {  	[tilespmem:s26], [sflag:$0x1] =	stream.indirect.gather [hbm4b:s4+s20], $0x80, s22, s20, $0xb8;
	[tilespmem:$0x1C200] =	vst v63  }
0x2f: {  	s30 =	simm.s32 $0x20;
	s31 =	sadd.s32 $0xFFFFFFF0, s29  }
0x30: {  	[spmem:s2] =	stream.indirect.scatter.add.f32 [tilespmem:s21], [sflag:$0x3], $0x80, s19, s20, $0xb8;
	[tilespmem:$0x1C200] =	vst v63  }
0x31: {  	s30 =	sand.u32 $0x60, s30;
	s31 =	sand.u32 $0xFFFFF80, s31;
	_ =	swait.ge [sflag:s17], $0x4000  }
0x32: {  	s30 =	sor.u32 s30, s31;
	[sflag:s17] =	ssyncset.done $0x0  }
0x33: {  	s31 =	sadd.s32 s5, s30;
	[sflag:s17] =	ssyncadd.s32 $0xFFFFC000  }
0x34: {  	[tilespmem:s18], [sflag:$0x2] =	stream.linear.gather [hbm4b:s31+s3], $0x80, $0x38;
	[tilespmem:$0x1C200] =	vst v63  }
0x35: {  	s30 =	sadd.s32 s6, s30  }
0x36: {  	[tilespmem:s19], [sflag:$0x2] =	stream.linear.gather [hbm4b:s30+s3], $0x80, $0x38;
	[tilespmem:$0x1C200] =	vst v63  }
0x37: {  	_ =	swait.ge [sflag:s24], $0x80  }
0x38: {  	[sflag:s24] =	ssyncset.done $0x0  }
0x39: {  	[sflag:s24] =	ssyncadd.s32 $0xFFFFFF80  }
0x3a: {  	_ =	swait.ge [sflag:s24], $0x80  }
0x3b: {  	[sflag:s24] =	ssyncset.done $0x0  }
0x3c: {  	[sflag:s24] =	ssyncadd.s32 $0xFFFFFF80  }
0x3d: {  	_ =	swait.ge [sflag:s25], $0x4000  }
0x3e: {  	[sflag:s25] =	ssyncset.done $0x0  }
0x3f: {  	[sflag:s25] =	ssyncadd.s32 $0xFFFFC000  }
0x40: {  	[tilespmem:s21], [sflag:$0x1] =	stream.indirect.gather [hbm4b:s4+s20], $0x80, s18, s20, $0xb8;
	[tilespmem:$0x1C200] =	vst v63  }
0x41: {  	s30 =	simm.s32 $0x30  }
0x42: {  	[spmem:s2] =	stream.indirect.scatter.add.f32 [tilespmem:s26], [sflag:$0x3], $0x80, s23, s20, $0xb8;
	[tilespmem:$0x1C200] =	vst v63  }
0x43: {  	s29 =	sand.u32 $0xFFFFF80, s29;
	s30 =	sand.u32 $0x70, s30;
	_ =	swait.ge [sflag:s17], $0x4000  }
0x44: {  	s30 =	sor.u32 s30, s29;
	[sflag:s17] =	ssyncset.done $0x0  }
0x45: {  	s29 =	sadd.s32 s5, s30;
	[sflag:s17] =	ssyncadd.s32 $0xFFFFC000  }
0x46: {  	[tilespmem:s22], [sflag:$0x2] =	stream.linear.gather [hbm4b:s29+s3], $0x80, $0x38;
	[tilespmem:$0x1C200] =	vst v63  }
0x47: {  	s30 =	sadd.s32 s6, s30;
	s29 =	simm.s32 $0x50  }
.LBB2_2:
0x48: {  	p0 =	sne.s32 s29, $0x270;
	s31 =	smov.u32 s29;
	s29 =	sadd.s32 $0x20, s29  }
0x49: {  	[tilespmem:s23], [sflag:$0x2] =	stream.linear.gather [hbm4b:s30+s3], $0x80, $0x38;
	[tilespmem:$0x1C200] =	vst v63  }
0x4a: {  	_ =	swait.ge [sflag:s24], $0x80  }
0x4b: {  	[sflag:s24] =	ssyncset.done $0x0  }
0x4c: {  	[sflag:s24] =	ssyncadd.s32 $0xFFFFFF80  }
0x4d: {  	_ =	swait.ge [sflag:s24], $0x80  }
0x4e: {  	[sflag:s24] =	ssyncset.done $0x0  }
0x4f: {  	[sflag:s24] =	ssyncadd.s32 $0xFFFFFF80  }
0x50: {  	_ =	swait.ge [sflag:s25], $0x4000  }
0x51: {  	[sflag:s25] =	ssyncset.done $0x0  }
0x52: {  	[sflag:s25] =	ssyncadd.s32 $0xFFFFC000  }
0x53: {  	[tilespmem:s26], [sflag:$0x1] =	stream.indirect.gather [hbm4b:s4+s20], $0x80, s22, s20, $0xb8;
	[tilespmem:$0x1C200] =	vst v63  }
0x54: {  	s30 =	sadd.s32 s31, s15;
	s0 =	sadd.s32 $0xFFFFFFF0, s31;
	s31 =	sand.u32 $0x70, s31  }
0x55: {  	[spmem:s2] =	stream.indirect.scatter.add.f32 [tilespmem:s21], [sflag:$0x3], $0x80, s19, s20, $0xb8;
	[tilespmem:$0x1C200] =	vst v63  }
0x56: {  	s1 =	sadd.s32 $0xFFFFFFF0, s30;
	s0 =	sand.u32 $0x60, s0;
	_ =	swait.ge [sflag:s17], $0x4000  }
0x57: {  	s30 =	sand.u32 $0xFFFFF80, s30;
	s1 =	sand.u32 $0xFFFFF80, s1;
	[sflag:s17] =	ssyncset.done $0x0  }
0x58: {  	s0 =	sor.u32 s0, s1;
	s1 =	sor.u32 s31, s30;
	[sflag:s17] =	ssyncadd.s32 $0xFFFFC000  }
0x59: {  	s30 =	sadd.s32 s5, s0;
	s0 =	sadd.s32 s6, s0  }
0x5a: {  	[tilespmem:s18], [sflag:$0x2] =	stream.linear.gather [hbm4b:s30+s3], $0x80, $0x38;
	[tilespmem:$0x1C200] =	vst v63  }
0x5b: {  	_ = 	snop  }
0x5c: {  	[tilespmem:s19], [sflag:$0x2] =	stream.linear.gather [hbm4b:s0+s3], $0x80, $0x38;
	[tilespmem:$0x1C200] =	vst v63  }
0x5d: {  	_ =	swait.ge [sflag:s24], $0x80  }
0x5e: {  	[sflag:s24] =	ssyncset.done $0x0  }
0x5f: {  	[sflag:s24] =	ssyncadd.s32 $0xFFFFFF80  }
0x60: {  	_ =	swait.ge [sflag:s24], $0x80  }
0x61: {  	[sflag:s24] =	ssyncset.done $0x0  }
0x62: {  	[sflag:s24] =	ssyncadd.s32 $0xFFFFFF80  }
0x63: {  	_ =	swait.ge [sflag:s25], $0x4000  }
0x64: {  	[sflag:s25] =	ssyncset.done $0x0  }
0x65: {  	[sflag:s25] =	ssyncadd.s32 $0xFFFFC000  }
0x66: {  	[tilespmem:s21], [sflag:$0x1] =	stream.indirect.gather [hbm4b:s4+s20], $0x80, s18, s20, $0xb8;
	[tilespmem:$0x1C200] =	vst v63  }
0x67: {  	_ = 	snop  }
0x68: {  	[spmem:s2] =	stream.indirect.scatter.add.f32 [tilespmem:s26], [sflag:$0x3], $0x80, s23, s20, $0xb8;
	[tilespmem:$0x1C200] =	vst v63  }
.Ltmp0:
0x69: {  	_ = 	snop;
	(pc) =	sbr.rel @p0 .LBB2_2-.Ltmp0, $4  }
0x6a: {  	_ =	swait.ge [sflag:s17], $0x4000  }
0x6b: {  	s0 =	sadd.s32 s5, s1;
	[sflag:s17] =	ssyncset.done $0x0  }
0x6c: {  	s30 =	sadd.s32 s6, s1;
	[sflag:s17] =	ssyncadd.s32 $0xFFFFC000  }
0x6d: {  	[tilespmem:s22], [sflag:$0x2] =	stream.linear.gather [hbm4b:s0+s3], $0x80, $0x38;
	[tilespmem:$0x1C200] =	vst v63  }
0x6e: {  	[tilespmem:s23], [sflag:$0x2] =	stream.linear.gather [hbm4b:s30+s3], $0x80, $0x38;
	[tilespmem:$0x1C200] =	vst v63  }
0x6f: {  	_ =	swait.ge [sflag:s24], $0x80  }
0x70: {  	[sflag:s24] =	ssyncset.done $0x0  }
0x71: {  	[sflag:s24] =	ssyncadd.s32 $0xFFFFFF80  }
0x72: {  	_ =	swait.ge [sflag:s24], $0x80  }
0x73: {  	[sflag:s24] =	ssyncset.done $0x0  }
0x74: {  	[sflag:s24] =	ssyncadd.s32 $0xFFFFFF80  }
0x75: {  	_ =	swait.ge [sflag:s25], $0x4000  }
0x76: {  	[sflag:s25] =	ssyncset.done $0x0  }
0x77: {  	[sflag:s25] =	ssyncadd.s32 $0xFFFFC000  }
0x78: {  	[tilespmem:s26], [sflag:$0x1] =	stream.indirect.gather [hbm4b:s4+s20], $0x80, s22, s20, $0xb8;
	[tilespmem:$0x1C200] =	vst v63  }
0x79: {  	_ = 	snop  }
0x7a: {  	[spmem:s2] =	stream.indirect.scatter.add.f32 [tilespmem:s21], [sflag:$0x3], $0x80, s19, s20, $0xb8;
	[tilespmem:$0x1C200] =	vst v63  }
0x7b: {  	_ =	swait.ge [sflag:s17], $0x4000  }
0x7c: {  	[sflag:s17] =	ssyncset.done $0x0  }
0x7d: {  	[sflag:s17] =	ssyncadd.s32 $0xFFFFC000  }
0x7e: {  	[tilespmem:s18], [sflag:$0x2] =	stream.linear.gather [hbm4b:s9+s3], $0x80, $0x38;
	[tilespmem:$0x1C200] =	vst v63  }
0x7f: {  	_ = 	snop  }
0x80: {  	[tilespmem:s19], [sflag:$0x2] =	stream.linear.gather [hbm4b:s10+s3], $0x80, $0x38;
	[tilespmem:$0x1C200] =	vst v63  }
0x81: {  	_ =	swait.ge [sflag:s24], $0x80  }
0x82: {  	[sflag:s24] =	ssyncset.done $0x0  }
0x83: {  	[sflag:s24] =	ssyncadd.s32 $0xFFFFFF80  }
0x84: {  	_ =	swait.ge [sflag:s24], $0x80  }
0x85: {  	[sflag:s24] =	ssyncset.done $0x0  }
0x86: {  	[sflag:s24] =	ssyncadd.s32 $0xFFFFFF80  }
0x87: {  	_ =	swait.ge [sflag:s25], $0x4000  }
0x88: {  	[sflag:s25] =	ssyncset.done $0x0  }
0x89: {  	[sflag:s25] =	ssyncadd.s32 $0xFFFFC000  }
0x8a: {  	[tilespmem:s21], [sflag:$0x1] =	stream.indirect.gather [hbm4b:s4+s20], $0x80, s18, s20, $0xb8;
	[tilespmem:$0x1C200] =	vst v63  }
0x8b: {  	_ = 	snop  }
0x8c: {  	[spmem:s2] =	stream.indirect.scatter.add.f32 [tilespmem:s26], [sflag:$0x3], $0x80, s23, s20, $0xb8;
	[tilespmem:$0x1C200] =	vst v63  }
0x8d: {  	_ =	swait.ge [sflag:s17], $0x4000  }
0x8e: {  	[sflag:s17] =	ssyncset.done $0x0  }
0x8f: {  	[sflag:s17] =	ssyncadd.s32 $0xFFFFC000  }
0x90: {  	[tilespmem:s22], [sflag:$0x2] =	stream.linear.gather [hbm4b:s11+s3], $0x80, $0x38;
	[tilespmem:$0x1C200] =	vst v63  }
0x91: {  	_ = 	snop  }
0x92: {  	[tilespmem:s23], [sflag:$0x2] =	stream.linear.gather [hbm4b:s12+s3], $0x80, $0x38;
	[tilespmem:$0x1C200] =	vst v63  }
0x93: {  	_ =	swait.ge [sflag:s25], $0x4000  }
0x94: {  	[sflag:s25] =	ssyncset.done $0x0  }
0x95: {  	[sflag:s25] =	ssyncadd.s32 $0xFFFFC000  }
0x96: {  	_ =	swait.ge [sflag:s24], $0x80  }
0x97: {  	[sflag:s24] =	ssyncset.done $0x0  }
0x98: {  	[sflag:s24] =	ssyncadd.s32 $0xFFFFFF80  }
0x99: {  	_ =	swait.ge [sflag:s24], $0x80  }
0x9a: {  	s28 =	sadd.s32 $0x1, s28;
	[sflag:s24] =	ssyncset.done $0x0  }
0x9b: {  	p0 =	sne.s32 s28, s14;
	[sflag:s24] =	ssyncadd.s32 $0xFFFFFF80  }
.Ltmp1:
0x9c: {  	[bflag:$0x0] =	sbarrier.arrive $0xFFFF;
	(pc) =	sbr.rel @p0 .LBB2_1-.Ltmp1, $4  }
0x9d: {  	[hbm:s13], [sflag:s8] =	dma.local [spmem:s16], $0x2800  }
0x9e: {  	_ =	swait.ge [sflag:s17], $0x2800  }
0x9f: {  	[sflag:s17] =	ssyncset.done $0x0  }
0xa0: {  	[sflag:s17] =	ssyncadd.s32 $0xFFFFD800  }
0xa1: {  	_ =	sfence.sel $0x180000  }
0xa2: {  	[bflag:$0x0] =	sbarrier.arrive $0xFFFF  }
0xa3: {  	_ =	strace $0x9000004D  }
0xa4: {  	s0 =	stileid.u32;
	[bflag:$0x2] =	sbarrier.arrive $0xFFFF  }
0xa5: {  	p0 =	sne.s32 s0, $0x0;
	s0 =	rddreg [dreg:$0x2]  }
0xa6: {  	s0 =	sadd.s32 @!p0 $0x100000, s0  }
0xa7: {  	[sflag:s0] =	ssyncadd.tile.s32 @!p0 $0x1;
	_ =	shalt  }
.Lfunc_end2:
_tile_overlayer_lowered:
.L_overlay_start_2:
0xa8: {  	(tag) =	ssettag $0x2  }
0xa9: {  	s0 =	rddreg [dreg:$0x0];
	s2 =	stileid.u32  }
0xaa: {  	s1 =	rddreg [dreg:$0x1];
	p0 =	sne.s32 s2, $0x0  }
0xab: {  	s3 =	rddreg [dreg:$0x2];
	[bflag:$0x3] =	sbarrier.arrive $0xFFFF;
	s2 =	simm.s32 @!p0 $0x1C03  }
0xac: {  	[timem:s3], [sflag:s2] =	dma.local @!p0 [hbm:s0], s1  }
0xad: {  	s0 =	simm.s32 @!p0 $0x3  }
0xae: {  	_ =	swait.ge @!p0 [sflag:s0], s1  }
0xaf: {  	s1 =	ssub.s32 @!p0 $0x0, s1;
	[sflag:s0] =	ssyncset.done @!p0 $0x0  }
0xb0: {  	[sflag:s0] =	ssyncadd.s32 @!p0 s1  }
0xb1: {  	[bflag:$0x3] =	sbarrier.arrive $0xFFFF  }
0xb2: {  	_ =	shalt  }

// kernel: kernel.8.cloned.1.call-start
scs
__scs_entry_jumppad:
0x0: {  	(pc) =	sbr.rel $0x88, $3  }
0x1: {  	(tag) =	ssettag $0x0;
	lr =	simm.s32 $0x1  }
0x2: {  	[smem:$0x3F9B] =	sst lr;
	_ =	strace $0xD0000000  }
0x3: {  	_ = 	snop  }
0x4: {  	_ = 	snop  }
0x5: {  	_ = 	snop  }
0x6: {  	_ = 	snop  }
0x7: {  	_ = 	snop  }
__scs_overlays_trampoline_lowered:
0x8: {  	[smem:$0x3FAA] =	sst s0  }
0x9: {  	[smem:$0x3FAB] =	sst s1  }
0xa: {  	[smem:$0x3FAC] =	sst s2  }
0xb: {  	[smem:$0x3FAD] =	sst s3  }
0xc: {  	[smem:$0x3FAE] =	sst s4  }
0xd: {  	[smem:$0x3FAF] =	sst s5  }
0xe: {  	[smem:$0x3FB0] =	sst s6  }
0xf: {  	[smem:$0x3FB1] =	sst s7  }
0x10: {  	[smem:$0x3FB2] =	sst s8  }
0x11: {  	[smem:$0x3FB3] =	sst s9;
	s0 =	simm.s32 @!p0 $0x0  }
0x12: {  	s1 =	sld [smem:$0x3F99];
	s0 =	simm.s32 @p0 $0x1  }
0x13: {  	[smem:$0x3FB4] =	sst s0;
	s0 =	simm.s32 @!p1 $0x0  }
0x14: {  	s2 =	sld [smem:$0x3F98];
	s0 =	simm.s32 @p1 $0x1  }
0x15: {  	[smem:$0x3FB5] =	sst s0;
	s0 =	simm.s32 @!p2 $0x0  }
0x16: {  	s3 =	sld [smem:$0x3FDB];
	s0 =	simm.s32 @p2 $0x1  }
0x17: {  	s4 =	simm.s32 $0x1BF5;
	[smem:$0x3FB7] =	sst s0  }
0x18: {  	s0 =	sld [smem:$0x3F9A];
	_ =	swait.ge [sflag:s4], $0x0  }
0x19: {  	s7 =	sld [smem:$0x3F9B]  }
0x1a: {  	s8 =	sadd.s32 $0xFFFFE003, lr  }
0x1b: {  	s9 =	sadd.s32 $0xFFFFFEF7, lr;
	s5 =	simm.s32 $0xFFFFFFFF;
	p2 =	slt.u32 s8, $0xFFFFF086  }
0x1c: {  	p1 =	slt.u32 s9, $0xF7A;
	s5 =	simm.s32 @!p2 $0x0  }
0x1d: {  	s5 =	simm.s32 @p1 $0x1;
	p0 =	seq.s32 s7, s2  }
0x1e: {  	s7 =	smul.u32 @!p0 $0xF7A, s2;
	p2 =	seq.s32 @!p0 s5, $0x0  }
0x1f: {  	s9 =	smul.u32 $0xF7A, s1;
	s8 =	simm.s32 @!p0 $0x1BF5;
	p2 =	por !p2, p0  }
0x20: {  	[sflag:s8] =	ssyncset.s32 @!p0 $0xFFFFF086;
	s6 =	sadd.s32 @!p0 s3, s7;
	s7 =	simm.s32 @!p0 $0x108  }
0x21: {  	s3 =	sadd.s32 s3, s9;
	s6 =	sadd.s32 @!p0 $0x88, s6;
	s7 =	simm.s32 @p2 $0x1082  }
0x22: {  	[simem:s7], [sflag:s8] =	dma.local @!p0 [hbm:s6], $0xF7A  }
0x23: {  	s9 =	sor.u32 $0xD0000000, s2;
	s6 =	simm.s32 $0x108;
	_ =	swait.ge @!p0 [sflag:s8], $0x0  }
0x24: {  	s3 =	sadd.s32 $0x88, s3;
	s6 =	simm.s32 @!p1 $0x1082;
	[sflag:s4] =	ssyncset.s32 $0xFFFFF086  }
0x25: {  	[simem:s6], [sflag:s4] =	dma.local [hbm:s3], $0xF7A  }
0x26: {  	[smem:$0x3F9B] =	sst s1;
	(tag) =	ssettag s2;
	_ =	strace s9  }
0x27: {  	s1 =	sld [smem:$0x3FAB]  }
0x28: {  	s2 =	sld [smem:$0x3FAC]  }
0x29: {  	s4 =	sld [smem:$0x3FAE]  }
0x2a: {  	p0 =	seq.s32 s5, $0x0;
	s5 =	sld [smem:$0x3FAF]  }
0x2b: {  	s6 =	sld [smem:$0x3FB0]  }
0x2c: {  	s7 =	sld [smem:$0x3FB1]  }
0x2d: {  	s3 =	simm.s32 $0x108;
	s8 =	sld [smem:$0x3FB2]  }
0x2e: {  	s3 =	simm.s32 @!p0 $0x1082;
	s9 =	sld [smem:$0x3FB3]  }
0x2f: {  	lr =	sadd.s32 s0, s3;
	s0 =	sld [smem:$0x3FAA]  }
0x30: {  	s3 =	sld [smem:$0x3FAD]  }
0x31: {  	[smem:$0x3FB6] =	sst s10  }
0x32: {  	s10 =	sld [smem:$0x3FB4];
	_ =	sdelay $0x3  }
0x33: {  	p0 =	seq.s32 s10, $0x1;
	s10 =	sld [smem:$0x3FB6];
	_ =	sdelay $0x3  }
0x34: {  	[smem:$0x3FB6] =	sst s10  }
0x35: {  	s10 =	sld [smem:$0x3FB5];
	_ =	sdelay $0x3  }
0x36: {  	p1 =	seq.s32 s10, $0x1;
	s10 =	sld [smem:$0x3FB6];
	_ =	sdelay $0x3  }
0x37: {  	[smem:$0x3FB6] =	sst s10  }
0x38: {  	s10 =	sld [smem:$0x3FB7]  }
0x39: {  	_ = 	snop;
	(pc) =	sbr.ind lr, $3  }
0x3a: {  	_ = 	snop  }
0x3b: {  	_ = 	snop  }
0x3c: {  	p2 =	seq.s32 s10, $0x1;
	s10 =	sld [smem:$0x3FB6]  }
0x3d: {  	_ =	shalt  }
0x3e: {  	_ =	shalt  }
0x3f: {  	_ =	shalt  }
0x40: {  	_ =	shalt  }
0x41: {  	_ =	shalt  }
0x42: {  	_ =	shalt  }
0x43: {  	_ =	shalt  }
0x44: {  	_ =	shalt  }
0x45: {  	_ =	shalt  }
0x46: {  	_ =	shalt  }
0x47: {  	_ =	shalt  }
0x48: {  	_ =	shalt  }
0x49: {  	_ =	shalt  }
0x4a: {  	_ =	shalt  }
0x4b: {  	_ =	shalt  }
0x4c: {  	_ =	shalt  }
0x4d: {  	_ =	shalt  }
0x4e: {  	_ =	shalt  }
0x4f: {  	_ =	shalt  }
0x50: {  	_ =	shalt  }
0x51: {  	_ =	shalt  }
0x52: {  	_ =	shalt  }
0x53: {  	_ =	shalt  }
0x54: {  	_ =	shalt  }
0x55: {  	_ =	shalt  }
0x56: {  	_ =	shalt  }
0x57: {  	_ =	shalt  }
0x58: {  	_ =	shalt  }
0x59: {  	_ =	shalt  }
0x5a: {  	_ =	shalt  }
0x5b: {  	_ =	shalt  }
0x5c: {  	_ =	shalt  }
0x5d: {  	_ =	shalt  }
0x5e: {  	_ =	shalt  }
0x5f: {  	_ =	shalt  }
0x60: {  	_ =	shalt  }
0x61: {  	_ =	shalt  }
0x62: {  	_ =	shalt  }
0x63: {  	_ =	shalt  }
0x64: {  	_ =	shalt  }
0x65: {  	_ =	shalt  }
0x66: {  	_ =	shalt  }
0x67: {  	_ =	shalt  }
0x68: {  	_ =	shalt  }
0x69: {  	_ =	shalt  }
0x6a: {  	_ =	shalt  }
0x6b: {  	_ =	shalt  }
0x6c: {  	_ =	shalt  }
0x6d: {  	_ =	shalt  }
0x6e: {  	_ =	shalt  }
0x6f: {  	_ =	shalt  }
0x70: {  	_ =	shalt  }
0x71: {  	_ =	shalt  }
0x72: {  	_ =	shalt  }
0x73: {  	_ =	shalt  }
0x74: {  	_ =	shalt  }
0x75: {  	_ =	shalt  }
0x76: {  	_ =	shalt  }
0x77: {  	_ =	shalt  }
0x78: {  	_ =	shalt  }
0x79: {  	_ =	shalt  }
0x7a: {  	_ =	shalt  }
0x7b: {  	_ =	shalt  }
0x7c: {  	_ =	shalt  }
0x7d: {  	_ =	shalt  }
0x7e: {  	_ =	shalt  }
0x7f: {  	_ =	shalt  }
0x80: {  	_ =	shalt  }
0x81: {  	_ =	shalt  }
0x82: {  	_ =	shalt  }
0x83: {  	_ =	shalt  }
0x84: {  	_ =	shalt  }
0x85: {  	_ =	shalt  }
0x86: {  	_ =	shalt  }
0x87: {  	_ =	shalt  }
.Lfunc_end0:
.L_simem_size_0:
called_computation_lowered:
.L_overlay_start_0:
0x88: {  	s2 =	sld [smem:$0x3FD9]  }
0x89: {  	s3 =	sld [smem:$0x3FFE];
	_ =	sdelay $0x1  }
0x8a: {  	s1 =	srdreg.scid  }
0x8b: {  	s0 =	sand.u32 $0x1, s1  }
0x8c: {  	s16 =	sshll.u32 s0, $0xA;
	s2 =	sadd.s32 s3, s2  }
0x8d: {  	s2 =	sadd.s32 s2, s16  }
0x8e: {  	[smem:$0x3FC2] =	sst s2  }
0x8f: {  	_ = 	snop  }
0x90: {  	(tm) =	ssettm $0x1  }
0x91: {  	s17 =	sld [smem:$0x3FFB];
	_ =	sdelay $0x3  }
0x92: {  	_ =	strace s17  }
0x93: {  	s2 =	sld [smem:$0x3FFC];
	_ =	sdelay $0x3  }
0x94: {  	_ =	strace s2  }
0x95: {  	s2 =	sld [smem:$0x3FFD];
	_ =	sdelay $0x3  }
0x96: {  	_ =	strace s2  }
0x97: {  	_ =	strace $0x8FFFFFFF  }
0x98: {  	s18 =	sld [smem:$0x3FDB];
	_ =	sdelay $0x1  }
0x99: {  	s19 =	simm.s32 $_scs_section_size  }
0x9a: {  	s4 =	simm.s32 $_size__tile_overlayer_lowered;
	s5 =	simm.s32 $_tile_overlayer_lowered  }
0x9b: {  	s22 =	simm.s32 $0x1BFF;
	s21 =	sshll.u32 s5, $0x1;
	s2 =	sadd.s32 s19, s18  }
0x9c: {  	s6 =	simm.s32 $0x0;
	s20 =	sshll.u32 s4, $0x1;
	s4 =	sadd.s32 s21, s2  }
0x9d: {  	[timem:s6], [sflag:s22] =	dma.local [hbm:s4], s20  }
0x9e: {  	_ =	swait.ge [sflag:s22], s20  }
0x9f: {  	s3 =	ssub.s32 $0x0, s20;
	[sflag:s22] =	ssyncset.done $0x0  }
0xa0: {  	[sflag:s22] =	ssyncadd.s32 s3;
	_ =	sdelay $0x1  }
0xa1: {  	s23 =	simm.s32 $0x1B8B  }
0xa2: {  	_ =	swait.ge [sflag:s23], $0x1  }
0xa3: {  	[sflag:s23] =	ssyncset.done $0x0  }
0xa4: {  	s25 =	simm.s32 $0x1B8E;
	s24 =	sld [smem:$0x3FFE];
	[sflag:s23] =	ssyncadd.s32 $0xFFFFFFFF  }
0xa5: {  	s26 =	simm.s32 $execute0_lowered;
	[smem:$0x3FD2] =	sst s25  }
0xa6: {  	s4 =	sshll.u32 s26, $0x1;
	_ =	strace $0x80000046;
	[dreg:$0x1] =	wrdreg $0xFFFFFFFF  }
0xa7: {  	s28 =	simm.s32 $_size_execute0_lowered;
	s2 =	sadd.s32 s2, s4;
	[dreg:$0x0] =	wrdreg $0x0  }
0xa8: {  	s4 =	sshll.u32 s28, $0x1;
	[dreg:$0x2] =	wrdreg s2  }
0xa9: {  	[dreg:$0x3] =	wrdreg s4  }
0xaa: {  	[dreg:$0x4] =	wrdreg $0xC0  }
0xab: {  	_ =	task [dreg:s6], $0x5FFFF  }
0xac: {  	[dreg:$0x1] =	wrdreg $0xFFFFFFFF  }
0xad: {  	[dreg:$0x0] =	wrdreg $0x60  }
0xae: {  	[dreg:$0x2] =	wrdreg s24  }
0xaf: {  	[dreg:$0x3] =	wrdreg $0x0  }
0xb0: {  	[dreg:$0x4] =	wrdreg $0x9  }
0xb1: {  	_ =	task.clear_ibuf [dreg:s6], $0x5FFFF;
	_ =	strace $0x90000046  }
0xb2: {  	s29 =	simm.s32 $0x9;
	_ =	strace $0x80000048  }
0xb3: {  	_ =	swait.ge [sflag:s29], $0x1  }
0xb4: {  	[sflag:s29] =	ssyncadd.s32 $0xFFFFFFFF  }
0xb5: {  	_ =	strace $0x90000048  }
0xb6: {  	_ =	sfence  }
0xb7: {  	s30 =	sld [smem:$0x0];
	_ =	sdelay $0x2  }
0xb8: {  	s31 =	sshll.u32 s1, $0xD;
	s1 =	sshrl.u32 s1, $0x2  }
0xb9: {  	s3 =	sand.u32 $0x4000, s31;
	s1 =	sadd.s32 s1, s30  }
0xba: {  	s0 =	sor.u32 s3, s0;
	s1 =	sshll.u32 s1, $0x11  }
0xbb: {  	s0 =	sor.u32 s1, s0  }
0xbc: {  	s0 =	sadd.s32 $0x8F2B, s0  }
0xbd: {  	[sflag:s0] =	ssyncadd.remote.s32 $0x1  }
0xbe: {  	_ =	sfence.sel $0xFFFF  }
0xbf: {  	[dreg:$0x0] =	wrdreg $0xFFFFFFFF;
	(pc) =	sbr.abs _section_cstart, $3  }
0xc0: {  	[dreg:$0x1] =	wrdreg $0xFFFFFFFF  }
0xc1: {  	_ =	task.clear_ibuf [dreg:s6], $0x2FFFF;
	_ =	strace $0x9FFFFFFF  }
0xc2: {  	(tm) =	ssettm $0x7FFFFFFF  }
0xc3: {  	_ =	shalt  }
tec
execute0_lowered:
.L_overlay_start_1:
0x0: {  	(tag) =	ssettag $0x1  }
0x1: {  	s5 =	rddreg [dreg:$0x0]  }
0x2: {  	s1 =	rddreg [dreg:$0x1]  }
0x3: {  	s2 =	srdreg.scid;
	s0 =	rddreg [dreg:$0x2]  }
0x4: {  	s3 =	simm.s32 $0x0;
	s14 =	simm.s32 $0x2880;
	s15 =	simm.s32 $0x1  }
0x5: {  	s16 =	simm.s32 $0x80;
	s17 =	simm.s32 $0x2900;
	s6 =	sand.u32 $0x1, s2  }
0x6: {  	s18 =	simm.s32 $0x1A900;
	s2 =	stileid.u32;
	s7 =	smul.u32 $0x28000, s6  }
0x7: {  	s19 =	simm.s32 $0x0;
	[smem:$0x7FF] =	sst s3;
	s8 =	smul.u32 $0x2800, s2  }
0x8: {  	s4 =	sadd.s32 $0x2200, s5;
	_ =	strace $0x80000047;
	s28 =	smul.u32 $0x50000, s2  }
0x9: {  	s9 =	sshll.u32 s6, $0x4;
	s10 =	ssub.s32 $0x2, s6;
	s12 =	smul.u32 $0x2800, s6  }
0xa: {  	s13 =	smul.u32 $0x280, s2;
	s9 =	sor.u32 s2, s9;
	s29 =	sshrl.u32 s10, $0x1  }
0xb: {  	s7 =	sadd.s32 s8, s7;
	s9 =	smul.u32 $0x280, s9;
	s30 =	sshrl.u32 s28, $0x2  }
0xc: {  	s31 =	ssub.s32 s10, s29;
	s10 =	sadd.s32 s13, s12;
	s12 =	simm.s32 $0x2  }
0xd: {  	s13 =	simm.s32 $0x2800;
	s7 =	sshrl.u32 s7, $0x3;
	s6 =	sadd.s32 s30, s1  }
0xe: {  	s11 =	sadd.s32 s7, s5;
	s5 =	sadd.s32 s4, s9;
	s9 =	smax.u32 s31, $0x1  }
0xf: {  	v0 =	vimm.f32 $1.000000000e+00;
	v1 =	vimm.f32 $0.0e+00;
	s7 =	sadd.s32 $0x10, s5;
	s8 =	sadd.s32 $0x7200, s11;
	s11 =	simm.s32 $0x6900  }
.LBB2_1:
0x10: {  	s20 =	simm.s32 $0x0  }
.LBB2_2:
0x11: {  	p0 =	sne.s32 s20, $0xFE00  }
.Ltmp0:
0x12: {  	_ = 	snop;
	(pc) =	sbr.rel @p0 .LBB2_2-.Ltmp0, $3  }
0x13: {  	_ =	sdelay $0x1  }
0x14: {  	s21 =	sshra.s32 s20, $0x2  }
0x15: {  	s20 =	sadd.s32 $0x200, s20;
	[tilespmem:s21+$0x2900] =	vst v0  }
0x16: {  	s20 =	simm.s32 $0x200;
	s21 =	simm.s32 $0x0  }
.LBB2_4:
0x17: {  	p0 =	sne.s32 s20, $0x4FE00;
	[tilespmem:s21+$0x6900] =	vst v1;
	s21 =	smov.u32 s20;
	s20 =	sadd.s32 $0x200, s20  }
.Ltmp1:
0x18: {  	(pc) =	sbr.rel @p0 .LBB2_4-.Ltmp1, $2  }
0x19: {  	_ =	sdelay $0x2  }
0x1a: {  	s21 =	sshra.s32 s21, $0x2  }
0x1b: {  	[tilespmem:s21+$0x6900] =	vst v1  }
0x1c: {  	[spmem:s6] =	stream.linear.scatter [tilespmem:s11], [sflag:$0x2], $0x14000, $0x38;
	[tilespmem:$0x1D100] =	vst v63  }
0x1d: {  	_ =	swait.ge [sflag:s12], $0x14000  }
0x1e: {  	[sflag:s12] =	ssyncset.done $0x0  }
0x1f: {  	[sflag:s12] =	ssyncadd.s32 $0xFFFEC000  }
0x20: {  	[tilespmem:s13], [sflag:$0x2] =	stream.linear.gather [hbm4b:s5+s3], $0x80, $0x38;
	[tilespmem:$0x1D100] =	vst v63  }
0x21: {  	_ =	swait.ge [sflag:s12], $0x80  }
0x22: {  	[sflag:s12] =	ssyncset.done $0x0  }
0x23: {  	[sflag:s12] =	ssyncadd.s32 $0xFFFFFF80  }
0x24: {  	[bflag:$0x0] =	sbarrier.arrive $0xFFFF  }
0x25: {  	[tilespmem:s14], [sflag:$0x1] =	stream.linear.gather [hbm4b:s7+s3], $0x80, $0x38;
	[tilespmem:$0x1D100] =	vst v63  }
0x26: {  	_ =	swait.ge [sflag:s15], $0x80  }
0x27: {  	[sflag:s15] =	ssyncset.done $0x0  }
0x28: {  	s20 =	sadd.s32 $0x30, s10;
	s29 =	simm.s32 $0x20;
	[sflag:s15] =	ssyncadd.s32 $0xFFFFFF80  }
0x29: {  	[spmem:s1] =	stream.indirect.scatter.add.f32 [tilespmem:s17], [sflag:$0x2], $0x10, s13, s16, $0xb8;
	[tilespmem:$0x1D100] =	vst v63  }
0x2a: {  	s22 =	sadd.s32 $0xFFFFFFF0, s20;
	s21 =	sand.u32 $0x60, s29;
	_ =	swait.ge [sflag:s12], $0x800  }
0x2b: {  	s22 =	sand.u32 $0xFFFFF80, s22;
	s21 =	sadd.s32 s4, s21;
	[sflag:s12] =	ssyncset.done $0x0  }
0x2c: {  	s21 =	sadd.s32 s22, s21;
	[sflag:s12] =	ssyncadd.s32 $0xFFFFF800  }
0x2d: {  	[tilespmem:s13], [sflag:$0x1] =	stream.linear.gather [hbm4b:s21+s3], $0x80, $0x38;
	[tilespmem:$0x1D100] =	vst v63  }
0x2e: {  	_ =	swait.ge [sflag:s15], $0x80  }
0x2f: {  	[sflag:s15] =	ssyncset.done $0x0  }
0x30: {  	s30 =	simm.s32 $0x30;
	[sflag:s15] =	ssyncadd.s32 $0xFFFFFF80  }
0x31: {  	[spmem:s1] =	stream.indirect.scatter.add.f32 [tilespmem:s17], [sflag:$0x2], $0x10, s14, s16, $0xb8;
	[tilespmem:$0x1D100] =	vst v63  }
0x32: {  	s21 =	sand.u32 $0x70, s30;
	_ =	swait.ge [sflag:s12], $0x800  }
0x33: {  	s31 =	sand.u32 $0xFFFFF80, s20;
	s21 =	sadd.s32 s4, s21;
	[sflag:s12] =	ssyncset.done $0x0  }
0x34: {  	s20 =	simm.s32 $0x50;
	s21 =	sadd.s32 s31, s21;
	[sflag:s12] =	ssyncadd.s32 $0xFFFFF800  }
.LBB2_6:
0x35: {  	[tilespmem:s14], [sflag:$0x1] =	stream.linear.gather [hbm4b:s21+s3], $0x80, $0x38;
	[tilespmem:$0x1D100] =	vst v63  }
0x36: {  	s21 =	smov.u32 s20  }
0x37: {  	p0 =	sne.s32 s20, $0x270;
	s20 =	sadd.s32 $0x20, s20;
	_ =	swait.ge [sflag:s15], $0x80  }
0x38: {  	[sflag:s15] =	ssyncset.done $0x0  }
0x39: {  	s22 =	sadd.s32 s21, s10;
	s23 =	sadd.s32 $0xFFFFFFF0, s21;
	[sflag:s15] =	ssyncadd.s32 $0xFFFFFF80  }
0x3a: {  	[spmem:s1] =	stream.indirect.scatter.add.f32 [tilespmem:s17], [sflag:$0x2], $0x10, s13, s16, $0xb8;
	[tilespmem:$0x1D100] =	vst v63  }
0x3b: {  	s24 =	sadd.s32 $0xFFFFFFF0, s22;
	s23 =	sand.u32 $0x60, s23;
	_ =	swait.ge [sflag:s12], $0x800  }
0x3c: {  	s24 =	sand.u32 $0xFFFFF80, s24;
	s23 =	sadd.s32 s4, s23;
	[sflag:s12] =	ssyncset.done $0x0  }
0x3d: {  	s22 =	sand.u32 $0xFFFFF80, s22;
	s23 =	sadd.s32 s24, s23;
	[sflag:s12] =	ssyncadd.s32 $0xFFFFF800  }
0x3e: {  	[tilespmem:s13], [sflag:$0x1] =	stream.linear.gather [hbm4b:s23+s3], $0x80, $0x38;
	[tilespmem:$0x1D100] =	vst v63  }
0x3f: {  	_ =	swait.ge [sflag:s15], $0x80  }
0x40: {  	[sflag:s15] =	ssyncset.done $0x0  }
.Ltmp2:
0x41: {  	[sflag:s15] =	ssyncadd.s32 $0xFFFFFF80;
	(pc) =	sbr.rel @p0 .LBB2_6-.Ltmp2, $4  }
0x42: {  	[spmem:s1] =	stream.indirect.scatter.add.f32 [tilespmem:s17], [sflag:$0x2], $0x10, s14, s16, $0xb8;
	[tilespmem:$0x1D100] =	vst v63  }
0x43: {  	s21 =	sand.u32 $0x70, s21;
	_ =	swait.ge [sflag:s12], $0x800  }
0x44: {  	s21 =	sadd.s32 s4, s21;
	[sflag:s12] =	ssyncset.done $0x0  }
0x45: {  	s21 =	sadd.s32 s22, s21;
	[sflag:s12] =	ssyncadd.s32 $0xFFFFF800  }
0x46: {  	[tilespmem:s14], [sflag:$0x1] =	stream.linear.gather [hbm4b:s21+s3], $0x80, $0x38;
	[tilespmem:$0x1D100] =	vst v63  }
0x47: {  	_ =	swait.ge [sflag:s15], $0x80  }
0x48: {  	[sflag:s15] =	ssyncset.done $0x0  }
0x49: {  	[sflag:s15] =	ssyncadd.s32 $0xFFFFFF80  }
0x4a: {  	[spmem:s1] =	stream.indirect.scatter.add.f32 [tilespmem:s17], [sflag:$0x2], $0x10, s13, s16, $0xb8;
	[tilespmem:$0x1D100] =	vst v63  }
0x4b: {  	_ =	swait.ge [sflag:s12], $0x800  }
0x4c: {  	[sflag:s12] =	ssyncset.done $0x0  }
0x4d: {  	s20 =	simm.s32 $0x0;
	[sflag:s12] =	ssyncadd.s32 $0xFFFFF800  }
0x4e: {  	[tilespmem:s13], [sflag:$0x1] =	stream.linear.gather [hbm4b:s5+s20], $0x80, $0x38;
	[tilespmem:$0x1D100] =	vst v63  }
0x4f: {  	_ =	swait.ge [sflag:s15], $0x80  }
0x50: {  	[sflag:s15] =	ssyncset.done $0x0  }
0x51: {  	[sflag:s15] =	ssyncadd.s32 $0xFFFFFF80  }
0x52: {  	[spmem:s1] =	stream.indirect.scatter.add.f32 [tilespmem:s17], [sflag:$0x2], $0x10, s14, s16, $0xb8;
	[tilespmem:$0x1D100] =	vst v63  }
0x53: {  	_ =	swait.ge [sflag:s12], $0x800  }
0x54: {  	[sflag:s12] =	ssyncset.done $0x0  }
0x55: {  	[sflag:s12] =	ssyncadd.s32 $0xFFFFF800  }
0x56: {  	[tilespmem:s14], [sflag:$0x1] =	stream.linear.gather [hbm4b:s7+s20], $0x80, $0x38;
	[tilespmem:$0x1D100] =	vst v63  }
0x57: {  	_ =	swait.ge [sflag:s15], $0x80  }
0x58: {  	[sflag:s15] =	ssyncset.done $0x0  }
0x59: {  	[sflag:s15] =	ssyncadd.s32 $0xFFFFFF80  }
0x5a: {  	s30 =	simm.s32 $0x6900;
	[bflag:$0x0] =	sbarrier.arrive $0xFFFF  }
0x5b: {  	[tilespmem:s30], [sflag:$0x2] =	stream.linear.gather [spmem:s6], $0x14000, $0x38;
	[tilespmem:$0x1D100] =	vst v63  }
0x5c: {  	_ =	swait.ge [sflag:s12], $0x14000  }
0x5d: {  	[sflag:s12] =	ssyncset.done $0x0  }
0x5e: {  	[sflag:s12] =	ssyncadd.s32 $0xFFFEC000  }
0x5f: {  	v2 =	vld [tilespmem:s30+$0x0];
	_ =	sdelay $0x1  }
0x60: {  	s31 =	sand.u32 $0xFE00, s20  }
0x61: {  	s22 =	sand.u32 $0x70, s20;
	s21 =	sshrl.u32 s31, $0x2  }
0x62: {  	s22 =	sor.u32 s22, s21  }
0x63: {  	s21 =	simm.s32 $0x40;
	[tilespmem:s22+$0x1A900] =	vst v2;
	s22 =	simm.s32 $0x6980  }
.LBB2_8:
0x64: {  	v2 =	vld [tilespmem:s22+$0x0];
	p0 =	sne.s32 s21, $0x9FC0;
	s23 =	smov.u32 s21;
	s21 =	sadd.s32 $0x40, s21  }
.Ltmp3:
0x65: {  	(pc) =	sbr.rel @p0 .LBB2_8-.Ltmp3, $4  }
0x66: {  	s20 =	sadd.s32 $0x10, s20;
	s23 =	sand.u32 $0xFE00, s23  }
0x67: {  	s24 =	sand.u32 $0x70, s20;
	s23 =	sshrl.u32 s23, $0x2  }
0x68: {  	s23 =	sor.u32 s24, s23  }
0x69: {  	s22 =	sadd.s32 $0x80, s22;
	[tilespmem:s23+$0x1A900] =	vst v2  }
0x6a: {  	s19 =	sadd.s32 $0x1, s19  }
0x6b: {  	p0 =	sne.s32 s19, s9  }
.Ltmp4:
0x6c: {  	_ = 	snop;
	(pc) =	sbr.rel @p0 .LBB2_1-.Ltmp4, $4  }
0x6d: {  	[hbm4b:s8+s3] =	stream.linear.scatter [tilespmem:s18], [sflag:$0x2], $0x2800, $0x38;
	[tilespmem:$0x1D100] =	vst v63  }
0x6e: {  	_ =	swait.ge [sflag:s12], $0x2800  }
0x6f: {  	[sflag:s12] =	ssyncset.done $0x0  }
0x70: {  	[sflag:s12] =	ssyncadd.s32 $0xFFFFD800  }
0x71: {  	_ =	sfence.sel $0x180000  }
0x72: {  	[bflag:$0x0] =	sbarrier.arrive $0xFFFF  }
0x73: {  	p0 =	sne.s32 s2, $0x0;
	_ =	strace $0x90000047  }
0x74: {  	s0 =	sadd.s32 @!p0 $0x100000, s0;
	[bflag:$0x2] =	sbarrier.arrive $0xFFFF  }
0x75: {  	[sflag:s0] =	ssyncadd.tile.s32 @!p0 $0x1;
	_ =	shalt  }
.Lfunc_end2:
_tile_overlayer_lowered:
.L_overlay_start_2:
0x76: {  	(tag) =	ssettag $0x2  }
0x77: {  	s0 =	rddreg [dreg:$0x0];
	s2 =	stileid.u32  }
0x78: {  	s1 =	rddreg [dreg:$0x1];
	p0 =	sne.s32 s2, $0x0  }
0x79: {  	s3 =	rddreg [dreg:$0x2];
	[bflag:$0x3] =	sbarrier.arrive $0xFFFF;
	s2 =	simm.s32 @!p0 $0x1C02  }
0x7a: {  	[timem:s3], [sflag:s2] =	dma.local @!p0 [hbm:s0], s1  }
0x7b: {  	s0 =	simm.s32 @!p0 $0x2  }
0x7c: {  	_ =	swait.ge @!p0 [sflag:s0], s1  }
0x7d: {  	s1 =	ssub.s32 @!p0 $0x0, s1;
	[sflag:s0] =	ssyncset.done @!p0 $0x0  }
0x7e: {  	[sflag:s0] =	ssyncadd.s32 @!p0 s1  }
0x7f: {  	[bflag:$0x3] =	sbarrier.arrive $0xFFFF  }
0x80: {  	_ =	shalt  }

</sc_bundles>
